<compile_context>
chip_gen: v7x
topology: tpu7x:2x2x1
jax: 0.10.2.dev20260603
libtpu: 0.0.44.dev20260713+nightly
codegen_flags: <defaults>
</compile_context>

<pallas_src>
import functools

import numpy as np
import jax
import jax.numpy as jnp
from jax import lax
from jax.experimental import pallas as pl
from jax.experimental.pallas import tpu as pltpu
from jax.experimental.pallas import tpu_sc as plsc

D_MODEL = 768
N_VOCAB = 100000
SEQ = 4096
BATCH = 4
N_ROWS = SEQ * BATCH
SCALE = float(np.sqrt(np.float32(D_MODEL)))

NC, NS = 2, 16
NW = NC * NS
B_PER_W = N_ROWS // NW
CHUNK = 32
N_CHUNKS = B_PER_W // CHUNK
POS_PER_CHUNK = CHUNK // BATCH
LANES = 16
N_VEC = D_MODEL // LANES
NBUF = 4
PREFETCH = 2
DRAIN_LAG = NBUF - PREFETCH
GRP = 8


@functools.lru_cache(maxsize=None)
def _pe_tables():
    position = np.arange(0, SEQ, dtype=np.float32)[:, None]
    two_i = np.arange(0, D_MODEL, 2, dtype=np.float32)
    div_term = np.exp(two_i * -(np.log(10000.0) / D_MODEL))
    enc = np.zeros((SEQ, D_MODEL), dtype=np.float32)
    enc[:, 0::2] = np.sin(position * div_term)
    enc[:, 1::2] = np.cos(position * div_term)

    base = enc[0::GRP]
    baseswap = base.reshape(-1, D_MODEL // 2, 2)[:, :, ::-1].reshape(-1, D_MODEL)
    bs = np.stack([base, baseswap], axis=1).copy()

    freq = np.repeat(div_term, 2)
    d = np.arange(GRP, dtype=np.float32)[:, None]
    cos_d = np.cos(d * freq[None, :]).astype(np.float32)
    sign = np.where(np.arange(D_MODEL) % 2 == 0, 1.0, -1.0).astype(np.float32)
    sin_d = (np.sin(d * freq[None, :]) * sign[None, :]).astype(np.float32)
    ab = np.stack([cos_d, sin_d], axis=1).copy()
    return bs, ab


@functools.partial(
    pl.kernel,
    out_type=jax.ShapeDtypeStruct((SEQ, BATCH, D_MODEL), jnp.float32),
    mesh=plsc.VectorSubcoreMesh(
        core_axis_name="c", subcore_axis_name="s", num_cores=NC
    ),
    scratch_types=[
        pltpu.VMEM((N_CHUNKS, CHUNK), jnp.int32),
        pltpu.VMEM((NBUF, CHUNK, D_MODEL), jnp.float32),
        pltpu.VMEM((NBUF, 2, D_MODEL), jnp.float32),
        pltpu.VMEM((GRP, 2, D_MODEL), jnp.float32),
        pltpu.SemaphoreType.DMA,
        pltpu.SemaphoreType.DMA,
        pltpu.SemaphoreType.DMA,
    ],
)
def _emb_pe_kernel(
    x_hbm, w_hbm, bs_hbm, ab_hbm, out_hbm,
    idx_v, emb_v, bsrow_v, ab_v, gsem, psem, osem,
):
    wid = lax.axis_index("s") * NC + lax.axis_index("c")
    pos_base = wid * (B_PER_W // BATCH)
    grp_base = pos_base // GRP
    pltpu.sync_copy(x_hbm.at[wid], idx_v)
    pltpu.sync_copy(ab_hbm, ab_v)

    def issue_fetch(c):
        b = lax.rem(c, NBUF)
        pltpu.async_copy(w_hbm.at[idx_v.at[c]], emb_v.at[b], gsem)
        pltpu.async_copy(
            bs_hbm.at[grp_base + lax.div(c * POS_PER_CHUNK, GRP)],
            bsrow_v.at[b],
            psem,
        )

    def drain_out_chunk():
        for _ in range(POS_PER_CHUNK):
            pltpu.make_async_copy(
                emb_v.at[0, pl.ds(0, BATCH)], out_hbm.at[0], osem
            ).wait()

    for k in range(PREFETCH):
        issue_fetch(k)

    @pl.loop(0, N_CHUNKS)
    def _chunk_loop(c):
        b = lax.rem(c, NBUF)

        @pl.when(c + PREFETCH < N_CHUNKS)
        def _prefetch_next():
            @pl.when(c >= DRAIN_LAG)
            def _free_buf():
                drain_out_chunk()

            issue_fetch(c + PREFETCH)

        pltpu.make_async_copy(w_hbm.at[idx_v.at[c]], emb_v.at[b], gsem).wait()
        pltpu.make_async_copy(bs_hbm.at[0], bsrow_v.at[b], psem).wait()

        d0 = lax.rem(c * POS_PER_CHUNK, GRP)

        @plsc.parallel_loop(0, N_VEC)
        def _fma_pass(j):
            off = j * LANES
            base_vec = bsrow_v[b, 0, pl.ds(off, LANES)]
            swap_vec = bsrow_v[b, 1, pl.ds(off, LANES)]
            for pp in range(POS_PER_CHUNK):
                pe_vec = (
                    base_vec * ab_v[d0 + pp, 0, pl.ds(off, LANES)]
                    + swap_vec * ab_v[d0 + pp, 1, pl.ds(off, LANES)]
                )
                for bb in range(BATCH):
                    r = pp * BATCH + bb
                    emb_v[b, r, pl.ds(off, LANES)] = (
                        emb_v[b, r, pl.ds(off, LANES)] * SCALE + pe_vec
                    )

        s0 = pos_base + c * POS_PER_CHUNK
        for i in range(POS_PER_CHUNK):
            pltpu.async_copy(
                emb_v.at[b, pl.ds(i * BATCH, BATCH)], out_hbm.at[s0 + i], osem
            )

    for _ in range(NBUF):
        drain_out_chunk()


def kernel(x, W):
    xf = x.astype(jnp.int32).reshape(NW, N_CHUNKS, CHUNK)
    bs, ab = _pe_tables()
    return _emb_pe_kernel(xf, W, jnp.asarray(bs), jnp.asarray(ab))

# --- scband reference (transcript-rebuilt; emitter-appended) ---
"""Pipeline reference for scband-embeddings-with-positional-encoding-78211354460574 (READ-ONLY COPY).

The authoritative reference and input builder live on the scoring server;
editing this copy changes nothing except your own understanding.
"""

import jax, jax.numpy as jnp
import numpy as np

D_MODEL = 768
N_VOCAB = 100000
MAX_LEN = 8192


def get_positional_encoding(d_model, max_len):
    position = np.arange(0, max_len, dtype=np.float32)[:, None]
    two_i = np.arange(0, d_model, 2, dtype=np.float32)
    div_term = np.exp(two_i * -(np.log(10000.0) / d_model))
    enc = np.zeros((max_len, d_model), dtype=np.float32)
    enc[:, 0::2] = np.sin(position * div_term)
    enc[:, 1::2] = np.cos(position * div_term)
    return jnp.asarray(enc[:, None, :])  # [max_len, 1, d_model]

PE = get_positional_encoding(D_MODEL, MAX_LEN)


def setup_inputs(seed: int = 0) -> dict:
    key = jax.random.key(seed)
    k1, k2 = jax.random.split(key)
    x = jax.random.randint(k1, (4096, 4), 0, N_VOCAB, dtype=jnp.int64) if jax.config.jax_enable_x64 else jax.random.randint(k1, (4096, 4), 0, N_VOCAB, dtype=jnp.int32)
    W = jax.random.normal(k2, (N_VOCAB, D_MODEL), dtype=jnp.float32)
    return {"x": x, "W": W}


def reference(x, W):
    # Embedding lookup (gather), scale by sqrt(d_model), add positional encoding buffer.
    emb = jnp.take(W, x, axis=0)  # [seq_len, batch, d_model]
    pe = PE[: x.shape[0]]          # [seq_len, 1, d_model], broadcasts over batch
    return emb * jnp.sqrt(jnp.float32(D_MODEL)) + pe

if __name__ == "__main__":
    import jax
    _d = setup_inputs()
    print(jax.jit(kernel)(*tuple(_d.values())))

</pallas_src>

<mosaic_0001>
#map = affine_map<(d0, d1) -> (0, 0, 0)>
#map1 = affine_map<(d0, d1) -> (0, 0)>
module attributes {stable_mosaic.version = 14 : i64} {
  func.func @_emb_pe_kernel(%arg0: i32, %arg1: i32, %arg2: memref<32x16x32xi32, #tpu.memory_space<hbm>>, %arg3: memref<100000x768xf32, #tpu.memory_space<hbm>>, %arg4: memref<512x2x768xf32, #tpu.memory_space<hbm>>, %arg5: memref<8x2x768xf32, #tpu.memory_space<hbm>>, %arg6: memref<4096x4x768xf32, #tpu.memory_space<hbm>>, %arg7: memref<16x32xi32, #tpu.memory_space<vmem>>, %arg8: memref<4x32x768xf32, #tpu.memory_space<vmem>>, %arg9: memref<4x2x768xf32, #tpu.memory_space<vmem>>, %arg10: memref<8x2x768xf32, #tpu.memory_space<vmem>>, %arg11: memref<!tpu.dma_semaphore, #tpu.memory_space<semaphore_mem>>, %arg12: memref<!tpu.dma_semaphore, #tpu.memory_space<semaphore_mem>>, %arg13: memref<!tpu.dma_semaphore, #tpu.memory_space<semaphore_mem>>) attributes {dimension_semantics = [#tpu.dimension_semantics<core_parallel>, #tpu.dimension_semantics<subcore_parallel>], iteration_bounds = array<i64: 2, 16>, scalar_prefetch = 0 : i64, scratch_operands = 7 : i64, tpu.core_type = #tpu.core_type<sc_vector_subcore>, window_params = [{transform_indices = #map}, {transform_indices = #map1}, {transform_indices = #map}, {transform_indices = #map}, {transform_indices = #map}]} {
    %mul3A = arith.constant 2 : i32
    %mul3A_0 = arith.muli %arg1, %mul3A : i32
    %add3A = arith.addi %mul3A_0, %arg0 : i32
    %mul3A_1 = arith.constant 128 : i32
    %mul3A_2 = arith.muli %add3A, %mul3A_1 : i32
    %jit3A = arith.constant 8 : i32
    %div3A = arith.divsi %mul3A_2, %jit3A : i32
    %sign3A = arith.constant 0 : i32
    %sign3A_3 = arith.cmpi sgt, %mul3A_2, %sign3A : i32
    %sign3A_4 = arith.extui %sign3A_3 : i1 to i32
    %sign3A_5 = arith.constant 0 : i32
    %sign3A_6 = arith.cmpi slt, %mul3A_2, %sign3A_5 : i32
    %sign3A_7 = arith.extui %sign3A_6 : i1 to i32
    %sign3A_8 = arith.subi %sign3A_4, %sign3A_7 : i32
    %sign3A_9 = arith.constant 0 : i32
    %sign3A_10 = arith.cmpi sgt, %jit3A, %sign3A_9 : i32
    %sign3A_11 = arith.extui %sign3A_10 : i1 to i32
    %sign3A_12 = arith.constant 0 : i32
    %sign3A_13 = arith.cmpi slt, %jit3A, %sign3A_12 : i32
    %sign3A_14 = arith.extui %sign3A_13 : i1 to i32
    %sign3A_15 = arith.subi %sign3A_11, %sign3A_14 : i32
    %ne3A = arith.cmpi ne, %sign3A_8, %sign3A_15 : i32
    %rem3A = arith.remsi %mul3A_2, %jit3A : i32
    %ne3A_16 = arith.constant 0 : i32
    %ne3A_17 = arith.cmpi ne, %rem3A, %ne3A_16 : i32
    %and3A = arith.andi %ne3A, %ne3A_17 : i1
    %sub3A = arith.constant 1 : i32
    %sub3A_18 = arith.subi %div3A, %sub3A : i32
    %select_n3A = arith.select %and3A, %sub3A_18, %div3A : i32
    "tpu.region"() ({
      %run_scoped3A = tpu.sem_alloc : memref<!tpu.dma_semaphore, #tpu.memory_space<semaphore_mem>>
      %dma_start3A_665 = arith.constant 0 : i32
      %dma_start3A_666 = arith.constant 0 : i32
      %dma_start3A_667 = tpu.memref_slice %arg2[%add3A, %dma_start3A_665, %dma_start3A_666] : memref<32x16x32xi32, #tpu.memory_space<hbm>> -> memref<1x16x32xi32, #tpu.memory_space<hbm>>
      %dma_start3A_668 = tpu.memref_squeeze %dma_start3A_667 : memref<1x16x32xi32, #tpu.memory_space<hbm>> -> memref<16x32xi32, #tpu.memory_space<hbm>>
      %dma_start3A_669 = arith.constant 0 : i32
      %dma_start3A_670 = arith.constant 0 : i32
      %dma_start3A_671 = tpu.memref_slice %arg2[%add3A, %dma_start3A_669, %dma_start3A_670] : memref<32x16x32xi32, #tpu.memory_space<hbm>> -> memref<1x16x32xi32, #tpu.memory_space<hbm>>
      %dma_start3A_672 = tpu.memref_squeeze %dma_start3A_671 : memref<1x16x32xi32, #tpu.memory_space<hbm>> -> memref<16x32xi32, #tpu.memory_space<hbm>>
      tpu.enqueue_dma source(%dma_start3A_672 : memref<16x32xi32, #tpu.memory_space<hbm>>) target(%arg7 : memref<16x32xi32, #tpu.memory_space<vmem>>) target_semaphore(%run_scoped3A : memref<!tpu.dma_semaphore, #tpu.memory_space<semaphore_mem>>)
      %dma_wait3A_673 = arith.constant 0 : i32
      %dma_wait3A_674 = arith.constant 0 : i32
      %dma_wait3A_675 = tpu.memref_slice %arg2[%add3A, %dma_wait3A_673, %dma_wait3A_674] : memref<32x16x32xi32, #tpu.memory_space<hbm>> -> memref<1x16x32xi32, #tpu.memory_space<hbm>>
      %dma_wait3A_676 = tpu.memref_squeeze %dma_wait3A_675 : memref<1x16x32xi32, #tpu.memory_space<hbm>> -> memref<16x32xi32, #tpu.memory_space<hbm>>
      %dma_wait3A_677 = arith.constant 0 : i32
      %dma_wait3A_678 = arith.constant 0 : i32
      %dma_wait3A_679 = tpu.memref_slice %arg2[%add3A, %dma_wait3A_677, %dma_wait3A_678] : memref<32x16x32xi32, #tpu.memory_space<hbm>> -> memref<1x16x32xi32, #tpu.memory_space<hbm>>
      %dma_wait3A_680 = tpu.memref_squeeze %dma_wait3A_679 : memref<1x16x32xi32, #tpu.memory_space<hbm>> -> memref<16x32xi32, #tpu.memory_space<hbm>>
      tpu.wait_dma2 semaphore(%run_scoped3A : memref<!tpu.dma_semaphore, #tpu.memory_space<semaphore_mem>>) src(%dma_wait3A_680 : memref<16x32xi32, #tpu.memory_space<hbm>>) dst(%arg7 : memref<16x32xi32, #tpu.memory_space<vmem>>)
      tpu.yield
    }) : () -> ()
    "tpu.region"() ({
      %run_scoped3A = tpu.sem_alloc : memref<!tpu.dma_semaphore, #tpu.memory_space<semaphore_mem>>
      tpu.enqueue_dma source(%arg5 : memref<8x2x768xf32, #tpu.memory_space<hbm>>) target(%arg10 : memref<8x2x768xf32, #tpu.memory_space<vmem>>) target_semaphore(%run_scoped3A : memref<!tpu.dma_semaphore, #tpu.memory_space<semaphore_mem>>)
      tpu.wait_dma2 semaphore(%run_scoped3A : memref<!tpu.dma_semaphore, #tpu.memory_space<semaphore_mem>>) src(%arg5 : memref<8x2x768xf32, #tpu.memory_space<hbm>>) dst(%arg10 : memref<8x2x768xf32, #tpu.memory_space<vmem>>)
      tpu.yield
    }) : () -> ()
    %rem3A_19 = arith.constant 0 : i32
    %rem3A_20 = arith.constant 4 : i32
    %rem3A_21 = arith.remsi %rem3A_19, %rem3A_20 : i32
    %dma_start3A = arith.constant 0 : i32
    %dma_start3A_22 = arith.constant 0 : i32
    %dma_start3A_23 = arith.constant 0 : i32
    %dma_start3A_24 = tpu.memref_slice %arg8[%rem3A_21, %dma_start3A_22, %dma_start3A_23] : memref<4x32x768xf32, #tpu.memory_space<vmem>> -> memref<1x32x768xf32, #tpu.memory_space<vmem>>
    %dma_start3A_25 = tpu.memref_squeeze %dma_start3A_24 : memref<1x32x768xf32, #tpu.memory_space<vmem>> -> memref<32x768xf32, #tpu.memory_space<vmem>>
    %dma_start3A_26 = arith.constant 0 : i32
    %dma_start3A_27 = tpu.memref_slice %arg7[%dma_start3A, %dma_start3A_26] : memref<16x32xi32, #tpu.memory_space<vmem>> -> memref<1x32xi32, #tpu.memory_space<vmem>>
    %dma_start3A_28 = tpu.memref_squeeze %dma_start3A_27 : memref<1x32xi32, #tpu.memory_space<vmem>> -> memref<32xi32, #tpu.memory_space<vmem>>
    %dma_start3A_29 = arith.constant 0 : i32
    %dma_start3A_30 = arith.constant 0 : i32
    %dma_start3A_31 = tpu.memref_slice %arg3[%dma_start3A_29, %dma_start3A_30] : memref<100000x768xf32, #tpu.memory_space<hbm>> -> memref<100000x768xf32, #tpu.memory_space<hbm>>
    tpu.enqueue_indirect_dma source(%dma_start3A_31 : memref<100000x768xf32, #tpu.memory_space<hbm>>) target(%dma_start3A_25 : memref<32x768xf32, #tpu.memory_space<vmem>>) offsets(%dma_start3A_28 : memref<32xi32, #tpu.memory_space<vmem>>) semaphore(%arg11 : memref<!tpu.dma_semaphore, #tpu.memory_space<semaphore_mem>>)
    %div3A_32 = arith.constant 0 : i32
    %div3A_33 = arith.constant 8 : i32
    %div3A_34 = arith.divsi %div3A_32, %div3A_33 : i32
    %add3A_35 = arith.addi %select_n3A, %div3A_34 : i32
    %dma_start3A_36 = arith.constant 0 : i32
    %dma_start3A_37 = arith.constant 0 : i32
    %dma_start3A_38 = tpu.memref_slice %arg9[%rem3A_21, %dma_start3A_36, %dma_start3A_37] : memref<4x2x768xf32, #tpu.memory_space<vmem>> -> memref<1x2x768xf32, #tpu.memory_space<vmem>>
    %dma_start3A_39 = tpu.memref_squeeze %dma_start3A_38 : memref<1x2x768xf32, #tpu.memory_space<vmem>> -> memref<2x768xf32, #tpu.memory_space<vmem>>
    %dma_start3A_40 = arith.constant 0 : i32
    %dma_start3A_41 = arith.constant 0 : i32
    %dma_start3A_42 = tpu.memref_slice %arg4[%add3A_35, %dma_start3A_40, %dma_start3A_41] : memref<512x2x768xf32, #tpu.memory_space<hbm>> -> memref<1x2x768xf32, #tpu.memory_space<hbm>>
    %dma_start3A_43 = tpu.memref_squeeze %dma_start3A_42 : memref<1x2x768xf32, #tpu.memory_space<hbm>> -> memref<2x768xf32, #tpu.memory_space<hbm>>
    %dma_start3A_44 = arith.constant 0 : i32
    %dma_start3A_45 = arith.constant 0 : i32
    %dma_start3A_46 = tpu.memref_slice %arg9[%rem3A_21, %dma_start3A_44, %dma_start3A_45] : memref<4x2x768xf32, #tpu.memory_space<vmem>> -> memref<1x2x768xf32, #tpu.memory_space<vmem>>
    %dma_start3A_47 = tpu.memref_squeeze %dma_start3A_46 : memref<1x2x768xf32, #tpu.memory_space<vmem>> -> memref<2x768xf32, #tpu.memory_space<vmem>>
    %dma_start3A_48 = arith.constant 0 : i32
    %dma_start3A_49 = arith.constant 0 : i32
    %dma_start3A_50 = tpu.memref_slice %arg4[%add3A_35, %dma_start3A_48, %dma_start3A_49] : memref<512x2x768xf32, #tpu.memory_space<hbm>> -> memref<1x2x768xf32, #tpu.memory_space<hbm>>
    %dma_start3A_51 = tpu.memref_squeeze %dma_start3A_50 : memref<1x2x768xf32, #tpu.memory_space<hbm>> -> memref<2x768xf32, #tpu.memory_space<hbm>>
    tpu.enqueue_dma source(%dma_start3A_51 : memref<2x768xf32, #tpu.memory_space<hbm>>) target(%dma_start3A_47 : memref<2x768xf32, #tpu.memory_space<vmem>>) target_semaphore(%arg12 : memref<!tpu.dma_semaphore, #tpu.memory_space<semaphore_mem>>)
    %rem3A_52 = arith.constant 1 : i32
    %rem3A_53 = arith.constant 4 : i32
    %rem3A_54 = arith.remsi %rem3A_52, %rem3A_53 : i32
    %dma_start3A_55 = arith.constant 1 : i32
    %dma_start3A_56 = arith.constant 0 : i32
    %dma_start3A_57 = arith.constant 0 : i32
    %dma_start3A_58 = tpu.memref_slice %arg8[%rem3A_54, %dma_start3A_56, %dma_start3A_57] : memref<4x32x768xf32, #tpu.memory_space<vmem>> -> memref<1x32x768xf32, #tpu.memory_space<vmem>>
    %dma_start3A_59 = tpu.memref_squeeze %dma_start3A_58 : memref<1x32x768xf32, #tpu.memory_space<vmem>> -> memref<32x768xf32, #tpu.memory_space<vmem>>
    %dma_start3A_60 = arith.constant 0 : i32
    %dma_start3A_61 = tpu.memref_slice %arg7[%dma_start3A_55, %dma_start3A_60] : memref<16x32xi32, #tpu.memory_space<vmem>> -> memref<1x32xi32, #tpu.memory_space<vmem>>
    %dma_start3A_62 = tpu.memref_squeeze %dma_start3A_61 : memref<1x32xi32, #tpu.memory_space<vmem>> -> memref<32xi32, #tpu.memory_space<vmem>>
    %dma_start3A_63 = arith.constant 0 : i32
    %dma_start3A_64 = arith.constant 0 : i32
    %dma_start3A_65 = tpu.memref_slice %arg3[%dma_start3A_63, %dma_start3A_64] : memref<100000x768xf32, #tpu.memory_space<hbm>> -> memref<100000x768xf32, #tpu.memory_space<hbm>>
    tpu.enqueue_indirect_dma source(%dma_start3A_65 : memref<100000x768xf32, #tpu.memory_space<hbm>>) target(%dma_start3A_59 : memref<32x768xf32, #tpu.memory_space<vmem>>) offsets(%dma_start3A_62 : memref<32xi32, #tpu.memory_space<vmem>>) semaphore(%arg11 : memref<!tpu.dma_semaphore, #tpu.memory_space<semaphore_mem>>)
    %div3A_66 = arith.constant 8 : i32
    %div3A_67 = arith.constant 8 : i32
    %div3A_68 = arith.divsi %div3A_66, %div3A_67 : i32
    %add3A_69 = arith.addi %select_n3A, %div3A_68 : i32
    %dma_start3A_70 = arith.constant 0 : i32
    %dma_start3A_71 = arith.constant 0 : i32
    %dma_start3A_72 = tpu.memref_slice %arg9[%rem3A_54, %dma_start3A_70, %dma_start3A_71] : memref<4x2x768xf32, #tpu.memory_space<vmem>> -> memref<1x2x768xf32, #tpu.memory_space<vmem>>
    %dma_start3A_73 = tpu.memref_squeeze %dma_start3A_72 : memref<1x2x768xf32, #tpu.memory_space<vmem>> -> memref<2x768xf32, #tpu.memory_space<vmem>>
    %dma_start3A_74 = arith.constant 0 : i32
    %dma_start3A_75 = arith.constant 0 : i32
    %dma_start3A_76 = tpu.memref_slice %arg4[%add3A_69, %dma_start3A_74, %dma_start3A_75] : memref<512x2x768xf32, #tpu.memory_space<hbm>> -> memref<1x2x768xf32, #tpu.memory_space<hbm>>
    %dma_start3A_77 = tpu.memref_squeeze %dma_start3A_76 : memref<1x2x768xf32, #tpu.memory_space<hbm>> -> memref<2x768xf32, #tpu.memory_space<hbm>>
    %dma_start3A_78 = arith.constant 0 : i32
    %dma_start3A_79 = arith.constant 0 : i32
    %dma_start3A_80 = tpu.memref_slice %arg9[%rem3A_54, %dma_start3A_78, %dma_start3A_79] : memref<4x2x768xf32, #tpu.memory_space<vmem>> -> memref<1x2x768xf32, #tpu.memory_space<vmem>>
    %dma_start3A_81 = tpu.memref_squeeze %dma_start3A_80 : memref<1x2x768xf32, #tpu.memory_space<vmem>> -> memref<2x768xf32, #tpu.memory_space<vmem>>
    %dma_start3A_82 = arith.constant 0 : i32
    %dma_start3A_83 = arith.constant 0 : i32
    %dma_start3A_84 = tpu.memref_slice %arg4[%add3A_69, %dma_start3A_82, %dma_start3A_83] : memref<512x2x768xf32, #tpu.memory_space<hbm>> -> memref<1x2x768xf32, #tpu.memory_space<hbm>>
    %dma_start3A_85 = tpu.memref_squeeze %dma_start3A_84 : memref<1x2x768xf32, #tpu.memory_space<hbm>> -> memref<2x768xf32, #tpu.memory_space<hbm>>
    tpu.enqueue_dma source(%dma_start3A_85 : memref<2x768xf32, #tpu.memory_space<hbm>>) target(%dma_start3A_81 : memref<2x768xf32, #tpu.memory_space<vmem>>) target_semaphore(%arg12 : memref<!tpu.dma_semaphore, #tpu.memory_space<semaphore_mem>>)
    %scan3A = arith.constant 0 : i32
    %scan3A_86 = arith.constant 16 : i32
    %scan3A_87 = arith.addi %scan3A, %scan3A_86 : i32
    %scan3A_88 = arith.constant 1 : i32
    scf.for %scan3A_665 = %scan3A to %scan3A_87 step %scan3A_88  : i32 {
      %mul3A_666 = arith.constant 1 : i32
      %mul3A_667 = arith.muli %scan3A_665, %mul3A_666 : i32
      %add3A_668 = arith.constant 0 : i32
      %add3A_669 = arith.addi %add3A_668, %mul3A_667 : i32
      %rem3A_670 = arith.constant 4 : i32
      %rem3A_671 = arith.remsi %add3A_669, %rem3A_670 : i32
      %add3A_672 = arith.constant 2 : i32
      %add3A_673 = arith.addi %add3A_669, %add3A_672 : i32
      %lt3A = arith.constant 16 : i32
      %lt3A_674 = arith.cmpi slt, %add3A_673, %lt3A : i32
      %convert_element_type3A = arith.extui %lt3A_674 : i1 to i32
      %cond3A = arith.constant 0 : i32
      %cond3A_675 = arith.cmpi ne, %convert_element_type3A, %cond3A : i32
      scf.if %cond3A_675 {
        %ge3A = arith.constant 2 : i32
        %ge3A_856 = arith.cmpi sge, %add3A_669, %ge3A : i32
        %convert_element_type3A_857 = arith.extui %ge3A_856 : i1 to i32
        %cond3A_858 = arith.constant 0 : i32
        %cond3A_859 = arith.cmpi ne, %convert_element_type3A_857, %cond3A_858 : i32
        scf.if %cond3A_859 {
          %dma_wait3A_895 = arith.constant 0 : i32
          %dma_wait3A_896 = arith.constant 0 : i32
          %dma_wait3A_897 = arith.constant 0 : i32
          %dma_wait3A_898 = arith.constant 0 : i32
          %dma_wait3A_899 = tpu.memref_slice %arg8[%dma_wait3A_895, %dma_wait3A_897, %dma_wait3A_898] : memref<4x32x768xf32, #tpu.memory_space<vmem>> -> memref<1x4x768xf32, #tpu.memory_space<vmem>>
          %dma_wait3A_900 = tpu.memref_squeeze %dma_wait3A_899 : memref<1x4x768xf32, #tpu.memory_space<vmem>> -> memref<4x768xf32, #tpu.memory_space<vmem>>
          %dma_wait3A_901 = arith.constant 0 : i32
          %dma_wait3A_902 = arith.constant 0 : i32
          %dma_wait3A_903 = tpu.memref_slice %arg6[%dma_wait3A_896, %dma_wait3A_901, %dma_wait3A_902] : memref<4096x4x768xf32, #tpu.memory_space<hbm>> -> memref<1x4x768xf32, #tpu.memory_space<hbm>>
          %dma_wait3A_904 = tpu.memref_squeeze %dma_wait3A_903 : memref<1x4x768xf32, #tpu.memory_space<hbm>> -> memref<4x768xf32, #tpu.memory_space<hbm>>
          %dma_wait3A_905 = arith.constant 0 : i32
          %dma_wait3A_906 = arith.constant 0 : i32
          %dma_wait3A_907 = tpu.memref_slice %arg6[%dma_wait3A_896, %dma_wait3A_905, %dma_wait3A_906] : memref<4096x4x768xf32, #tpu.memory_space<hbm>> -> memref<1x4x768xf32, #tpu.memory_space<hbm>>
          %dma_wait3A_908 = tpu.memref_squeeze %dma_wait3A_907 : memref<1x4x768xf32, #tpu.memory_space<hbm>> -> memref<4x768xf32, #tpu.memory_space<hbm>>
          %dma_wait3A_909 = arith.constant 0 : i32
          %dma_wait3A_910 = arith.constant 0 : i32
          %dma_wait3A_911 = tpu.memref_slice %arg8[%dma_wait3A_895, %dma_wait3A_909, %dma_wait3A_910] : memref<4x32x768xf32, #tpu.memory_space<vmem>> -> memref<1x4x768xf32, #tpu.memory_space<vmem>>
          %dma_wait3A_912 = tpu.memref_squeeze %dma_wait3A_911 : memref<1x4x768xf32, #tpu.memory_space<vmem>> -> memref<4x768xf32, #tpu.memory_space<vmem>>
          tpu.wait_dma2 semaphore(%arg13 : memref<!tpu.dma_semaphore, #tpu.memory_space<semaphore_mem>>) src(%dma_wait3A_912 : memref<4x768xf32, #tpu.memory_space<vmem>>) dst(%dma_wait3A_908 : memref<4x768xf32, #tpu.memory_space<hbm>>)
          %dma_wait3A_913 = arith.constant 0 : i32
          %dma_wait3A_914 = arith.constant 0 : i32
          %dma_wait3A_915 = arith.constant 0 : i32
          %dma_wait3A_916 = arith.constant 0 : i32
          %dma_wait3A_917 = tpu.memref_slice %arg8[%dma_wait3A_913, %dma_wait3A_915, %dma_wait3A_916] : memref<4x32x768xf32, #tpu.memory_space<vmem>> -> memref<1x4x768xf32, #tpu.memory_space<vmem>>
          %dma_wait3A_918 = tpu.memref_squeeze %dma_wait3A_917 : memref<1x4x768xf32, #tpu.memory_space<vmem>> -> memref<4x768xf32, #tpu.memory_space<vmem>>
          %dma_wait3A_919 = arith.constant 0 : i32
          %dma_wait3A_920 = arith.constant 0 : i32
          %dma_wait3A_921 = tpu.memref_slice %arg6[%dma_wait3A_914, %dma_wait3A_919, %dma_wait3A_920] : memref<4096x4x768xf32, #tpu.memory_space<hbm>> -> memref<1x4x768xf32, #tpu.memory_space<hbm>>
          %dma_wait3A_922 = tpu.memref_squeeze %dma_wait3A_921 : memref<1x4x768xf32, #tpu.memory_space<hbm>> -> memref<4x768xf32, #tpu.memory_space<hbm>>
          %dma_wait3A_923 = arith.constant 0 : i32
          %dma_wait3A_924 = arith.constant 0 : i32
          %dma_wait3A_925 = tpu.memref_slice %arg6[%dma_wait3A_914, %dma_wait3A_923, %dma_wait3A_924] : memref<4096x4x768xf32, #tpu.memory_space<hbm>> -> memref<1x4x768xf32, #tpu.memory_space<hbm>>
          %dma_wait3A_926 = tpu.memref_squeeze %dma_wait3A_925 : memref<1x4x768xf32, #tpu.memory_space<hbm>> -> memref<4x768xf32, #tpu.memory_space<hbm>>
          %dma_wait3A_927 = arith.constant 0 : i32
          %dma_wait3A_928 = arith.constant 0 : i32
          %dma_wait3A_929 = tpu.memref_slice %arg8[%dma_wait3A_913, %dma_wait3A_927, %dma_wait3A_928] : memref<4x32x768xf32, #tpu.memory_space<vmem>> -> memref<1x4x768xf32, #tpu.memory_space<vmem>>
          %dma_wait3A_930 = tpu.memref_squeeze %dma_wait3A_929 : memref<1x4x768xf32, #tpu.memory_space<vmem>> -> memref<4x768xf32, #tpu.memory_space<vmem>>
          tpu.wait_dma2 semaphore(%arg13 : memref<!tpu.dma_semaphore, #tpu.memory_space<semaphore_mem>>) src(%dma_wait3A_930 : memref<4x768xf32, #tpu.memory_space<vmem>>) dst(%dma_wait3A_926 : memref<4x768xf32, #tpu.memory_space<hbm>>)
          %dma_wait3A_931 = arith.constant 0 : i32
          %dma_wait3A_932 = arith.constant 0 : i32
          %dma_wait3A_933 = arith.constant 0 : i32
          %dma_wait3A_934 = arith.constant 0 : i32
          %dma_wait3A_935 = tpu.memref_slice %arg8[%dma_wait3A_931, %dma_wait3A_933, %dma_wait3A_934] : memref<4x32x768xf32, #tpu.memory_space<vmem>> -> memref<1x4x768xf32, #tpu.memory_space<vmem>>
          %dma_wait3A_936 = tpu.memref_squeeze %dma_wait3A_935 : memref<1x4x768xf32, #tpu.memory_space<vmem>> -> memref<4x768xf32, #tpu.memory_space<vmem>>
          %dma_wait3A_937 = arith.constant 0 : i32
          %dma_wait3A_938 = arith.constant 0 : i32
          %dma_wait3A_939 = tpu.memref_slice %arg6[%dma_wait3A_932, %dma_wait3A_937, %dma_wait3A_938] : memref<4096x4x768xf32, #tpu.memory_space<hbm>> -> memref<1x4x768xf32, #tpu.memory_space<hbm>>
          %dma_wait3A_940 = tpu.memref_squeeze %dma_wait3A_939 : memref<1x4x768xf32, #tpu.memory_space<hbm>> -> memref<4x768xf32, #tpu.memory_space<hbm>>
          %dma_wait3A_941 = arith.constant 0 : i32
          %dma_wait3A_942 = arith.constant 0 : i32
          %dma_wait3A_943 = tpu.memref_slice %arg6[%dma_wait3A_932, %dma_wait3A_941, %dma_wait3A_942] : memref<4096x4x768xf32, #tpu.memory_space<hbm>> -> memref<1x4x768xf32, #tpu.memory_space<hbm>>
          %dma_wait3A_944 = tpu.memref_squeeze %dma_wait3A_943 : memref<1x4x768xf32, #tpu.memory_space<hbm>> -> memref<4x768xf32, #tpu.memory_space<hbm>>
          %dma_wait3A_945 = arith.constant 0 : i32
          %dma_wait3A_946 = arith.constant 0 : i32
          %dma_wait3A_947 = tpu.memref_slice %arg8[%dma_wait3A_931, %dma_wait3A_945, %dma_wait3A_946] : memref<4x32x768xf32, #tpu.memory_space<vmem>> -> memref<1x4x768xf32, #tpu.memory_space<vmem>>
          %dma_wait3A_948 = tpu.memref_squeeze %dma_wait3A_947 : memref<1x4x768xf32, #tpu.memory_space<vmem>> -> memref<4x768xf32, #tpu.memory_space<vmem>>
          tpu.wait_dma2 semaphore(%arg13 : memref<!tpu.dma_semaphore, #tpu.memory_space<semaphore_mem>>) src(%dma_wait3A_948 : memref<4x768xf32, #tpu.memory_space<vmem>>) dst(%dma_wait3A_944 : memref<4x768xf32, #tpu.memory_space<hbm>>)
          %dma_wait3A_949 = arith.constant 0 : i32
          %dma_wait3A_950 = arith.constant 0 : i32
          %dma_wait3A_951 = arith.constant 0 : i32
          %dma_wait3A_952 = arith.constant 0 : i32
          %dma_wait3A_953 = tpu.memref_slice %arg8[%dma_wait3A_949, %dma_wait3A_951, %dma_wait3A_952] : memref<4x32x768xf32, #tpu.memory_space<vmem>> -> memref<1x4x768xf32, #tpu.memory_space<vmem>>
          %dma_wait3A_954 = tpu.memref_squeeze %dma_wait3A_953 : memref<1x4x768xf32, #tpu.memory_space<vmem>> -> memref<4x768xf32, #tpu.memory_space<vmem>>
          %dma_wait3A_955 = arith.constant 0 : i32
          %dma_wait3A_956 = arith.constant 0 : i32
          %dma_wait3A_957 = tpu.memref_slice %arg6[%dma_wait3A_950, %dma_wait3A_955, %dma_wait3A_956] : memref<4096x4x768xf32, #tpu.memory_space<hbm>> -> memref<1x4x768xf32, #tpu.memory_space<hbm>>
          %dma_wait3A_958 = tpu.memref_squeeze %dma_wait3A_957 : memref<1x4x768xf32, #tpu.memory_space<hbm>> -> memref<4x768xf32, #tpu.memory_space<hbm>>
          %dma_wait3A_959 = arith.constant 0 : i32
          %dma_wait3A_960 = arith.constant 0 : i32
          %dma_wait3A_961 = tpu.memref_slice %arg6[%dma_wait3A_950, %dma_wait3A_959, %dma_wait3A_960] : memref<4096x4x768xf32, #tpu.memory_space<hbm>> -> memref<1x4x768xf32, #tpu.memory_space<hbm>>
          %dma_wait3A_962 = tpu.memref_squeeze %dma_wait3A_961 : memref<1x4x768xf32, #tpu.memory_space<hbm>> -> memref<4x768xf32, #tpu.memory_space<hbm>>
          %dma_wait3A_963 = arith.constant 0 : i32
          %dma_wait3A_964 = arith.constant 0 : i32
          %dma_wait3A_965 = tpu.memref_slice %arg8[%dma_wait3A_949, %dma_wait3A_963, %dma_wait3A_964] : memref<4x32x768xf32, #tpu.memory_space<vmem>> -> memref<1x4x768xf32, #tpu.memory_space<vmem>>
          %dma_wait3A_966 = tpu.memref_squeeze %dma_wait3A_965 : memref<1x4x768xf32, #tpu.memory_space<vmem>> -> memref<4x768xf32, #tpu.memory_space<vmem>>
          tpu.wait_dma2 semaphore(%arg13 : memref<!tpu.dma_semaphore, #tpu.memory_space<semaphore_mem>>) src(%dma_wait3A_966 : memref<4x768xf32, #tpu.memory_space<vmem>>) dst(%dma_wait3A_962 : memref<4x768xf32, #tpu.memory_space<hbm>>)
          %dma_wait3A_967 = arith.constant 0 : i32
          %dma_wait3A_968 = arith.constant 0 : i32
          %dma_wait3A_969 = arith.constant 0 : i32
          %dma_wait3A_970 = arith.constant 0 : i32
          %dma_wait3A_971 = tpu.memref_slice %arg8[%dma_wait3A_967, %dma_wait3A_969, %dma_wait3A_970] : memref<4x32x768xf32, #tpu.memory_space<vmem>> -> memref<1x4x768xf32, #tpu.memory_space<vmem>>
          %dma_wait3A_972 = tpu.memref_squeeze %dma_wait3A_971 : memref<1x4x768xf32, #tpu.memory_space<vmem>> -> memref<4x768xf32, #tpu.memory_space<vmem>>
          %dma_wait3A_973 = arith.constant 0 : i32
          %dma_wait3A_974 = arith.constant 0 : i32
          %dma_wait3A_975 = tpu.memref_slice %arg6[%dma_wait3A_968, %dma_wait3A_973, %dma_wait3A_974] : memref<4096x4x768xf32, #tpu.memory_space<hbm>> -> memref<1x4x768xf32, #tpu.memory_space<hbm>>
          %dma_wait3A_976 = tpu.memref_squeeze %dma_wait3A_975 : memref<1x4x768xf32, #tpu.memory_space<hbm>> -> memref<4x768xf32, #tpu.memory_space<hbm>>
          %dma_wait3A_977 = arith.constant 0 : i32
          %dma_wait3A_978 = arith.constant 0 : i32
          %dma_wait3A_979 = tpu.memref_slice %arg6[%dma_wait3A_968, %dma_wait3A_977, %dma_wait3A_978] : memref<4096x4x768xf32, #tpu.memory_space<hbm>> -> memref<1x4x768xf32, #tpu.memory_space<hbm>>
          %dma_wait3A_980 = tpu.memref_squeeze %dma_wait3A_979 : memref<1x4x768xf32, #tpu.memory_space<hbm>> -> memref<4x768xf32, #tpu.memory_space<hbm>>
          %dma_wait3A_981 = arith.constant 0 : i32
          %dma_wait3A_982 = arith.constant 0 : i32
          %dma_wait3A_983 = tpu.memref_slice %arg8[%dma_wait3A_967, %dma_wait3A_981, %dma_wait3A_982] : memref<4x32x768xf32, #tpu.memory_space<vmem>> -> memref<1x4x768xf32, #tpu.memory_space<vmem>>
          %dma_wait3A_984 = tpu.memref_squeeze %dma_wait3A_983 : memref<1x4x768xf32, #tpu.memory_space<vmem>> -> memref<4x768xf32, #tpu.memory_space<vmem>>
          tpu.wait_dma2 semaphore(%arg13 : memref<!tpu.dma_semaphore, #tpu.memory_space<semaphore_mem>>) src(%dma_wait3A_984 : memref<4x768xf32, #tpu.memory_space<vmem>>) dst(%dma_wait3A_980 : memref<4x768xf32, #tpu.memory_space<hbm>>)
          %dma_wait3A_985 = arith.constant 0 : i32
          %dma_wait3A_986 = arith.constant 0 : i32
          %dma_wait3A_987 = arith.constant 0 : i32
          %dma_wait3A_988 = arith.constant 0 : i32
          %dma_wait3A_989 = tpu.memref_slice %arg8[%dma_wait3A_985, %dma_wait3A_987, %dma_wait3A_988] : memref<4x32x768xf32, #tpu.memory_space<vmem>> -> memref<1x4x768xf32, #tpu.memory_space<vmem>>
          %dma_wait3A_990 = tpu.memref_squeeze %dma_wait3A_989 : memref<1x4x768xf32, #tpu.memory_space<vmem>> -> memref<4x768xf32, #tpu.memory_space<vmem>>
          %dma_wait3A_991 = arith.constant 0 : i32
          %dma_wait3A_992 = arith.constant 0 : i32
          %dma_wait3A_993 = tpu.memref_slice %arg6[%dma_wait3A_986, %dma_wait3A_991, %dma_wait3A_992] : memref<4096x4x768xf32, #tpu.memory_space<hbm>> -> memref<1x4x768xf32, #tpu.memory_space<hbm>>
          %dma_wait3A_994 = tpu.memref_squeeze %dma_wait3A_993 : memref<1x4x768xf32, #tpu.memory_space<hbm>> -> memref<4x768xf32, #tpu.memory_space<hbm>>
          %dma_wait3A_995 = arith.constant 0 : i32
          %dma_wait3A_996 = arith.constant 0 : i32
          %dma_wait3A_997 = tpu.memref_slice %arg6[%dma_wait3A_986, %dma_wait3A_995, %dma_wait3A_996] : memref<4096x4x768xf32, #tpu.memory_space<hbm>> -> memref<1x4x768xf32, #tpu.memory_space<hbm>>
          %dma_wait3A_998 = tpu.memref_squeeze %dma_wait3A_997 : memref<1x4x768xf32, #tpu.memory_space<hbm>> -> memref<4x768xf32, #tpu.memory_space<hbm>>
          %dma_wait3A_999 = arith.constant 0 : i32
          %dma_wait3A_1000 = arith.constant 0 : i32
          %dma_wait3A_1001 = tpu.memref_slice %arg8[%dma_wait3A_985, %dma_wait3A_999, %dma_wait3A_1000] : memref<4x32x768xf32, #tpu.memory_space<vmem>> -> memref<1x4x768xf32, #tpu.memory_space<vmem>>
          %dma_wait3A_1002 = tpu.memref_squeeze %dma_wait3A_1001 : memref<1x4x768xf32, #tpu.memory_space<vmem>> -> memref<4x768xf32, #tpu.memory_space<vmem>>
          tpu.wait_dma2 semaphore(%arg13 : memref<!tpu.dma_semaphore, #tpu.memory_space<semaphore_mem>>) src(%dma_wait3A_1002 : memref<4x768xf32, #tpu.memory_space<vmem>>) dst(%dma_wait3A_998 : memref<4x768xf32, #tpu.memory_space<hbm>>)
          %dma_wait3A_1003 = arith.constant 0 : i32
          %dma_wait3A_1004 = arith.constant 0 : i32
          %dma_wait3A_1005 = arith.constant 0 : i32
          %dma_wait3A_1006 = arith.constant 0 : i32
          %dma_wait3A_1007 = tpu.memref_slice %arg8[%dma_wait3A_1003, %dma_wait3A_1005, %dma_wait3A_1006] : memref<4x32x768xf32, #tpu.memory_space<vmem>> -> memref<1x4x768xf32, #tpu.memory_space<vmem>>
          %dma_wait3A_1008 = tpu.memref_squeeze %dma_wait3A_1007 : memref<1x4x768xf32, #tpu.memory_space<vmem>> -> memref<4x768xf32, #tpu.memory_space<vmem>>
          %dma_wait3A_1009 = arith.constant 0 : i32
          %dma_wait3A_1010 = arith.constant 0 : i32
          %dma_wait3A_1011 = tpu.memref_slice %arg6[%dma_wait3A_1004, %dma_wait3A_1009, %dma_wait3A_1010] : memref<4096x4x768xf32, #tpu.memory_space<hbm>> -> memref<1x4x768xf32, #tpu.memory_space<hbm>>
          %dma_wait3A_1012 = tpu.memref_squeeze %dma_wait3A_1011 : memref<1x4x768xf32, #tpu.memory_space<hbm>> -> memref<4x768xf32, #tpu.memory_space<hbm>>
          %dma_wait3A_1013 = arith.constant 0 : i32
          %dma_wait3A_1014 = arith.constant 0 : i32
          %dma_wait3A_1015 = tpu.memref_slice %arg6[%dma_wait3A_1004, %dma_wait3A_1013, %dma_wait3A_1014] : memref<4096x4x768xf32, #tpu.memory_space<hbm>> -> memref<1x4x768xf32, #tpu.memory_space<hbm>>
          %dma_wait3A_1016 = tpu.memref_squeeze %dma_wait3A_1015 : memref<1x4x768xf32, #tpu.memory_space<hbm>> -> memref<4x768xf32, #tpu.memory_space<hbm>>
          %dma_wait3A_1017 = arith.constant 0 : i32
          %dma_wait3A_1018 = arith.constant 0 : i32
          %dma_wait3A_1019 = tpu.memref_slice %arg8[%dma_wait3A_1003, %dma_wait3A_1017, %dma_wait3A_1018] : memref<4x32x768xf32, #tpu.memory_space<vmem>> -> memref<1x4x768xf32, #tpu.memory_space<vmem>>
          %dma_wait3A_1020 = tpu.memref_squeeze %dma_wait3A_1019 : memref<1x4x768xf32, #tpu.memory_space<vmem>> -> memref<4x768xf32, #tpu.memory_space<vmem>>
          tpu.wait_dma2 semaphore(%arg13 : memref<!tpu.dma_semaphore, #tpu.memory_space<semaphore_mem>>) src(%dma_wait3A_1020 : memref<4x768xf32, #tpu.memory_space<vmem>>) dst(%dma_wait3A_1016 : memref<4x768xf32, #tpu.memory_space<hbm>>)
          %dma_wait3A_1021 = arith.constant 0 : i32
          %dma_wait3A_1022 = arith.constant 0 : i32
          %dma_wait3A_1023 = arith.constant 0 : i32
          %dma_wait3A_1024 = arith.constant 0 : i32
          %dma_wait3A_1025 = tpu.memref_slice %arg8[%dma_wait3A_1021, %dma_wait3A_1023, %dma_wait3A_1024] : memref<4x32x768xf32, #tpu.memory_space<vmem>> -> memref<1x4x768xf32, #tpu.memory_space<vmem>>
          %dma_wait3A_1026 = tpu.memref_squeeze %dma_wait3A_1025 : memref<1x4x768xf32, #tpu.memory_space<vmem>> -> memref<4x768xf32, #tpu.memory_space<vmem>>
          %dma_wait3A_1027 = arith.constant 0 : i32
          %dma_wait3A_1028 = arith.constant 0 : i32
          %dma_wait3A_1029 = tpu.memref_slice %arg6[%dma_wait3A_1022, %dma_wait3A_1027, %dma_wait3A_1028] : memref<4096x4x768xf32, #tpu.memory_space<hbm>> -> memref<1x4x768xf32, #tpu.memory_space<hbm>>
          %dma_wait3A_1030 = tpu.memref_squeeze %dma_wait3A_1029 : memref<1x4x768xf32, #tpu.memory_space<hbm>> -> memref<4x768xf32, #tpu.memory_space<hbm>>
          %dma_wait3A_1031 = arith.constant 0 : i32
          %dma_wait3A_1032 = arith.constant 0 : i32
          %dma_wait3A_1033 = tpu.memref_slice %arg6[%dma_wait3A_1022, %dma_wait3A_1031, %dma_wait3A_1032] : memref<4096x4x768xf32, #tpu.memory_space<hbm>> -> memref<1x4x768xf32, #tpu.memory_space<hbm>>
          %dma_wait3A_1034 = tpu.memref_squeeze %dma_wait3A_1033 : memref<1x4x768xf32, #tpu.memory_space<hbm>> -> memref<4x768xf32, #tpu.memory_space<hbm>>
          %dma_wait3A_1035 = arith.constant 0 : i32
          %dma_wait3A_1036 = arith.constant 0 : i32
          %dma_wait3A_1037 = tpu.memref_slice %arg8[%dma_wait3A_1021, %dma_wait3A_1035, %dma_wait3A_1036] : memref<4x32x768xf32, #tpu.memory_space<vmem>> -> memref<1x4x768xf32, #tpu.memory_space<vmem>>
          %dma_wait3A_1038 = tpu.memref_squeeze %dma_wait3A_1037 : memref<1x4x768xf32, #tpu.memory_space<vmem>> -> memref<4x768xf32, #tpu.memory_space<vmem>>
          tpu.wait_dma2 semaphore(%arg13 : memref<!tpu.dma_semaphore, #tpu.memory_space<semaphore_mem>>) src(%dma_wait3A_1038 : memref<4x768xf32, #tpu.memory_space<vmem>>) dst(%dma_wait3A_1034 : memref<4x768xf32, #tpu.memory_space<hbm>>)
        } else {
        }
        %add3A_860 = arith.constant 2 : i32
        %add3A_861 = arith.addi %add3A_669, %add3A_860 : i32
        %rem3A_862 = arith.constant 4 : i32
        %rem3A_863 = arith.remsi %add3A_861, %rem3A_862 : i32
        %dma_start3A_864 = arith.constant 0 : i32
        %dma_start3A_865 = arith.constant 0 : i32
        %dma_start3A_866 = tpu.memref_slice %arg8[%rem3A_863, %dma_start3A_864, %dma_start3A_865] : memref<4x32x768xf32, #tpu.memory_space<vmem>> -> memref<1x32x768xf32, #tpu.memory_space<vmem>>
        %dma_start3A_867 = tpu.memref_squeeze %dma_start3A_866 : memref<1x32x768xf32, #tpu.memory_space<vmem>> -> memref<32x768xf32, #tpu.memory_space<vmem>>
        %dma_start3A_868 = arith.constant 0 : i32
        %dma_start3A_869 = tpu.memref_slice %arg7[%add3A_861, %dma_start3A_868] : memref<16x32xi32, #tpu.memory_space<vmem>> -> memref<1x32xi32, #tpu.memory_space<vmem>>
        %dma_start3A_870 = tpu.memref_squeeze %dma_start3A_869 : memref<1x32xi32, #tpu.memory_space<vmem>> -> memref<32xi32, #tpu.memory_space<vmem>>
        %dma_start3A_871 = arith.constant 0 : i32
        %dma_start3A_872 = arith.constant 0 : i32
        %dma_start3A_873 = tpu.memref_slice %arg3[%dma_start3A_871, %dma_start3A_872] : memref<100000x768xf32, #tpu.memory_space<hbm>> -> memref<100000x768xf32, #tpu.memory_space<hbm>>
        tpu.enqueue_indirect_dma source(%dma_start3A_873 : memref<100000x768xf32, #tpu.memory_space<hbm>>) target(%dma_start3A_867 : memref<32x768xf32, #tpu.memory_space<vmem>>) offsets(%dma_start3A_870 : memref<32xi32, #tpu.memory_space<vmem>>) semaphore(%arg11 : memref<!tpu.dma_semaphore, #tpu.memory_space<semaphore_mem>>)
        %mul3A_874 = arith.constant 8 : i32
        %mul3A_875 = arith.muli %add3A_861, %mul3A_874 : i32
        %div3A_876 = arith.constant 8 : i32
        %div3A_877 = arith.divsi %mul3A_875, %div3A_876 : i32
        %add3A_878 = arith.addi %select_n3A, %div3A_877 : i32
        %dma_start3A_879 = arith.constant 0 : i32
        %dma_start3A_880 = arith.constant 0 : i32
        %dma_start3A_881 = tpu.memref_slice %arg9[%rem3A_863, %dma_start3A_879, %dma_start3A_880] : memref<4x2x768xf32, #tpu.memory_space<vmem>> -> memref<1x2x768xf32, #tpu.memory_space<vmem>>
        %dma_start3A_882 = tpu.memref_squeeze %dma_start3A_881 : memref<1x2x768xf32, #tpu.memory_space<vmem>> -> memref<2x768xf32, #tpu.memory_space<vmem>>
        %dma_start3A_883 = arith.constant 0 : i32
        %dma_start3A_884 = arith.constant 0 : i32
        %dma_start3A_885 = tpu.memref_slice %arg4[%add3A_878, %dma_start3A_883, %dma_start3A_884] : memref<512x2x768xf32, #tpu.memory_space<hbm>> -> memref<1x2x768xf32, #tpu.memory_space<hbm>>
        %dma_start3A_886 = tpu.memref_squeeze %dma_start3A_885 : memref<1x2x768xf32, #tpu.memory_space<hbm>> -> memref<2x768xf32, #tpu.memory_space<hbm>>
        %dma_start3A_887 = arith.constant 0 : i32
        %dma_start3A_888 = arith.constant 0 : i32
        %dma_start3A_889 = tpu.memref_slice %arg9[%rem3A_863, %dma_start3A_887, %dma_start3A_888] : memref<4x2x768xf32, #tpu.memory_space<vmem>> -> memref<1x2x768xf32, #tpu.memory_space<vmem>>
        %dma_start3A_890 = tpu.memref_squeeze %dma_start3A_889 : memref<1x2x768xf32, #tpu.memory_space<vmem>> -> memref<2x768xf32, #tpu.memory_space<vmem>>
        %dma_start3A_891 = arith.constant 0 : i32
        %dma_start3A_892 = arith.constant 0 : i32
        %dma_start3A_893 = tpu.memref_slice %arg4[%add3A_878, %dma_start3A_891, %dma_start3A_892] : memref<512x2x768xf32, #tpu.memory_space<hbm>> -> memref<1x2x768xf32, #tpu.memory_space<hbm>>
        %dma_start3A_894 = tpu.memref_squeeze %dma_start3A_893 : memref<1x2x768xf32, #tpu.memory_space<hbm>> -> memref<2x768xf32, #tpu.memory_space<hbm>>
        tpu.enqueue_dma source(%dma_start3A_894 : memref<2x768xf32, #tpu.memory_space<hbm>>) target(%dma_start3A_890 : memref<2x768xf32, #tpu.memory_space<vmem>>) target_semaphore(%arg12 : memref<!tpu.dma_semaphore, #tpu.memory_space<semaphore_mem>>)
      } else {
      }
      %dma_wait3A_676 = arith.constant 0 : i32
      %dma_wait3A_677 = arith.constant 0 : i32
      %dma_wait3A_678 = tpu.memref_slice %arg8[%rem3A_671, %dma_wait3A_676, %dma_wait3A_677] : memref<4x32x768xf32, #tpu.memory_space<vmem>> -> memref<1x32x768xf32, #tpu.memory_space<vmem>>
      %dma_wait3A_679 = tpu.memref_squeeze %dma_wait3A_678 : memref<1x32x768xf32, #tpu.memory_space<vmem>> -> memref<32x768xf32, #tpu.memory_space<vmem>>
      %dma_wait3A_680 = arith.constant 0 : i32
      %dma_wait3A_681 = tpu.memref_slice %arg7[%add3A_669, %dma_wait3A_680] : memref<16x32xi32, #tpu.memory_space<vmem>> -> memref<1x32xi32, #tpu.memory_space<vmem>>
      %dma_wait3A_682 = tpu.memref_squeeze %dma_wait3A_681 : memref<1x32xi32, #tpu.memory_space<vmem>> -> memref<32xi32, #tpu.memory_space<vmem>>
      %dma_wait3A_683 = arith.constant 0 : i32
      %dma_wait3A_684 = arith.constant 0 : i32
      %dma_wait3A_685 = tpu.memref_slice %arg3[%dma_wait3A_683, %dma_wait3A_684] : memref<100000x768xf32, #tpu.memory_space<hbm>> -> memref<100000x768xf32, #tpu.memory_space<hbm>>
      tpu.wait_indirect_dma semaphore(%arg11 : memref<!tpu.dma_semaphore, #tpu.memory_space<semaphore_mem>>) src(%dma_wait3A_685 : memref<100000x768xf32, #tpu.memory_space<hbm>>) dst(%dma_wait3A_679 : memref<32x768xf32, #tpu.memory_space<vmem>>)
      %dma_wait3A_686 = arith.constant 0 : i32
      %dma_wait3A_687 = arith.constant 0 : i32
      %dma_wait3A_688 = arith.constant 0 : i32
      %dma_wait3A_689 = tpu.memref_slice %arg9[%rem3A_671, %dma_wait3A_687, %dma_wait3A_688] : memref<4x2x768xf32, #tpu.memory_space<vmem>> -> memref<1x2x768xf32, #tpu.memory_space<vmem>>
      %dma_wait3A_690 = tpu.memref_squeeze %dma_wait3A_689 : memref<1x2x768xf32, #tpu.memory_space<vmem>> -> memref<2x768xf32, #tpu.memory_space<vmem>>
      %dma_wait3A_691 = arith.constant 0 : i32
      %dma_wait3A_692 = arith.constant 0 : i32
      %dma_wait3A_693 = tpu.memref_slice %arg4[%dma_wait3A_686, %dma_wait3A_691, %dma_wait3A_692] : memref<512x2x768xf32, #tpu.memory_space<hbm>> -> memref<1x2x768xf32, #tpu.memory_space<hbm>>
      %dma_wait3A_694 = tpu.memref_squeeze %dma_wait3A_693 : memref<1x2x768xf32, #tpu.memory_space<hbm>> -> memref<2x768xf32, #tpu.memory_space<hbm>>
      %dma_wait3A_695 = arith.constant 0 : i32
      %dma_wait3A_696 = arith.constant 0 : i32
      %dma_wait3A_697 = tpu.memref_slice %arg9[%rem3A_671, %dma_wait3A_695, %dma_wait3A_696] : memref<4x2x768xf32, #tpu.memory_space<vmem>> -> memref<1x2x768xf32, #tpu.memory_space<vmem>>
      %dma_wait3A_698 = tpu.memref_squeeze %dma_wait3A_697 : memref<1x2x768xf32, #tpu.memory_space<vmem>> -> memref<2x768xf32, #tpu.memory_space<vmem>>
      %dma_wait3A_699 = arith.constant 0 : i32
      %dma_wait3A_700 = arith.constant 0 : i32
      %dma_wait3A_701 = tpu.memref_slice %arg4[%dma_wait3A_686, %dma_wait3A_699, %dma_wait3A_700] : memref<512x2x768xf32, #tpu.memory_space<hbm>> -> memref<1x2x768xf32, #tpu.memory_space<hbm>>
      %dma_wait3A_702 = tpu.memref_squeeze %dma_wait3A_701 : memref<1x2x768xf32, #tpu.memory_space<hbm>> -> memref<2x768xf32, #tpu.memory_space<hbm>>
      tpu.wait_dma2 semaphore(%arg12 : memref<!tpu.dma_semaphore, #tpu.memory_space<semaphore_mem>>) src(%dma_wait3A_702 : memref<2x768xf32, #tpu.memory_space<hbm>>) dst(%dma_wait3A_698 : memref<2x768xf32, #tpu.memory_space<vmem>>)
      %mul3A_703 = arith.constant 8 : i32
      %mul3A_704 = arith.muli %add3A_669, %mul3A_703 : i32
      %rem3A_705 = arith.constant 8 : i32
      %rem3A_706 = arith.remsi %mul3A_704, %rem3A_705 : i32
      %parallel_loop3A = arith.constant 0 : i32
      %parallel_loop3A_707 = arith.constant 48 : i32
      %parallel_loop3A_708 = arith.constant 1 : i32
      scf.for %parallel_loop3A_856 = %parallel_loop3A to %parallel_loop3A_707 step %parallel_loop3A_708  : i32 {
        %parallel_loop3A_857 = arith.constant 16 : i32
        %parallel_loop3A_858 = arith.muli %parallel_loop3A_856, %parallel_loop3A_857 : i32
        %parallel_loop3A_859 = arith.constant 0 : i32
        %parallel_loop3A_860 = arith.index_cast %rem3A_671 : i32 to index
        %parallel_loop3A_861 = arith.index_cast %parallel_loop3A_859 : i32 to index
        %parallel_loop3A_862 = arith.index_cast %parallel_loop3A_858 : i32 to index
        %parallel_loop3A_863 = tpu.vector_load %arg9[%parallel_loop3A_860, %parallel_loop3A_861, %parallel_loop3A_862] {strides = array<i32>} : memref<4x2x768xf32, #tpu.memory_space<vmem>>, vector<1x1x16xf32>,
        %parallel_loop3A_864 = vector.shape_cast %parallel_loop3A_863 : vector<1x1x16xf32> to vector<16xf32>
        %parallel_loop3A_865 = arith.constant 1 : i32
        %parallel_loop3A_866 = arith.index_cast %rem3A_671 : i32 to index
        %parallel_loop3A_867 = arith.index_cast %parallel_loop3A_865 : i32 to index
        %parallel_loop3A_868 = arith.index_cast %parallel_loop3A_858 : i32 to index
        %parallel_loop3A_869 = tpu.vector_load %arg9[%parallel_loop3A_866, %parallel_loop3A_867, %parallel_loop3A_868] {strides = array<i32>} : memref<4x2x768xf32, #tpu.memory_space<vmem>>, vector<1x1x16xf32>,
        %parallel_loop3A_870 = vector.shape_cast %parallel_loop3A_869 : vector<1x1x16xf32> to vector<16xf32>
        %parallel_loop3A_871 = arith.constant 0 : i32
        %parallel_loop3A_872 = arith.addi %rem3A_706, %parallel_loop3A_871 : i32
        %parallel_loop3A_873 = arith.constant 0 : i32
        %parallel_loop3A_874 = arith.index_cast %parallel_loop3A_872 : i32 to index
        %parallel_loop3A_875 = arith.index_cast %parallel_loop3A_873 : i32 to index
        %parallel_loop3A_876 = arith.index_cast %parallel_loop3A_858 : i32 to index
        %parallel_loop3A_877 = tpu.vector_load %arg10[%parallel_loop3A_874, %parallel_loop3A_875, %parallel_loop3A_876] {strides = array<i32>} : memref<8x2x768xf32, #tpu.memory_space<vmem>>, vector<1x1x16xf32>,
        %parallel_loop3A_878 = vector.shape_cast %parallel_loop3A_877 : vector<1x1x16xf32> to vector<16xf32>
        %parallel_loop3A_879 = arith.mulf %parallel_loop3A_864, %parallel_loop3A_878 : vector<16xf32>
        %parallel_loop3A_880 = arith.constant 0 : i32
        %parallel_loop3A_881 = arith.addi %rem3A_706, %parallel_loop3A_880 : i32
        %parallel_loop3A_882 = arith.constant 1 : i32
        %parallel_loop3A_883 = arith.index_cast %parallel_loop3A_881 : i32 to index
        %parallel_loop3A_884 = arith.index_cast %parallel_loop3A_882 : i32 to index
        %parallel_loop3A_885 = arith.index_cast %parallel_loop3A_858 : i32 to index
        %parallel_loop3A_886 = tpu.vector_load %arg10[%parallel_loop3A_883, %parallel_loop3A_884, %parallel_loop3A_885] {strides = array<i32>} : memref<8x2x768xf32, #tpu.memory_space<vmem>>, vector<1x1x16xf32>,
        %parallel_loop3A_887 = vector.shape_cast %parallel_loop3A_886 : vector<1x1x16xf32> to vector<16xf32>
        %parallel_loop3A_888 = arith.mulf %parallel_loop3A_870, %parallel_loop3A_887 : vector<16xf32>
        %parallel_loop3A_889 = arith.addf %parallel_loop3A_879, %parallel_loop3A_888 : vector<16xf32>
        %parallel_loop3A_890 = arith.constant 0 : i32
        %parallel_loop3A_891 = arith.index_cast %rem3A_671 : i32 to index
        %parallel_loop3A_892 = arith.index_cast %parallel_loop3A_890 : i32 to index
        %parallel_loop3A_893 = arith.index_cast %parallel_loop3A_858 : i32 to index
        %parallel_loop3A_894 = tpu.vector_load %arg8[%parallel_loop3A_891, %parallel_loop3A_892, %parallel_loop3A_893] {strides = array<i32>} : memref<4x32x768xf32, #tpu.memory_space<vmem>>, vector<1x1x16xf32>,
        %parallel_loop3A_895 = vector.shape_cast %parallel_loop3A_894 : vector<1x1x16xf32> to vector<16xf32>
        %parallel_loop3A_896 = arith.constant 27.7128124 : f32
        %parallel_loop3A_897 = vector.broadcast %parallel_loop3A_896 : f32 to vector<16xf32>
        %parallel_loop3A_898 = arith.mulf %parallel_loop3A_895, %parallel_loop3A_897 : vector<16xf32>
        %parallel_loop3A_899 = arith.addf %parallel_loop3A_898, %parallel_loop3A_889 : vector<16xf32>
        %parallel_loop3A_900 = arith.constant 0 : i32
        %parallel_loop3A_901 = arith.index_cast %rem3A_671 : i32 to index
        %parallel_loop3A_902 = arith.index_cast %parallel_loop3A_900 : i32 to index
        %parallel_loop3A_903 = arith.index_cast %parallel_loop3A_858 : i32 to index
        %parallel_loop3A_904 = tpu.vector_load %arg8[%parallel_loop3A_901, %parallel_loop3A_902, %parallel_loop3A_903] {strides = array<i32>} : memref<4x32x768xf32, #tpu.memory_space<vmem>>, vector<1x1x16xf32>,
        %parallel_loop3A_905 = vector.shape_cast %parallel_loop3A_904 : vector<1x1x16xf32> to vector<16xf32>
        %parallel_loop3A_906 = vector.shape_cast %parallel_loop3A_899 : vector<16xf32> to vector<1x1x16xf32>
        tpu.vector_store %arg8[%parallel_loop3A_901, %parallel_loop3A_902, %parallel_loop3A_903], %parallel_loop3A_906 {strides = array<i32>} : memref<4x32x768xf32, #tpu.memory_space<vmem>>, vector<1x1x16xf32>,
        %parallel_loop3A_907 = arith.constant 1 : i32
        %parallel_loop3A_908 = arith.index_cast %rem3A_671 : i32 to index
        %parallel_loop3A_909 = arith.index_cast %parallel_loop3A_907 : i32 to index
        %parallel_loop3A_910 = arith.index_cast %parallel_loop3A_858 : i32 to index
        %parallel_loop3A_911 = tpu.vector_load %arg8[%parallel_loop3A_908, %parallel_loop3A_909, %parallel_loop3A_910] {strides = array<i32>} : memref<4x32x768xf32, #tpu.memory_space<vmem>>, vector<1x1x16xf32>,
        %parallel_loop3A_912 = vector.shape_cast %parallel_loop3A_911 : vector<1x1x16xf32> to vector<16xf32>
        %parallel_loop3A_913 = arith.constant 27.7128124 : f32
        %parallel_loop3A_914 = vector.broadcast %parallel_loop3A_913 : f32 to vector<16xf32>
        %parallel_loop3A_915 = arith.mulf %parallel_loop3A_912, %parallel_loop3A_914 : vector<16xf32>
        %parallel_loop3A_916 = arith.addf %parallel_loop3A_915, %parallel_loop3A_889 : vector<16xf32>
        %parallel_loop3A_917 = arith.constant 1 : i32
        %parallel_loop3A_918 = arith.index_cast %rem3A_671 : i32 to index
        %parallel_loop3A_919 = arith.index_cast %parallel_loop3A_917 : i32 to index
        %parallel_loop3A_920 = arith.index_cast %parallel_loop3A_858 : i32 to index
        %parallel_loop3A_921 = tpu.vector_load %arg8[%parallel_loop3A_918, %parallel_loop3A_919, %parallel_loop3A_920] {strides = array<i32>} : memref<4x32x768xf32, #tpu.memory_space<vmem>>, vector<1x1x16xf32>,
        %parallel_loop3A_922 = vector.shape_cast %parallel_loop3A_921 : vector<1x1x16xf32> to vector<16xf32>
        %parallel_loop3A_923 = vector.shape_cast %parallel_loop3A_916 : vector<16xf32> to vector<1x1x16xf32>
        tpu.vector_store %arg8[%parallel_loop3A_918, %parallel_loop3A_919, %parallel_loop3A_920], %parallel_loop3A_923 {strides = array<i32>} : memref<4x32x768xf32, #tpu.memory_space<vmem>>, vector<1x1x16xf32>,
        %parallel_loop3A_924 = arith.constant 2 : i32
        %parallel_loop3A_925 = arith.index_cast %rem3A_671 : i32 to index
        %parallel_loop3A_926 = arith.index_cast %parallel_loop3A_924 : i32 to index
        %parallel_loop3A_927 = arith.index_cast %parallel_loop3A_858 : i32 to index
        %parallel_loop3A_928 = tpu.vector_load %arg8[%parallel_loop3A_925, %parallel_loop3A_926, %parallel_loop3A_927] {strides = array<i32>} : memref<4x32x768xf32, #tpu.memory_space<vmem>>, vector<1x1x16xf32>,
        %parallel_loop3A_929 = vector.shape_cast %parallel_loop3A_928 : vector<1x1x16xf32> to vector<16xf32>
        %parallel_loop3A_930 = arith.constant 27.7128124 : f32
        %parallel_loop3A_931 = vector.broadcast %parallel_loop3A_930 : f32 to vector<16xf32>
        %parallel_loop3A_932 = arith.mulf %parallel_loop3A_929, %parallel_loop3A_931 : vector<16xf32>
        %parallel_loop3A_933 = arith.addf %parallel_loop3A_932, %parallel_loop3A_889 : vector<16xf32>
        %parallel_loop3A_934 = arith.constant 2 : i32
        %parallel_loop3A_935 = arith.index_cast %rem3A_671 : i32 to index
        %parallel_loop3A_936 = arith.index_cast %parallel_loop3A_934 : i32 to index
        %parallel_loop3A_937 = arith.index_cast %parallel_loop3A_858 : i32 to index
        %parallel_loop3A_938 = tpu.vector_load %arg8[%parallel_loop3A_935, %parallel_loop3A_936, %parallel_loop3A_937] {strides = array<i32>} : memref<4x32x768xf32, #tpu.memory_space<vmem>>, vector<1x1x16xf32>,
        %parallel_loop3A_939 = vector.shape_cast %parallel_loop3A_938 : vector<1x1x16xf32> to vector<16xf32>
        %parallel_loop3A_940 = vector.shape_cast %parallel_loop3A_933 : vector<16xf32> to vector<1x1x16xf32>
        tpu.vector_store %arg8[%parallel_loop3A_935, %parallel_loop3A_936, %parallel_loop3A_937], %parallel_loop3A_940 {strides = array<i32>} : memref<4x32x768xf32, #tpu.memory_space<vmem>>, vector<1x1x16xf32>,
        %parallel_loop3A_941 = arith.constant 3 : i32
        %parallel_loop3A_942 = arith.index_cast %rem3A_671 : i32 to index
        %parallel_loop3A_943 = arith.index_cast %parallel_loop3A_941 : i32 to index
        %parallel_loop3A_944 = arith.index_cast %parallel_loop3A_858 : i32 to index
        %parallel_loop3A_945 = tpu.vector_load %arg8[%parallel_loop3A_942, %parallel_loop3A_943, %parallel_loop3A_944] {strides = array<i32>} : memref<4x32x768xf32, #tpu.memory_space<vmem>>, vector<1x1x16xf32>,
        %parallel_loop3A_946 = vector.shape_cast %parallel_loop3A_945 : vector<1x1x16xf32> to vector<16xf32>
        %parallel_loop3A_947 = arith.constant 27.7128124 : f32
        %parallel_loop3A_948 = vector.broadcast %parallel_loop3A_947 : f32 to vector<16xf32>
        %parallel_loop3A_949 = arith.mulf %parallel_loop3A_946, %parallel_loop3A_948 : vector<16xf32>
        %parallel_loop3A_950 = arith.addf %parallel_loop3A_949, %parallel_loop3A_889 : vector<16xf32>
        %parallel_loop3A_951 = arith.constant 3 : i32
        %parallel_loop3A_952 = arith.index_cast %rem3A_671 : i32 to index
        %parallel_loop3A_953 = arith.index_cast %parallel_loop3A_951 : i32 to index
        %parallel_loop3A_954 = arith.index_cast %parallel_loop3A_858 : i32 to index
        %parallel_loop3A_955 = tpu.vector_load %arg8[%parallel_loop3A_952, %parallel_loop3A_953, %parallel_loop3A_954] {strides = array<i32>} : memref<4x32x768xf32, #tpu.memory_space<vmem>>, vector<1x1x16xf32>,
        %parallel_loop3A_956 = vector.shape_cast %parallel_loop3A_955 : vector<1x1x16xf32> to vector<16xf32>
        %parallel_loop3A_957 = vector.shape_cast %parallel_loop3A_950 : vector<16xf32> to vector<1x1x16xf32>
        tpu.vector_store %arg8[%parallel_loop3A_952, %parallel_loop3A_953, %parallel_loop3A_954], %parallel_loop3A_957 {strides = array<i32>} : memref<4x32x768xf32, #tpu.memory_space<vmem>>, vector<1x1x16xf32>,
        %parallel_loop3A_958 = arith.constant 1 : i32
        %parallel_loop3A_959 = arith.addi %rem3A_706, %parallel_loop3A_958 : i32
        %parallel_loop3A_960 = arith.constant 0 : i32
        %parallel_loop3A_961 = arith.index_cast %parallel_loop3A_959 : i32 to index
        %parallel_loop3A_962 = arith.index_cast %parallel_loop3A_960 : i32 to index
        %parallel_loop3A_963 = arith.index_cast %parallel_loop3A_858 : i32 to index
        %parallel_loop3A_964 = tpu.vector_load %arg10[%parallel_loop3A_961, %parallel_loop3A_962, %parallel_loop3A_963] {strides = array<i32>} : memref<8x2x768xf32, #tpu.memory_space<vmem>>, vector<1x1x16xf32>,
        %parallel_loop3A_965 = vector.shape_cast %parallel_loop3A_964 : vector<1x1x16xf32> to vector<16xf32>
        %parallel_loop3A_966 = arith.mulf %parallel_loop3A_864, %parallel_loop3A_965 : vector<16xf32>
        %parallel_loop3A_967 = arith.constant 1 : i32
        %parallel_loop3A_968 = arith.addi %rem3A_706, %parallel_loop3A_967 : i32
        %parallel_loop3A_969 = arith.constant 1 : i32
        %parallel_loop3A_970 = arith.index_cast %parallel_loop3A_968 : i32 to index
        %parallel_loop3A_971 = arith.index_cast %parallel_loop3A_969 : i32 to index
        %parallel_loop3A_972 = arith.index_cast %parallel_loop3A_858 : i32 to index
        %parallel_loop3A_973 = tpu.vector_load %arg10[%parallel_loop3A_970, %parallel_loop3A_971, %parallel_loop3A_972] {strides = array<i32>} : memref<8x2x768xf32, #tpu.memory_space<vmem>>, vector<1x1x16xf32>,
        %parallel_loop3A_974 = vector.shape_cast %parallel_loop3A_973 : vector<1x1x16xf32> to vector<16xf32>
        %parallel_loop3A_975 = arith.mulf %parallel_loop3A_870, %parallel_loop3A_974 : vector<16xf32>
        %parallel_loop3A_976 = arith.addf %parallel_loop3A_966, %parallel_loop3A_975 : vector<16xf32>
        %parallel_loop3A_977 = arith.constant 4 : i32
        %parallel_loop3A_978 = arith.index_cast %rem3A_671 : i32 to index
        %parallel_loop3A_979 = arith.index_cast %parallel_loop3A_977 : i32 to index
        %parallel_loop3A_980 = arith.index_cast %parallel_loop3A_858 : i32 to index
        %parallel_loop3A_981 = tpu.vector_load %arg8[%parallel_loop3A_978, %parallel_loop3A_979, %parallel_loop3A_980] {strides = array<i32>} : memref<4x32x768xf32, #tpu.memory_space<vmem>>, vector<1x1x16xf32>,
        %parallel_loop3A_982 = vector.shape_cast %parallel_loop3A_981 : vector<1x1x16xf32> to vector<16xf32>
        %parallel_loop3A_983 = arith.constant 27.7128124 : f32
        %parallel_loop3A_984 = vector.broadcast %parallel_loop3A_983 : f32 to vector<16xf32>
        %parallel_loop3A_985 = arith.mulf %parallel_loop3A_982, %parallel_loop3A_984 : vector<16xf32>
        %parallel_loop3A_986 = arith.addf %parallel_loop3A_985, %parallel_loop3A_976 : vector<16xf32>
        %parallel_loop3A_987 = arith.constant 4 : i32
        %parallel_loop3A_988 = arith.index_cast %rem3A_671 : i32 to index
        %parallel_loop3A_989 = arith.index_cast %parallel_loop3A_987 : i32 to index
        %parallel_loop3A_990 = arith.index_cast %parallel_loop3A_858 : i32 to index
        %parallel_loop3A_991 = tpu.vector_load %arg8[%parallel_loop3A_988, %parallel_loop3A_989, %parallel_loop3A_990] {strides = array<i32>} : memref<4x32x768xf32, #tpu.memory_space<vmem>>, vector<1x1x16xf32>,
        %parallel_loop3A_992 = vector.shape_cast %parallel_loop3A_991 : vector<1x1x16xf32> to vector<16xf32>
        %parallel_loop3A_993 = vector.shape_cast %parallel_loop3A_986 : vector<16xf32> to vector<1x1x16xf32>
        tpu.vector_store %arg8[%parallel_loop3A_988, %parallel_loop3A_989, %parallel_loop3A_990], %parallel_loop3A_993 {strides = array<i32>} : memref<4x32x768xf32, #tpu.memory_space<vmem>>, vector<1x1x16xf32>,
        %parallel_loop3A_994 = arith.constant 5 : i32
        %parallel_loop3A_995 = arith.index_cast %rem3A_671 : i32 to index
        %parallel_loop3A_996 = arith.index_cast %parallel_loop3A_994 : i32 to index
        %parallel_loop3A_997 = arith.index_cast %parallel_loop3A_858 : i32 to index
        %parallel_loop3A_998 = tpu.vector_load %arg8[%parallel_loop3A_995, %parallel_loop3A_996, %parallel_loop3A_997] {strides = array<i32>} : memref<4x32x768xf32, #tpu.memory_space<vmem>>, vector<1x1x16xf32>,
        %parallel_loop3A_999 = vector.shape_cast %parallel_loop3A_998 : vector<1x1x16xf32> to vector<16xf32>
        %parallel_loop3A_1000 = arith.constant 27.7128124 : f32
        %parallel_loop3A_1001 = vector.broadcast %parallel_loop3A_1000 : f32 to vector<16xf32>
        %parallel_loop3A_1002 = arith.mulf %parallel_loop3A_999, %parallel_loop3A_1001 : vector<16xf32>
        %parallel_loop3A_1003 = arith.addf %parallel_loop3A_1002, %parallel_loop3A_976 : vector<16xf32>
        %parallel_loop3A_1004 = arith.constant 5 : i32
        %parallel_loop3A_1005 = arith.index_cast %rem3A_671 : i32 to index
        %parallel_loop3A_1006 = arith.index_cast %parallel_loop3A_1004 : i32 to index
        %parallel_loop3A_1007 = arith.index_cast %parallel_loop3A_858 : i32 to index
        %parallel_loop3A_1008 = tpu.vector_load %arg8[%parallel_loop3A_1005, %parallel_loop3A_1006, %parallel_loop3A_1007] {strides = array<i32>} : memref<4x32x768xf32, #tpu.memory_space<vmem>>, vector<1x1x16xf32>,
        %parallel_loop3A_1009 = vector.shape_cast %parallel_loop3A_1008 : vector<1x1x16xf32> to vector<16xf32>
        %parallel_loop3A_1010 = vector.shape_cast %parallel_loop3A_1003 : vector<16xf32> to vector<1x1x16xf32>
        tpu.vector_store %arg8[%parallel_loop3A_1005, %parallel_loop3A_1006, %parallel_loop3A_1007], %parallel_loop3A_1010 {strides = array<i32>} : memref<4x32x768xf32, #tpu.memory_space<vmem>>, vector<1x1x16xf32>,
        %parallel_loop3A_1011 = arith.constant 6 : i32
        %parallel_loop3A_1012 = arith.index_cast %rem3A_671 : i32 to index
        %parallel_loop3A_1013 = arith.index_cast %parallel_loop3A_1011 : i32 to index
        %parallel_loop3A_1014 = arith.index_cast %parallel_loop3A_858 : i32 to index
        %parallel_loop3A_1015 = tpu.vector_load %arg8[%parallel_loop3A_1012, %parallel_loop3A_1013, %parallel_loop3A_1014] {strides = array<i32>} : memref<4x32x768xf32, #tpu.memory_space<vmem>>, vector<1x1x16xf32>,
        %parallel_loop3A_1016 = vector.shape_cast %parallel_loop3A_1015 : vector<1x1x16xf32> to vector<16xf32>
        %parallel_loop3A_1017 = arith.constant 27.7128124 : f32
        %parallel_loop3A_1018 = vector.broadcast %parallel_loop3A_1017 : f32 to vector<16xf32>
        %parallel_loop3A_1019 = arith.mulf %parallel_loop3A_1016, %parallel_loop3A_1018 : vector<16xf32>
        %parallel_loop3A_1020 = arith.addf %parallel_loop3A_1019, %parallel_loop3A_976 : vector<16xf32>
        %parallel_loop3A_1021 = arith.constant 6 : i32
        %parallel_loop3A_1022 = arith.index_cast %rem3A_671 : i32 to index
        %parallel_loop3A_1023 = arith.index_cast %parallel_loop3A_1021 : i32 to index
        %parallel_loop3A_1024 = arith.index_cast %parallel_loop3A_858 : i32 to index
        %parallel_loop3A_1025 = tpu.vector_load %arg8[%parallel_loop3A_1022, %parallel_loop3A_1023, %parallel_loop3A_1024] {strides = array<i32>} : memref<4x32x768xf32, #tpu.memory_space<vmem>>, vector<1x1x16xf32>,
        %parallel_loop3A_1026 = vector.shape_cast %parallel_loop3A_1025 : vector<1x1x16xf32> to vector<16xf32>
        %parallel_loop3A_1027 = vector.shape_cast %parallel_loop3A_1020 : vector<16xf32> to vector<1x1x16xf32>
        tpu.vector_store %arg8[%parallel_loop3A_1022, %parallel_loop3A_1023, %parallel_loop3A_1024], %parallel_loop3A_1027 {strides = array<i32>} : memref<4x32x768xf32, #tpu.memory_space<vmem>>, vector<1x1x16xf32>,
        %parallel_loop3A_1028 = arith.constant 7 : i32
        %parallel_loop3A_1029 = arith.index_cast %rem3A_671 : i32 to index
        %parallel_loop3A_1030 = arith.index_cast %parallel_loop3A_1028 : i32 to index
        %parallel_loop3A_1031 = arith.index_cast %parallel_loop3A_858 : i32 to index
        %parallel_loop3A_1032 = tpu.vector_load %arg8[%parallel_loop3A_1029, %parallel_loop3A_1030, %parallel_loop3A_1031] {strides = array<i32>} : memref<4x32x768xf32, #tpu.memory_space<vmem>>, vector<1x1x16xf32>,
        %parallel_loop3A_1033 = vector.shape_cast %parallel_loop3A_1032 : vector<1x1x16xf32> to vector<16xf32>
        %parallel_loop3A_1034 = arith.constant 27.7128124 : f32
        %parallel_loop3A_1035 = vector.broadcast %parallel_loop3A_1034 : f32 to vector<16xf32>
        %parallel_loop3A_1036 = arith.mulf %parallel_loop3A_1033, %parallel_loop3A_1035 : vector<16xf32>
        %parallel_loop3A_1037 = arith.addf %parallel_loop3A_1036, %parallel_loop3A_976 : vector<16xf32>
        %parallel_loop3A_1038 = arith.constant 7 : i32
        %parallel_loop3A_1039 = arith.index_cast %rem3A_671 : i32 to index
        %parallel_loop3A_1040 = arith.index_cast %parallel_loop3A_1038 : i32 to index
        %parallel_loop3A_1041 = arith.index_cast %parallel_loop3A_858 : i32 to index
        %parallel_loop3A_1042 = tpu.vector_load %arg8[%parallel_loop3A_1039, %parallel_loop3A_1040, %parallel_loop3A_1041] {strides = array<i32>} : memref<4x32x768xf32, #tpu.memory_space<vmem>>, vector<1x1x16xf32>,
        %parallel_loop3A_1043 = vector.shape_cast %parallel_loop3A_1042 : vector<1x1x16xf32> to vector<16xf32>
        %parallel_loop3A_1044 = vector.shape_cast %parallel_loop3A_1037 : vector<16xf32> to vector<1x1x16xf32>
        tpu.vector_store %arg8[%parallel_loop3A_1039, %parallel_loop3A_1040, %parallel_loop3A_1041], %parallel_loop3A_1044 {strides = array<i32>} : memref<4x32x768xf32, #tpu.memory_space<vmem>>, vector<1x1x16xf32>,
        %parallel_loop3A_1045 = arith.constant 2 : i32
        %parallel_loop3A_1046 = arith.addi %rem3A_706, %parallel_loop3A_1045 : i32
        %parallel_loop3A_1047 = arith.constant 0 : i32
        %parallel_loop3A_1048 = arith.index_cast %parallel_loop3A_1046 : i32 to index
        %parallel_loop3A_1049 = arith.index_cast %parallel_loop3A_1047 : i32 to index
        %parallel_loop3A_1050 = arith.index_cast %parallel_loop3A_858 : i32 to index
        %parallel_loop3A_1051 = tpu.vector_load %arg10[%parallel_loop3A_1048, %parallel_loop3A_1049, %parallel_loop3A_1050] {strides = array<i32>} : memref<8x2x768xf32, #tpu.memory_space<vmem>>, vector<1x1x16xf32>,
        %parallel_loop3A_1052 = vector.shape_cast %parallel_loop3A_1051 : vector<1x1x16xf32> to vector<16xf32>
        %parallel_loop3A_1053 = arith.mulf %parallel_loop3A_864, %parallel_loop3A_1052 : vector<16xf32>
        %parallel_loop3A_1054 = arith.constant 2 : i32
        %parallel_loop3A_1055 = arith.addi %rem3A_706, %parallel_loop3A_1054 : i32
        %parallel_loop3A_1056 = arith.constant 1 : i32
        %parallel_loop3A_1057 = arith.index_cast %parallel_loop3A_1055 : i32 to index
        %parallel_loop3A_1058 = arith.index_cast %parallel_loop3A_1056 : i32 to index
        %parallel_loop3A_1059 = arith.index_cast %parallel_loop3A_858 : i32 to index
        %parallel_loop3A_1060 = tpu.vector_load %arg10[%parallel_loop3A_1057, %parallel_loop3A_1058, %parallel_loop3A_1059] {strides = array<i32>} : memref<8x2x768xf32, #tpu.memory_space<vmem>>, vector<1x1x16xf32>,
        %parallel_loop3A_1061 = vector.shape_cast %parallel_loop3A_1060 : vector<1x1x16xf32> to vector<16xf32>
        %parallel_loop3A_1062 = arith.mulf %parallel_loop3A_870, %parallel_loop3A_1061 : vector<16xf32>
        %parallel_loop3A_1063 = arith.addf %parallel_loop3A_1053, %parallel_loop3A_1062 : vector<16xf32>
        %parallel_loop3A_1064 = arith.constant 8 : i32
        %parallel_loop3A_1065 = arith.index_cast %rem3A_671 : i32 to index
        %parallel_loop3A_1066 = arith.index_cast %parallel_loop3A_1064 : i32 to index
        %parallel_loop3A_1067 = arith.index_cast %parallel_loop3A_858 : i32 to index
        %parallel_loop3A_1068 = tpu.vector_load %arg8[%parallel_loop3A_1065, %parallel_loop3A_1066, %parallel_loop3A_1067] {strides = array<i32>} : memref<4x32x768xf32, #tpu.memory_space<vmem>>, vector<1x1x16xf32>,
        %parallel_loop3A_1069 = vector.shape_cast %parallel_loop3A_1068 : vector<1x1x16xf32> to vector<16xf32>
        %parallel_loop3A_1070 = arith.constant 27.7128124 : f32
        %parallel_loop3A_1071 = vector.broadcast %parallel_loop3A_1070 : f32 to vector<16xf32>
        %parallel_loop3A_1072 = arith.mulf %parallel_loop3A_1069, %parallel_loop3A_1071 : vector<16xf32>
        %parallel_loop3A_1073 = arith.addf %parallel_loop3A_1072, %parallel_loop3A_1063 : vector<16xf32>
        %parallel_loop3A_1074 = arith.constant 8 : i32
        %parallel_loop3A_1075 = arith.index_cast %rem3A_671 : i32 to index
        %parallel_loop3A_1076 = arith.index_cast %parallel_loop3A_1074 : i32 to index
        %parallel_loop3A_1077 = arith.index_cast %parallel_loop3A_858 : i32 to index
        %parallel_loop3A_1078 = tpu.vector_load %arg8[%parallel_loop3A_1075, %parallel_loop3A_1076, %parallel_loop3A_1077] {strides = array<i32>} : memref<4x32x768xf32, #tpu.memory_space<vmem>>, vector<1x1x16xf32>,
        %parallel_loop3A_1079 = vector.shape_cast %parallel_loop3A_1078 : vector<1x1x16xf32> to vector<16xf32>
        %parallel_loop3A_1080 = vector.shape_cast %parallel_loop3A_1073 : vector<16xf32> to vector<1x1x16xf32>
        tpu.vector_store %arg8[%parallel_loop3A_1075, %parallel_loop3A_1076, %parallel_loop3A_1077], %parallel_loop3A_1080 {strides = array<i32>} : memref<4x32x768xf32, #tpu.memory_space<vmem>>, vector<1x1x16xf32>,
        %parallel_loop3A_1081 = arith.constant 9 : i32
        %parallel_loop3A_1082 = arith.index_cast %rem3A_671 : i32 to index
        %parallel_loop3A_1083 = arith.index_cast %parallel_loop3A_1081 : i32 to index
        %parallel_loop3A_1084 = arith.index_cast %parallel_loop3A_858 : i32 to index
        %parallel_loop3A_1085 = tpu.vector_load %arg8[%parallel_loop3A_1082, %parallel_loop3A_1083, %parallel_loop3A_1084] {strides = array<i32>} : memref<4x32x768xf32, #tpu.memory_space<vmem>>, vector<1x1x16xf32>,
        %parallel_loop3A_1086 = vector.shape_cast %parallel_loop3A_1085 : vector<1x1x16xf32> to vector<16xf32>
        %parallel_loop3A_1087 = arith.constant 27.7128124 : f32
        %parallel_loop3A_1088 = vector.broadcast %parallel_loop3A_1087 : f32 to vector<16xf32>
        %parallel_loop3A_1089 = arith.mulf %parallel_loop3A_1086, %parallel_loop3A_1088 : vector<16xf32>
        %parallel_loop3A_1090 = arith.addf %parallel_loop3A_1089, %parallel_loop3A_1063 : vector<16xf32>
        %parallel_loop3A_1091 = arith.constant 9 : i32
        %parallel_loop3A_1092 = arith.index_cast %rem3A_671 : i32 to index
        %parallel_loop3A_1093 = arith.index_cast %parallel_loop3A_1091 : i32 to index
        %parallel_loop3A_1094 = arith.index_cast %parallel_loop3A_858 : i32 to index
        %parallel_loop3A_1095 = tpu.vector_load %arg8[%parallel_loop3A_1092, %parallel_loop3A_1093, %parallel_loop3A_1094] {strides = array<i32>} : memref<4x32x768xf32, #tpu.memory_space<vmem>>, vector<1x1x16xf32>,
        %parallel_loop3A_1096 = vector.shape_cast %parallel_loop3A_1095 : vector<1x1x16xf32> to vector<16xf32>
        %parallel_loop3A_1097 = vector.shape_cast %parallel_loop3A_1090 : vector<16xf32> to vector<1x1x16xf32>
        tpu.vector_store %arg8[%parallel_loop3A_1092, %parallel_loop3A_1093, %parallel_loop3A_1094], %parallel_loop3A_1097 {strides = array<i32>} : memref<4x32x768xf32, #tpu.memory_space<vmem>>, vector<1x1x16xf32>,
        %parallel_loop3A_1098 = arith.constant 10 : i32
        %parallel_loop3A_1099 = arith.index_cast %rem3A_671 : i32 to index
        %parallel_loop3A_1100 = arith.index_cast %parallel_loop3A_1098 : i32 to index
        %parallel_loop3A_1101 = arith.index_cast %parallel_loop3A_858 : i32 to index
        %parallel_loop3A_1102 = tpu.vector_load %arg8[%parallel_loop3A_1099, %parallel_loop3A_1100, %parallel_loop3A_1101] {strides = array<i32>} : memref<4x32x768xf32, #tpu.memory_space<vmem>>, vector<1x1x16xf32>,
        %parallel_loop3A_1103 = vector.shape_cast %parallel_loop3A_1102 : vector<1x1x16xf32> to vector<16xf32>
        %parallel_loop3A_1104 = arith.constant 27.7128124 : f32
        %parallel_loop3A_1105 = vector.broadcast %parallel_loop3A_1104 : f32 to vector<16xf32>
        %parallel_loop3A_1106 = arith.mulf %parallel_loop3A_1103, %parallel_loop3A_1105 : vector<16xf32>
        %parallel_loop3A_1107 = arith.addf %parallel_loop3A_1106, %parallel_loop3A_1063 : vector<16xf32>
        %parallel_loop3A_1108 = arith.constant 10 : i32
        %parallel_loop3A_1109 = arith.index_cast %rem3A_671 : i32 to index
        %parallel_loop3A_1110 = arith.index_cast %parallel_loop3A_1108 : i32 to index
        %parallel_loop3A_1111 = arith.index_cast %parallel_loop3A_858 : i32 to index
        %parallel_loop3A_1112 = tpu.vector_load %arg8[%parallel_loop3A_1109, %parallel_loop3A_1110, %parallel_loop3A_1111] {strides = array<i32>} : memref<4x32x768xf32, #tpu.memory_space<vmem>>, vector<1x1x16xf32>,
        %parallel_loop3A_1113 = vector.shape_cast %parallel_loop3A_1112 : vector<1x1x16xf32> to vector<16xf32>
        %parallel_loop3A_1114 = vector.shape_cast %parallel_loop3A_1107 : vector<16xf32> to vector<1x1x16xf32>
        tpu.vector_store %arg8[%parallel_loop3A_1109, %parallel_loop3A_1110, %parallel_loop3A_1111], %parallel_loop3A_1114 {strides = array<i32>} : memref<4x32x768xf32, #tpu.memory_space<vmem>>, vector<1x1x16xf32>,
        %parallel_loop3A_1115 = arith.constant 11 : i32
        %parallel_loop3A_1116 = arith.index_cast %rem3A_671 : i32 to index
        %parallel_loop3A_1117 = arith.index_cast %parallel_loop3A_1115 : i32 to index
        %parallel_loop3A_1118 = arith.index_cast %parallel_loop3A_858 : i32 to index
        %parallel_loop3A_1119 = tpu.vector_load %arg8[%parallel_loop3A_1116, %parallel_loop3A_1117, %parallel_loop3A_1118] {strides = array<i32>} : memref<4x32x768xf32, #tpu.memory_space<vmem>>, vector<1x1x16xf32>,
        %parallel_loop3A_1120 = vector.shape_cast %parallel_loop3A_1119 : vector<1x1x16xf32> to vector<16xf32>
        %parallel_loop3A_1121 = arith.constant 27.7128124 : f32
        %parallel_loop3A_1122 = vector.broadcast %parallel_loop3A_1121 : f32 to vector<16xf32>
        %parallel_loop3A_1123 = arith.mulf %parallel_loop3A_1120, %parallel_loop3A_1122 : vector<16xf32>
        %parallel_loop3A_1124 = arith.addf %parallel_loop3A_1123, %parallel_loop3A_1063 : vector<16xf32>
        %parallel_loop3A_1125 = arith.constant 11 : i32
        %parallel_loop3A_1126 = arith.index_cast %rem3A_671 : i32 to index
        %parallel_loop3A_1127 = arith.index_cast %parallel_loop3A_1125 : i32 to index
        %parallel_loop3A_1128 = arith.index_cast %parallel_loop3A_858 : i32 to index
        %parallel_loop3A_1129 = tpu.vector_load %arg8[%parallel_loop3A_1126, %parallel_loop3A_1127, %parallel_loop3A_1128] {strides = array<i32>} : memref<4x32x768xf32, #tpu.memory_space<vmem>>, vector<1x1x16xf32>,
        %parallel_loop3A_1130 = vector.shape_cast %parallel_loop3A_1129 : vector<1x1x16xf32> to vector<16xf32>
        %parallel_loop3A_1131 = vector.shape_cast %parallel_loop3A_1124 : vector<16xf32> to vector<1x1x16xf32>
        tpu.vector_store %arg8[%parallel_loop3A_1126, %parallel_loop3A_1127, %parallel_loop3A_1128], %parallel_loop3A_1131 {strides = array<i32>} : memref<4x32x768xf32, #tpu.memory_space<vmem>>, vector<1x1x16xf32>,
        %parallel_loop3A_1132 = arith.constant 3 : i32
        %parallel_loop3A_1133 = arith.addi %rem3A_706, %parallel_loop3A_1132 : i32
        %parallel_loop3A_1134 = arith.constant 0 : i32
        %parallel_loop3A_1135 = arith.index_cast %parallel_loop3A_1133 : i32 to index
        %parallel_loop3A_1136 = arith.index_cast %parallel_loop3A_1134 : i32 to index
        %parallel_loop3A_1137 = arith.index_cast %parallel_loop3A_858 : i32 to index
        %parallel_loop3A_1138 = tpu.vector_load %arg10[%parallel_loop3A_1135, %parallel_loop3A_1136, %parallel_loop3A_1137] {strides = array<i32>} : memref<8x2x768xf32, #tpu.memory_space<vmem>>, vector<1x1x16xf32>,
        %parallel_loop3A_1139 = vector.shape_cast %parallel_loop3A_1138 : vector<1x1x16xf32> to vector<16xf32>
        %parallel_loop3A_1140 = arith.mulf %parallel_loop3A_864, %parallel_loop3A_1139 : vector<16xf32>
        %parallel_loop3A_1141 = arith.constant 3 : i32
        %parallel_loop3A_1142 = arith.addi %rem3A_706, %parallel_loop3A_1141 : i32
        %parallel_loop3A_1143 = arith.constant 1 : i32
        %parallel_loop3A_1144 = arith.index_cast %parallel_loop3A_1142 : i32 to index
        %parallel_loop3A_1145 = arith.index_cast %parallel_loop3A_1143 : i32 to index
        %parallel_loop3A_1146 = arith.index_cast %parallel_loop3A_858 : i32 to index
        %parallel_loop3A_1147 = tpu.vector_load %arg10[%parallel_loop3A_1144, %parallel_loop3A_1145, %parallel_loop3A_1146] {strides = array<i32>} : memref<8x2x768xf32, #tpu.memory_space<vmem>>, vector<1x1x16xf32>,
        %parallel_loop3A_1148 = vector.shape_cast %parallel_loop3A_1147 : vector<1x1x16xf32> to vector<16xf32>
        %parallel_loop3A_1149 = arith.mulf %parallel_loop3A_870, %parallel_loop3A_1148 : vector<16xf32>
        %parallel_loop3A_1150 = arith.addf %parallel_loop3A_1140, %parallel_loop3A_1149 : vector<16xf32>
        %parallel_loop3A_1151 = arith.constant 12 : i32
        %parallel_loop3A_1152 = arith.index_cast %rem3A_671 : i32 to index
        %parallel_loop3A_1153 = arith.index_cast %parallel_loop3A_1151 : i32 to index
        %parallel_loop3A_1154 = arith.index_cast %parallel_loop3A_858 : i32 to index
        %parallel_loop3A_1155 = tpu.vector_load %arg8[%parallel_loop3A_1152, %parallel_loop3A_1153, %parallel_loop3A_1154] {strides = array<i32>} : memref<4x32x768xf32, #tpu.memory_space<vmem>>, vector<1x1x16xf32>,
        %parallel_loop3A_1156 = vector.shape_cast %parallel_loop3A_1155 : vector<1x1x16xf32> to vector<16xf32>
        %parallel_loop3A_1157 = arith.constant 27.7128124 : f32
        %parallel_loop3A_1158 = vector.broadcast %parallel_loop3A_1157 : f32 to vector<16xf32>
        %parallel_loop3A_1159 = arith.mulf %parallel_loop3A_1156, %parallel_loop3A_1158 : vector<16xf32>
        %parallel_loop3A_1160 = arith.addf %parallel_loop3A_1159, %parallel_loop3A_1150 : vector<16xf32>
        %parallel_loop3A_1161 = arith.constant 12 : i32
        %parallel_loop3A_1162 = arith.index_cast %rem3A_671 : i32 to index
        %parallel_loop3A_1163 = arith.index_cast %parallel_loop3A_1161 : i32 to index
        %parallel_loop3A_1164 = arith.index_cast %parallel_loop3A_858 : i32 to index
        %parallel_loop3A_1165 = tpu.vector_load %arg8[%parallel_loop3A_1162, %parallel_loop3A_1163, %parallel_loop3A_1164] {strides = array<i32>} : memref<4x32x768xf32, #tpu.memory_space<vmem>>, vector<1x1x16xf32>,
        %parallel_loop3A_1166 = vector.shape_cast %parallel_loop3A_1165 : vector<1x1x16xf32> to vector<16xf32>
        %parallel_loop3A_1167 = vector.shape_cast %parallel_loop3A_1160 : vector<16xf32> to vector<1x1x16xf32>
        tpu.vector_store %arg8[%parallel_loop3A_1162, %parallel_loop3A_1163, %parallel_loop3A_1164], %parallel_loop3A_1167 {strides = array<i32>} : memref<4x32x768xf32, #tpu.memory_space<vmem>>, vector<1x1x16xf32>,
        %parallel_loop3A_1168 = arith.constant 13 : i32
        %parallel_loop3A_1169 = arith.index_cast %rem3A_671 : i32 to index
        %parallel_loop3A_1170 = arith.index_cast %parallel_loop3A_1168 : i32 to index
        %parallel_loop3A_1171 = arith.index_cast %parallel_loop3A_858 : i32 to index
        %parallel_loop3A_1172 = tpu.vector_load %arg8[%parallel_loop3A_1169, %parallel_loop3A_1170, %parallel_loop3A_1171] {strides = array<i32>} : memref<4x32x768xf32, #tpu.memory_space<vmem>>, vector<1x1x16xf32>,
        %parallel_loop3A_1173 = vector.shape_cast %parallel_loop3A_1172 : vector<1x1x16xf32> to vector<16xf32>
        %parallel_loop3A_1174 = arith.constant 27.7128124 : f32
        %parallel_loop3A_1175 = vector.broadcast %parallel_loop3A_1174 : f32 to vector<16xf32>
        %parallel_loop3A_1176 = arith.mulf %parallel_loop3A_1173, %parallel_loop3A_1175 : vector<16xf32>
        %parallel_loop3A_1177 = arith.addf %parallel_loop3A_1176, %parallel_loop3A_1150 : vector<16xf32>
        %parallel_loop3A_1178 = arith.constant 13 : i32
        %parallel_loop3A_1179 = arith.index_cast %rem3A_671 : i32 to index
        %parallel_loop3A_1180 = arith.index_cast %parallel_loop3A_1178 : i32 to index
        %parallel_loop3A_1181 = arith.index_cast %parallel_loop3A_858 : i32 to index
        %parallel_loop3A_1182 = tpu.vector_load %arg8[%parallel_loop3A_1179, %parallel_loop3A_1180, %parallel_loop3A_1181] {strides = array<i32>} : memref<4x32x768xf32, #tpu.memory_space<vmem>>, vector<1x1x16xf32>,
        %parallel_loop3A_1183 = vector.shape_cast %parallel_loop3A_1182 : vector<1x1x16xf32> to vector<16xf32>
        %parallel_loop3A_1184 = vector.shape_cast %parallel_loop3A_1177 : vector<16xf32> to vector<1x1x16xf32>
        tpu.vector_store %arg8[%parallel_loop3A_1179, %parallel_loop3A_1180, %parallel_loop3A_1181], %parallel_loop3A_1184 {strides = array<i32>} : memref<4x32x768xf32, #tpu.memory_space<vmem>>, vector<1x1x16xf32>,
        %parallel_loop3A_1185 = arith.constant 14 : i32
        %parallel_loop3A_1186 = arith.index_cast %rem3A_671 : i32 to index
        %parallel_loop3A_1187 = arith.index_cast %parallel_loop3A_1185 : i32 to index
        %parallel_loop3A_1188 = arith.index_cast %parallel_loop3A_858 : i32 to index
        %parallel_loop3A_1189 = tpu.vector_load %arg8[%parallel_loop3A_1186, %parallel_loop3A_1187, %parallel_loop3A_1188] {strides = array<i32>} : memref<4x32x768xf32, #tpu.memory_space<vmem>>, vector<1x1x16xf32>,
        %parallel_loop3A_1190 = vector.shape_cast %parallel_loop3A_1189 : vector<1x1x16xf32> to vector<16xf32>
        %parallel_loop3A_1191 = arith.constant 27.7128124 : f32
        %parallel_loop3A_1192 = vector.broadcast %parallel_loop3A_1191 : f32 to vector<16xf32>
        %parallel_loop3A_1193 = arith.mulf %parallel_loop3A_1190, %parallel_loop3A_1192 : vector<16xf32>
        %parallel_loop3A_1194 = arith.addf %parallel_loop3A_1193, %parallel_loop3A_1150 : vector<16xf32>
        %parallel_loop3A_1195 = arith.constant 14 : i32
        %parallel_loop3A_1196 = arith.index_cast %rem3A_671 : i32 to index
        %parallel_loop3A_1197 = arith.index_cast %parallel_loop3A_1195 : i32 to index
        %parallel_loop3A_1198 = arith.index_cast %parallel_loop3A_858 : i32 to index
        %parallel_loop3A_1199 = tpu.vector_load %arg8[%parallel_loop3A_1196, %parallel_loop3A_1197, %parallel_loop3A_1198] {strides = array<i32>} : memref<4x32x768xf32, #tpu.memory_space<vmem>>, vector<1x1x16xf32>,
        %parallel_loop3A_1200 = vector.shape_cast %parallel_loop3A_1199 : vector<1x1x16xf32> to vector<16xf32>
        %parallel_loop3A_1201 = vector.shape_cast %parallel_loop3A_1194 : vector<16xf32> to vector<1x1x16xf32>
        tpu.vector_store %arg8[%parallel_loop3A_1196, %parallel_loop3A_1197, %parallel_loop3A_1198], %parallel_loop3A_1201 {strides = array<i32>} : memref<4x32x768xf32, #tpu.memory_space<vmem>>, vector<1x1x16xf32>,
        %parallel_loop3A_1202 = arith.constant 15 : i32
        %parallel_loop3A_1203 = arith.index_cast %rem3A_671 : i32 to index
        %parallel_loop3A_1204 = arith.index_cast %parallel_loop3A_1202 : i32 to index
        %parallel_loop3A_1205 = arith.index_cast %parallel_loop3A_858 : i32 to index
        %parallel_loop3A_1206 = tpu.vector_load %arg8[%parallel_loop3A_1203, %parallel_loop3A_1204, %parallel_loop3A_1205] {strides = array<i32>} : memref<4x32x768xf32, #tpu.memory_space<vmem>>, vector<1x1x16xf32>,
        %parallel_loop3A_1207 = vector.shape_cast %parallel_loop3A_1206 : vector<1x1x16xf32> to vector<16xf32>
        %parallel_loop3A_1208 = arith.constant 27.7128124 : f32
        %parallel_loop3A_1209 = vector.broadcast %parallel_loop3A_1208 : f32 to vector<16xf32>
        %parallel_loop3A_1210 = arith.mulf %parallel_loop3A_1207, %parallel_loop3A_1209 : vector<16xf32>
        %parallel_loop3A_1211 = arith.addf %parallel_loop3A_1210, %parallel_loop3A_1150 : vector<16xf32>
        %parallel_loop3A_1212 = arith.constant 15 : i32
        %parallel_loop3A_1213 = arith.index_cast %rem3A_671 : i32 to index
        %parallel_loop3A_1214 = arith.index_cast %parallel_loop3A_1212 : i32 to index
        %parallel_loop3A_1215 = arith.index_cast %parallel_loop3A_858 : i32 to index
        %parallel_loop3A_1216 = tpu.vector_load %arg8[%parallel_loop3A_1213, %parallel_loop3A_1214, %parallel_loop3A_1215] {strides = array<i32>} : memref<4x32x768xf32, #tpu.memory_space<vmem>>, vector<1x1x16xf32>,
        %parallel_loop3A_1217 = vector.shape_cast %parallel_loop3A_1216 : vector<1x1x16xf32> to vector<16xf32>
        %parallel_loop3A_1218 = vector.shape_cast %parallel_loop3A_1211 : vector<16xf32> to vector<1x1x16xf32>
        tpu.vector_store %arg8[%parallel_loop3A_1213, %parallel_loop3A_1214, %parallel_loop3A_1215], %parallel_loop3A_1218 {strides = array<i32>} : memref<4x32x768xf32, #tpu.memory_space<vmem>>, vector<1x1x16xf32>,
        %parallel_loop3A_1219 = arith.constant 4 : i32
        %parallel_loop3A_1220 = arith.addi %rem3A_706, %parallel_loop3A_1219 : i32
        %parallel_loop3A_1221 = arith.constant 0 : i32
        %parallel_loop3A_1222 = arith.index_cast %parallel_loop3A_1220 : i32 to index
        %parallel_loop3A_1223 = arith.index_cast %parallel_loop3A_1221 : i32 to index
        %parallel_loop3A_1224 = arith.index_cast %parallel_loop3A_858 : i32 to index
        %parallel_loop3A_1225 = tpu.vector_load %arg10[%parallel_loop3A_1222, %parallel_loop3A_1223, %parallel_loop3A_1224] {strides = array<i32>} : memref<8x2x768xf32, #tpu.memory_space<vmem>>, vector<1x1x16xf32>,
        %parallel_loop3A_1226 = vector.shape_cast %parallel_loop3A_1225 : vector<1x1x16xf32> to vector<16xf32>
        %parallel_loop3A_1227 = arith.mulf %parallel_loop3A_864, %parallel_loop3A_1226 : vector<16xf32>
        %parallel_loop3A_1228 = arith.constant 4 : i32
        %parallel_loop3A_1229 = arith.addi %rem3A_706, %parallel_loop3A_1228 : i32
        %parallel_loop3A_1230 = arith.constant 1 : i32
        %parallel_loop3A_1231 = arith.index_cast %parallel_loop3A_1229 : i32 to index
        %parallel_loop3A_1232 = arith.index_cast %parallel_loop3A_1230 : i32 to index
        %parallel_loop3A_1233 = arith.index_cast %parallel_loop3A_858 : i32 to index
        %parallel_loop3A_1234 = tpu.vector_load %arg10[%parallel_loop3A_1231, %parallel_loop3A_1232, %parallel_loop3A_1233] {strides = array<i32>} : memref<8x2x768xf32, #tpu.memory_space<vmem>>, vector<1x1x16xf32>,
        %parallel_loop3A_1235 = vector.shape_cast %parallel_loop3A_1234 : vector<1x1x16xf32> to vector<16xf32>
        %parallel_loop3A_1236 = arith.mulf %parallel_loop3A_870, %parallel_loop3A_1235 : vector<16xf32>
        %parallel_loop3A_1237 = arith.addf %parallel_loop3A_1227, %parallel_loop3A_1236 : vector<16xf32>
        %parallel_loop3A_1238 = arith.constant 16 : i32
        %parallel_loop3A_1239 = arith.index_cast %rem3A_671 : i32 to index
        %parallel_loop3A_1240 = arith.index_cast %parallel_loop3A_1238 : i32 to index
        %parallel_loop3A_1241 = arith.index_cast %parallel_loop3A_858 : i32 to index
        %parallel_loop3A_1242 = tpu.vector_load %arg8[%parallel_loop3A_1239, %parallel_loop3A_1240, %parallel_loop3A_1241] {strides = array<i32>} : memref<4x32x768xf32, #tpu.memory_space<vmem>>, vector<1x1x16xf32>,
        %parallel_loop3A_1243 = vector.shape_cast %parallel_loop3A_1242 : vector<1x1x16xf32> to vector<16xf32>
        %parallel_loop3A_1244 = arith.constant 27.7128124 : f32
        %parallel_loop3A_1245 = vector.broadcast %parallel_loop3A_1244 : f32 to vector<16xf32>
        %parallel_loop3A_1246 = arith.mulf %parallel_loop3A_1243, %parallel_loop3A_1245 : vector<16xf32>
        %parallel_loop3A_1247 = arith.addf %parallel_loop3A_1246, %parallel_loop3A_1237 : vector<16xf32>
        %parallel_loop3A_1248 = arith.constant 16 : i32
        %parallel_loop3A_1249 = arith.index_cast %rem3A_671 : i32 to index
        %parallel_loop3A_1250 = arith.index_cast %parallel_loop3A_1248 : i32 to index
        %parallel_loop3A_1251 = arith.index_cast %parallel_loop3A_858 : i32 to index
        %parallel_loop3A_1252 = tpu.vector_load %arg8[%parallel_loop3A_1249, %parallel_loop3A_1250, %parallel_loop3A_1251] {strides = array<i32>} : memref<4x32x768xf32, #tpu.memory_space<vmem>>, vector<1x1x16xf32>,
        %parallel_loop3A_1253 = vector.shape_cast %parallel_loop3A_1252 : vector<1x1x16xf32> to vector<16xf32>
        %parallel_loop3A_1254 = vector.shape_cast %parallel_loop3A_1247 : vector<16xf32> to vector<1x1x16xf32>
        tpu.vector_store %arg8[%parallel_loop3A_1249, %parallel_loop3A_1250, %parallel_loop3A_1251], %parallel_loop3A_1254 {strides = array<i32>} : memref<4x32x768xf32, #tpu.memory_space<vmem>>, vector<1x1x16xf32>,
        %parallel_loop3A_1255 = arith.constant 17 : i32
        %parallel_loop3A_1256 = arith.index_cast %rem3A_671 : i32 to index
        %parallel_loop3A_1257 = arith.index_cast %parallel_loop3A_1255 : i32 to index
        %parallel_loop3A_1258 = arith.index_cast %parallel_loop3A_858 : i32 to index
        %parallel_loop3A_1259 = tpu.vector_load %arg8[%parallel_loop3A_1256, %parallel_loop3A_1257, %parallel_loop3A_1258] {strides = array<i32>} : memref<4x32x768xf32, #tpu.memory_space<vmem>>, vector<1x1x16xf32>,
        %parallel_loop3A_1260 = vector.shape_cast %parallel_loop3A_1259 : vector<1x1x16xf32> to vector<16xf32>
        %parallel_loop3A_1261 = arith.constant 27.7128124 : f32
        %parallel_loop3A_1262 = vector.broadcast %parallel_loop3A_1261 : f32 to vector<16xf32>
        %parallel_loop3A_1263 = arith.mulf %parallel_loop3A_1260, %parallel_loop3A_1262 : vector<16xf32>
        %parallel_loop3A_1264 = arith.addf %parallel_loop3A_1263, %parallel_loop3A_1237 : vector<16xf32>
        %parallel_loop3A_1265 = arith.constant 17 : i32
        %parallel_loop3A_1266 = arith.index_cast %rem3A_671 : i32 to index
        %parallel_loop3A_1267 = arith.index_cast %parallel_loop3A_1265 : i32 to index
        %parallel_loop3A_1268 = arith.index_cast %parallel_loop3A_858 : i32 to index
        %parallel_loop3A_1269 = tpu.vector_load %arg8[%parallel_loop3A_1266, %parallel_loop3A_1267, %parallel_loop3A_1268] {strides = array<i32>} : memref<4x32x768xf32, #tpu.memory_space<vmem>>, vector<1x1x16xf32>,
        %parallel_loop3A_1270 = vector.shape_cast %parallel_loop3A_1269 : vector<1x1x16xf32> to vector<16xf32>
        %parallel_loop3A_1271 = vector.shape_cast %parallel_loop3A_1264 : vector<16xf32> to vector<1x1x16xf32>
        tpu.vector_store %arg8[%parallel_loop3A_1266, %parallel_loop3A_1267, %parallel_loop3A_1268], %parallel_loop3A_1271 {strides = array<i32>} : memref<4x32x768xf32, #tpu.memory_space<vmem>>, vector<1x1x16xf32>,
        %parallel_loop3A_1272 = arith.constant 18 : i32
        %parallel_loop3A_1273 = arith.index_cast %rem3A_671 : i32 to index
        %parallel_loop3A_1274 = arith.index_cast %parallel_loop3A_1272 : i32 to index
        %parallel_loop3A_1275 = arith.index_cast %parallel_loop3A_858 : i32 to index
        %parallel_loop3A_1276 = tpu.vector_load %arg8[%parallel_loop3A_1273, %parallel_loop3A_1274, %parallel_loop3A_1275] {strides = array<i32>} : memref<4x32x768xf32, #tpu.memory_space<vmem>>, vector<1x1x16xf32>,
        %parallel_loop3A_1277 = vector.shape_cast %parallel_loop3A_1276 : vector<1x1x16xf32> to vector<16xf32>
        %parallel_loop3A_1278 = arith.constant 27.7128124 : f32
        %parallel_loop3A_1279 = vector.broadcast %parallel_loop3A_1278 : f32 to vector<16xf32>
        %parallel_loop3A_1280 = arith.mulf %parallel_loop3A_1277, %parallel_loop3A_1279 : vector<16xf32>
        %parallel_loop3A_1281 = arith.addf %parallel_loop3A_1280, %parallel_loop3A_1237 : vector<16xf32>
        %parallel_loop3A_1282 = arith.constant 18 : i32
        %parallel_loop3A_1283 = arith.index_cast %rem3A_671 : i32 to index
        %parallel_loop3A_1284 = arith.index_cast %parallel_loop3A_1282 : i32 to index
        %parallel_loop3A_1285 = arith.index_cast %parallel_loop3A_858 : i32 to index
        %parallel_loop3A_1286 = tpu.vector_load %arg8[%parallel_loop3A_1283, %parallel_loop3A_1284, %parallel_loop3A_1285] {strides = array<i32>} : memref<4x32x768xf32, #tpu.memory_space<vmem>>, vector<1x1x16xf32>,
        %parallel_loop3A_1287 = vector.shape_cast %parallel_loop3A_1286 : vector<1x1x16xf32> to vector<16xf32>
        %parallel_loop3A_1288 = vector.shape_cast %parallel_loop3A_1281 : vector<16xf32> to vector<1x1x16xf32>
        tpu.vector_store %arg8[%parallel_loop3A_1283, %parallel_loop3A_1284, %parallel_loop3A_1285], %parallel_loop3A_1288 {strides = array<i32>} : memref<4x32x768xf32, #tpu.memory_space<vmem>>, vector<1x1x16xf32>,
        %parallel_loop3A_1289 = arith.constant 19 : i32
        %parallel_loop3A_1290 = arith.index_cast %rem3A_671 : i32 to index
        %parallel_loop3A_1291 = arith.index_cast %parallel_loop3A_1289 : i32 to index
        %parallel_loop3A_1292 = arith.index_cast %parallel_loop3A_858 : i32 to index
        %parallel_loop3A_1293 = tpu.vector_load %arg8[%parallel_loop3A_1290, %parallel_loop3A_1291, %parallel_loop3A_1292] {strides = array<i32>} : memref<4x32x768xf32, #tpu.memory_space<vmem>>, vector<1x1x16xf32>,
        %parallel_loop3A_1294 = vector.shape_cast %parallel_loop3A_1293 : vector<1x1x16xf32> to vector<16xf32>
        %parallel_loop3A_1295 = arith.constant 27.7128124 : f32
        %parallel_loop3A_1296 = vector.broadcast %parallel_loop3A_1295 : f32 to vector<16xf32>
        %parallel_loop3A_1297 = arith.mulf %parallel_loop3A_1294, %parallel_loop3A_1296 : vector<16xf32>
        %parallel_loop3A_1298 = arith.addf %parallel_loop3A_1297, %parallel_loop3A_1237 : vector<16xf32>
        %parallel_loop3A_1299 = arith.constant 19 : i32
        %parallel_loop3A_1300 = arith.index_cast %rem3A_671 : i32 to index
        %parallel_loop3A_1301 = arith.index_cast %parallel_loop3A_1299 : i32 to index
        %parallel_loop3A_1302 = arith.index_cast %parallel_loop3A_858 : i32 to index
        %parallel_loop3A_1303 = tpu.vector_load %arg8[%parallel_loop3A_1300, %parallel_loop3A_1301, %parallel_loop3A_1302] {strides = array<i32>} : memref<4x32x768xf32, #tpu.memory_space<vmem>>, vector<1x1x16xf32>,
        %parallel_loop3A_1304 = vector.shape_cast %parallel_loop3A_1303 : vector<1x1x16xf32> to vector<16xf32>
        %parallel_loop3A_1305 = vector.shape_cast %parallel_loop3A_1298 : vector<16xf32> to vector<1x1x16xf32>
        tpu.vector_store %arg8[%parallel_loop3A_1300, %parallel_loop3A_1301, %parallel_loop3A_1302], %parallel_loop3A_1305 {strides = array<i32>} : memref<4x32x768xf32, #tpu.memory_space<vmem>>, vector<1x1x16xf32>,
        %parallel_loop3A_1306 = arith.constant 5 : i32
        %parallel_loop3A_1307 = arith.addi %rem3A_706, %parallel_loop3A_1306 : i32
        %parallel_loop3A_1308 = arith.constant 0 : i32
        %parallel_loop3A_1309 = arith.index_cast %parallel_loop3A_1307 : i32 to index
        %parallel_loop3A_1310 = arith.index_cast %parallel_loop3A_1308 : i32 to index
        %parallel_loop3A_1311 = arith.index_cast %parallel_loop3A_858 : i32 to index
        %parallel_loop3A_1312 = tpu.vector_load %arg10[%parallel_loop3A_1309, %parallel_loop3A_1310, %parallel_loop3A_1311] {strides = array<i32>} : memref<8x2x768xf32, #tpu.memory_space<vmem>>, vector<1x1x16xf32>,
        %parallel_loop3A_1313 = vector.shape_cast %parallel_loop3A_1312 : vector<1x1x16xf32> to vector<16xf32>
        %parallel_loop3A_1314 = arith.mulf %parallel_loop3A_864, %parallel_loop3A_1313 : vector<16xf32>
        %parallel_loop3A_1315 = arith.constant 5 : i32
        %parallel_loop3A_1316 = arith.addi %rem3A_706, %parallel_loop3A_1315 : i32
        %parallel_loop3A_1317 = arith.constant 1 : i32
        %parallel_loop3A_1318 = arith.index_cast %parallel_loop3A_1316 : i32 to index
        %parallel_loop3A_1319 = arith.index_cast %parallel_loop3A_1317 : i32 to index
        %parallel_loop3A_1320 = arith.index_cast %parallel_loop3A_858 : i32 to index
        %parallel_loop3A_1321 = tpu.vector_load %arg10[%parallel_loop3A_1318, %parallel_loop3A_1319, %parallel_loop3A_1320] {strides = array<i32>} : memref<8x2x768xf32, #tpu.memory_space<vmem>>, vector<1x1x16xf32>,
        %parallel_loop3A_1322 = vector.shape_cast %parallel_loop3A_1321 : vector<1x1x16xf32> to vector<16xf32>
        %parallel_loop3A_1323 = arith.mulf %parallel_loop3A_870, %parallel_loop3A_1322 : vector<16xf32>
        %parallel_loop3A_1324 = arith.addf %parallel_loop3A_1314, %parallel_loop3A_1323 : vector<16xf32>
        %parallel_loop3A_1325 = arith.constant 20 : i32
        %parallel_loop3A_1326 = arith.index_cast %rem3A_671 : i32 to index
        %parallel_loop3A_1327 = arith.index_cast %parallel_loop3A_1325 : i32 to index
        %parallel_loop3A_1328 = arith.index_cast %parallel_loop3A_858 : i32 to index
        %parallel_loop3A_1329 = tpu.vector_load %arg8[%parallel_loop3A_1326, %parallel_loop3A_1327, %parallel_loop3A_1328] {strides = array<i32>} : memref<4x32x768xf32, #tpu.memory_space<vmem>>, vector<1x1x16xf32>,
        %parallel_loop3A_1330 = vector.shape_cast %parallel_loop3A_1329 : vector<1x1x16xf32> to vector<16xf32>
        %parallel_loop3A_1331 = arith.constant 27.7128124 : f32
        %parallel_loop3A_1332 = vector.broadcast %parallel_loop3A_1331 : f32 to vector<16xf32>
        %parallel_loop3A_1333 = arith.mulf %parallel_loop3A_1330, %parallel_loop3A_1332 : vector<16xf32>
        %parallel_loop3A_1334 = arith.addf %parallel_loop3A_1333, %parallel_loop3A_1324 : vector<16xf32>
        %parallel_loop3A_1335 = arith.constant 20 : i32
        %parallel_loop3A_1336 = arith.index_cast %rem3A_671 : i32 to index
        %parallel_loop3A_1337 = arith.index_cast %parallel_loop3A_1335 : i32 to index
        %parallel_loop3A_1338 = arith.index_cast %parallel_loop3A_858 : i32 to index
        %parallel_loop3A_1339 = tpu.vector_load %arg8[%parallel_loop3A_1336, %parallel_loop3A_1337, %parallel_loop3A_1338] {strides = array<i32>} : memref<4x32x768xf32, #tpu.memory_space<vmem>>, vector<1x1x16xf32>,
        %parallel_loop3A_1340 = vector.shape_cast %parallel_loop3A_1339 : vector<1x1x16xf32> to vector<16xf32>
        %parallel_loop3A_1341 = vector.shape_cast %parallel_loop3A_1334 : vector<16xf32> to vector<1x1x16xf32>
        tpu.vector_store %arg8[%parallel_loop3A_1336, %parallel_loop3A_1337, %parallel_loop3A_1338], %parallel_loop3A_1341 {strides = array<i32>} : memref<4x32x768xf32, #tpu.memory_space<vmem>>, vector<1x1x16xf32>,
        %parallel_loop3A_1342 = arith.constant 21 : i32
        %parallel_loop3A_1343 = arith.index_cast %rem3A_671 : i32 to index
        %parallel_loop3A_1344 = arith.index_cast %parallel_loop3A_1342 : i32 to index
        %parallel_loop3A_1345 = arith.index_cast %parallel_loop3A_858 : i32 to index
        %parallel_loop3A_1346 = tpu.vector_load %arg8[%parallel_loop3A_1343, %parallel_loop3A_1344, %parallel_loop3A_1345] {strides = array<i32>} : memref<4x32x768xf32, #tpu.memory_space<vmem>>, vector<1x1x16xf32>,
        %parallel_loop3A_1347 = vector.shape_cast %parallel_loop3A_1346 : vector<1x1x16xf32> to vector<16xf32>
        %parallel_loop3A_1348 = arith.constant 27.7128124 : f32
        %parallel_loop3A_1349 = vector.broadcast %parallel_loop3A_1348 : f32 to vector<16xf32>
        %parallel_loop3A_1350 = arith.mulf %parallel_loop3A_1347, %parallel_loop3A_1349 : vector<16xf32>
        %parallel_loop3A_1351 = arith.addf %parallel_loop3A_1350, %parallel_loop3A_1324 : vector<16xf32>
        %parallel_loop3A_1352 = arith.constant 21 : i32
        %parallel_loop3A_1353 = arith.index_cast %rem3A_671 : i32 to index
        %parallel_loop3A_1354 = arith.index_cast %parallel_loop3A_1352 : i32 to index
        %parallel_loop3A_1355 = arith.index_cast %parallel_loop3A_858 : i32 to index
        %parallel_loop3A_1356 = tpu.vector_load %arg8[%parallel_loop3A_1353, %parallel_loop3A_1354, %parallel_loop3A_1355] {strides = array<i32>} : memref<4x32x768xf32, #tpu.memory_space<vmem>>, vector<1x1x16xf32>,
        %parallel_loop3A_1357 = vector.shape_cast %parallel_loop3A_1356 : vector<1x1x16xf32> to vector<16xf32>
        %parallel_loop3A_1358 = vector.shape_cast %parallel_loop3A_1351 : vector<16xf32> to vector<1x1x16xf32>
        tpu.vector_store %arg8[%parallel_loop3A_1353, %parallel_loop3A_1354, %parallel_loop3A_1355], %parallel_loop3A_1358 {strides = array<i32>} : memref<4x32x768xf32, #tpu.memory_space<vmem>>, vector<1x1x16xf32>,
        %parallel_loop3A_1359 = arith.constant 22 : i32
        %parallel_loop3A_1360 = arith.index_cast %rem3A_671 : i32 to index
        %parallel_loop3A_1361 = arith.index_cast %parallel_loop3A_1359 : i32 to index
        %parallel_loop3A_1362 = arith.index_cast %parallel_loop3A_858 : i32 to index
        %parallel_loop3A_1363 = tpu.vector_load %arg8[%parallel_loop3A_1360, %parallel_loop3A_1361, %parallel_loop3A_1362] {strides = array<i32>} : memref<4x32x768xf32, #tpu.memory_space<vmem>>, vector<1x1x16xf32>,
        %parallel_loop3A_1364 = vector.shape_cast %parallel_loop3A_1363 : vector<1x1x16xf32> to vector<16xf32>
        %parallel_loop3A_1365 = arith.constant 27.7128124 : f32
        %parallel_loop3A_1366 = vector.broadcast %parallel_loop3A_1365 : f32 to vector<16xf32>
        %parallel_loop3A_1367 = arith.mulf %parallel_loop3A_1364, %parallel_loop3A_1366 : vector<16xf32>
        %parallel_loop3A_1368 = arith.addf %parallel_loop3A_1367, %parallel_loop3A_1324 : vector<16xf32>
        %parallel_loop3A_1369 = arith.constant 22 : i32
        %parallel_loop3A_1370 = arith.index_cast %rem3A_671 : i32 to index
        %parallel_loop3A_1371 = arith.index_cast %parallel_loop3A_1369 : i32 to index
        %parallel_loop3A_1372 = arith.index_cast %parallel_loop3A_858 : i32 to index
        %parallel_loop3A_1373 = tpu.vector_load %arg8[%parallel_loop3A_1370, %parallel_loop3A_1371, %parallel_loop3A_1372] {strides = array<i32>} : memref<4x32x768xf32, #tpu.memory_space<vmem>>, vector<1x1x16xf32>,
        %parallel_loop3A_1374 = vector.shape_cast %parallel_loop3A_1373 : vector<1x1x16xf32> to vector<16xf32>
        %parallel_loop3A_1375 = vector.shape_cast %parallel_loop3A_1368 : vector<16xf32> to vector<1x1x16xf32>
        tpu.vector_store %arg8[%parallel_loop3A_1370, %parallel_loop3A_1371, %parallel_loop3A_1372], %parallel_loop3A_1375 {strides = array<i32>} : memref<4x32x768xf32, #tpu.memory_space<vmem>>, vector<1x1x16xf32>,
        %parallel_loop3A_1376 = arith.constant 23 : i32
        %parallel_loop3A_1377 = arith.index_cast %rem3A_671 : i32 to index
        %parallel_loop3A_1378 = arith.index_cast %parallel_loop3A_1376 : i32 to index
        %parallel_loop3A_1379 = arith.index_cast %parallel_loop3A_858 : i32 to index
        %parallel_loop3A_1380 = tpu.vector_load %arg8[%parallel_loop3A_1377, %parallel_loop3A_1378, %parallel_loop3A_1379] {strides = array<i32>} : memref<4x32x768xf32, #tpu.memory_space<vmem>>, vector<1x1x16xf32>,
        %parallel_loop3A_1381 = vector.shape_cast %parallel_loop3A_1380 : vector<1x1x16xf32> to vector<16xf32>
        %parallel_loop3A_1382 = arith.constant 27.7128124 : f32
        %parallel_loop3A_1383 = vector.broadcast %parallel_loop3A_1382 : f32 to vector<16xf32>
        %parallel_loop3A_1384 = arith.mulf %parallel_loop3A_1381, %parallel_loop3A_1383 : vector<16xf32>
        %parallel_loop3A_1385 = arith.addf %parallel_loop3A_1384, %parallel_loop3A_1324 : vector<16xf32>
        %parallel_loop3A_1386 = arith.constant 23 : i32
        %parallel_loop3A_1387 = arith.index_cast %rem3A_671 : i32 to index
        %parallel_loop3A_1388 = arith.index_cast %parallel_loop3A_1386 : i32 to index
        %parallel_loop3A_1389 = arith.index_cast %parallel_loop3A_858 : i32 to index
        %parallel_loop3A_1390 = tpu.vector_load %arg8[%parallel_loop3A_1387, %parallel_loop3A_1388, %parallel_loop3A_1389] {strides = array<i32>} : memref<4x32x768xf32, #tpu.memory_space<vmem>>, vector<1x1x16xf32>,
        %parallel_loop3A_1391 = vector.shape_cast %parallel_loop3A_1390 : vector<1x1x16xf32> to vector<16xf32>
        %parallel_loop3A_1392 = vector.shape_cast %parallel_loop3A_1385 : vector<16xf32> to vector<1x1x16xf32>
        tpu.vector_store %arg8[%parallel_loop3A_1387, %parallel_loop3A_1388, %parallel_loop3A_1389], %parallel_loop3A_1392 {strides = array<i32>} : memref<4x32x768xf32, #tpu.memory_space<vmem>>, vector<1x1x16xf32>,
        %parallel_loop3A_1393 = arith.constant 6 : i32
        %parallel_loop3A_1394 = arith.addi %rem3A_706, %parallel_loop3A_1393 : i32
        %parallel_loop3A_1395 = arith.constant 0 : i32
        %parallel_loop3A_1396 = arith.index_cast %parallel_loop3A_1394 : i32 to index
        %parallel_loop3A_1397 = arith.index_cast %parallel_loop3A_1395 : i32 to index
        %parallel_loop3A_1398 = arith.index_cast %parallel_loop3A_858 : i32 to index
        %parallel_loop3A_1399 = tpu.vector_load %arg10[%parallel_loop3A_1396, %parallel_loop3A_1397, %parallel_loop3A_1398] {strides = array<i32>} : memref<8x2x768xf32, #tpu.memory_space<vmem>>, vector<1x1x16xf32>,
        %parallel_loop3A_1400 = vector.shape_cast %parallel_loop3A_1399 : vector<1x1x16xf32> to vector<16xf32>
        %parallel_loop3A_1401 = arith.mulf %parallel_loop3A_864, %parallel_loop3A_1400 : vector<16xf32>
        %parallel_loop3A_1402 = arith.constant 6 : i32
        %parallel_loop3A_1403 = arith.addi %rem3A_706, %parallel_loop3A_1402 : i32
        %parallel_loop3A_1404 = arith.constant 1 : i32
        %parallel_loop3A_1405 = arith.index_cast %parallel_loop3A_1403 : i32 to index
        %parallel_loop3A_1406 = arith.index_cast %parallel_loop3A_1404 : i32 to index
        %parallel_loop3A_1407 = arith.index_cast %parallel_loop3A_858 : i32 to index
        %parallel_loop3A_1408 = tpu.vector_load %arg10[%parallel_loop3A_1405, %parallel_loop3A_1406, %parallel_loop3A_1407] {strides = array<i32>} : memref<8x2x768xf32, #tpu.memory_space<vmem>>, vector<1x1x16xf32>,
        %parallel_loop3A_1409 = vector.shape_cast %parallel_loop3A_1408 : vector<1x1x16xf32> to vector<16xf32>
        %parallel_loop3A_1410 = arith.mulf %parallel_loop3A_870, %parallel_loop3A_1409 : vector<16xf32>
        %parallel_loop3A_1411 = arith.addf %parallel_loop3A_1401, %parallel_loop3A_1410 : vector<16xf32>
        %parallel_loop3A_1412 = arith.constant 24 : i32
        %parallel_loop3A_1413 = arith.index_cast %rem3A_671 : i32 to index
        %parallel_loop3A_1414 = arith.index_cast %parallel_loop3A_1412 : i32 to index
        %parallel_loop3A_1415 = arith.index_cast %parallel_loop3A_858 : i32 to index
        %parallel_loop3A_1416 = tpu.vector_load %arg8[%parallel_loop3A_1413, %parallel_loop3A_1414, %parallel_loop3A_1415] {strides = array<i32>} : memref<4x32x768xf32, #tpu.memory_space<vmem>>, vector<1x1x16xf32>,
        %parallel_loop3A_1417 = vector.shape_cast %parallel_loop3A_1416 : vector<1x1x16xf32> to vector<16xf32>
        %parallel_loop3A_1418 = arith.constant 27.7128124 : f32
        %parallel_loop3A_1419 = vector.broadcast %parallel_loop3A_1418 : f32 to vector<16xf32>
        %parallel_loop3A_1420 = arith.mulf %parallel_loop3A_1417, %parallel_loop3A_1419 : vector<16xf32>
        %parallel_loop3A_1421 = arith.addf %parallel_loop3A_1420, %parallel_loop3A_1411 : vector<16xf32>
        %parallel_loop3A_1422 = arith.constant 24 : i32
        %parallel_loop3A_1423 = arith.index_cast %rem3A_671 : i32 to index
        %parallel_loop3A_1424 = arith.index_cast %parallel_loop3A_1422 : i32 to index
        %parallel_loop3A_1425 = arith.index_cast %parallel_loop3A_858 : i32 to index
        %parallel_loop3A_1426 = tpu.vector_load %arg8[%parallel_loop3A_1423, %parallel_loop3A_1424, %parallel_loop3A_1425] {strides = array<i32>} : memref<4x32x768xf32, #tpu.memory_space<vmem>>, vector<1x1x16xf32>,
        %parallel_loop3A_1427 = vector.shape_cast %parallel_loop3A_1426 : vector<1x1x16xf32> to vector<16xf32>
        %parallel_loop3A_1428 = vector.shape_cast %parallel_loop3A_1421 : vector<16xf32> to vector<1x1x16xf32>
        tpu.vector_store %arg8[%parallel_loop3A_1423, %parallel_loop3A_1424, %parallel_loop3A_1425], %parallel_loop3A_1428 {strides = array<i32>} : memref<4x32x768xf32, #tpu.memory_space<vmem>>, vector<1x1x16xf32>,
        %parallel_loop3A_1429 = arith.constant 25 : i32
        %parallel_loop3A_1430 = arith.index_cast %rem3A_671 : i32 to index
        %parallel_loop3A_1431 = arith.index_cast %parallel_loop3A_1429 : i32 to index
        %parallel_loop3A_1432 = arith.index_cast %parallel_loop3A_858 : i32 to index
        %parallel_loop3A_1433 = tpu.vector_load %arg8[%parallel_loop3A_1430, %parallel_loop3A_1431, %parallel_loop3A_1432] {strides = array<i32>} : memref<4x32x768xf32, #tpu.memory_space<vmem>>, vector<1x1x16xf32>,
        %parallel_loop3A_1434 = vector.shape_cast %parallel_loop3A_1433 : vector<1x1x16xf32> to vector<16xf32>
        %parallel_loop3A_1435 = arith.constant 27.7128124 : f32
        %parallel_loop3A_1436 = vector.broadcast %parallel_loop3A_1435 : f32 to vector<16xf32>
        %parallel_loop3A_1437 = arith.mulf %parallel_loop3A_1434, %parallel_loop3A_1436 : vector<16xf32>
        %parallel_loop3A_1438 = arith.addf %parallel_loop3A_1437, %parallel_loop3A_1411 : vector<16xf32>
        %parallel_loop3A_1439 = arith.constant 25 : i32
        %parallel_loop3A_1440 = arith.index_cast %rem3A_671 : i32 to index
        %parallel_loop3A_1441 = arith.index_cast %parallel_loop3A_1439 : i32 to index
        %parallel_loop3A_1442 = arith.index_cast %parallel_loop3A_858 : i32 to index
        %parallel_loop3A_1443 = tpu.vector_load %arg8[%parallel_loop3A_1440, %parallel_loop3A_1441, %parallel_loop3A_1442] {strides = array<i32>} : memref<4x32x768xf32, #tpu.memory_space<vmem>>, vector<1x1x16xf32>,
        %parallel_loop3A_1444 = vector.shape_cast %parallel_loop3A_1443 : vector<1x1x16xf32> to vector<16xf32>
        %parallel_loop3A_1445 = vector.shape_cast %parallel_loop3A_1438 : vector<16xf32> to vector<1x1x16xf32>
        tpu.vector_store %arg8[%parallel_loop3A_1440, %parallel_loop3A_1441, %parallel_loop3A_1442], %parallel_loop3A_1445 {strides = array<i32>} : memref<4x32x768xf32, #tpu.memory_space<vmem>>, vector<1x1x16xf32>,
        %parallel_loop3A_1446 = arith.constant 26 : i32
        %parallel_loop3A_1447 = arith.index_cast %rem3A_671 : i32 to index
        %parallel_loop3A_1448 = arith.index_cast %parallel_loop3A_1446 : i32 to index
        %parallel_loop3A_1449 = arith.index_cast %parallel_loop3A_858 : i32 to index
        %parallel_loop3A_1450 = tpu.vector_load %arg8[%parallel_loop3A_1447, %parallel_loop3A_1448, %parallel_loop3A_1449] {strides = array<i32>} : memref<4x32x768xf32, #tpu.memory_space<vmem>>, vector<1x1x16xf32>,
        %parallel_loop3A_1451 = vector.shape_cast %parallel_loop3A_1450 : vector<1x1x16xf32> to vector<16xf32>
        %parallel_loop3A_1452 = arith.constant 27.7128124 : f32
        %parallel_loop3A_1453 = vector.broadcast %parallel_loop3A_1452 : f32 to vector<16xf32>
        %parallel_loop3A_1454 = arith.mulf %parallel_loop3A_1451, %parallel_loop3A_1453 : vector<16xf32>
        %parallel_loop3A_1455 = arith.addf %parallel_loop3A_1454, %parallel_loop3A_1411 : vector<16xf32>
        %parallel_loop3A_1456 = arith.constant 26 : i32
        %parallel_loop3A_1457 = arith.index_cast %rem3A_671 : i32 to index
        %parallel_loop3A_1458 = arith.index_cast %parallel_loop3A_1456 : i32 to index
        %parallel_loop3A_1459 = arith.index_cast %parallel_loop3A_858 : i32 to index
        %parallel_loop3A_1460 = tpu.vector_load %arg8[%parallel_loop3A_1457, %parallel_loop3A_1458, %parallel_loop3A_1459] {strides = array<i32>} : memref<4x32x768xf32, #tpu.memory_space<vmem>>, vector<1x1x16xf32>,
        %parallel_loop3A_1461 = vector.shape_cast %parallel_loop3A_1460 : vector<1x1x16xf32> to vector<16xf32>
        %parallel_loop3A_1462 = vector.shape_cast %parallel_loop3A_1455 : vector<16xf32> to vector<1x1x16xf32>
        tpu.vector_store %arg8[%parallel_loop3A_1457, %parallel_loop3A_1458, %parallel_loop3A_1459], %parallel_loop3A_1462 {strides = array<i32>} : memref<4x32x768xf32, #tpu.memory_space<vmem>>, vector<1x1x16xf32>,
        %parallel_loop3A_1463 = arith.constant 27 : i32
        %parallel_loop3A_1464 = arith.index_cast %rem3A_671 : i32 to index
        %parallel_loop3A_1465 = arith.index_cast %parallel_loop3A_1463 : i32 to index
        %parallel_loop3A_1466 = arith.index_cast %parallel_loop3A_858 : i32 to index
        %parallel_loop3A_1467 = tpu.vector_load %arg8[%parallel_loop3A_1464, %parallel_loop3A_1465, %parallel_loop3A_1466] {strides = array<i32>} : memref<4x32x768xf32, #tpu.memory_space<vmem>>, vector<1x1x16xf32>,
        %parallel_loop3A_1468 = vector.shape_cast %parallel_loop3A_1467 : vector<1x1x16xf32> to vector<16xf32>
        %parallel_loop3A_1469 = arith.constant 27.7128124 : f32
        %parallel_loop3A_1470 = vector.broadcast %parallel_loop3A_1469 : f32 to vector<16xf32>
        %parallel_loop3A_1471 = arith.mulf %parallel_loop3A_1468, %parallel_loop3A_1470 : vector<16xf32>
        %parallel_loop3A_1472 = arith.addf %parallel_loop3A_1471, %parallel_loop3A_1411 : vector<16xf32>
        %parallel_loop3A_1473 = arith.constant 27 : i32
        %parallel_loop3A_1474 = arith.index_cast %rem3A_671 : i32 to index
        %parallel_loop3A_1475 = arith.index_cast %parallel_loop3A_1473 : i32 to index
        %parallel_loop3A_1476 = arith.index_cast %parallel_loop3A_858 : i32 to index
        %parallel_loop3A_1477 = tpu.vector_load %arg8[%parallel_loop3A_1474, %parallel_loop3A_1475, %parallel_loop3A_1476] {strides = array<i32>} : memref<4x32x768xf32, #tpu.memory_space<vmem>>, vector<1x1x16xf32>,
        %parallel_loop3A_1478 = vector.shape_cast %parallel_loop3A_1477 : vector<1x1x16xf32> to vector<16xf32>
        %parallel_loop3A_1479 = vector.shape_cast %parallel_loop3A_1472 : vector<16xf32> to vector<1x1x16xf32>
        tpu.vector_store %arg8[%parallel_loop3A_1474, %parallel_loop3A_1475, %parallel_loop3A_1476], %parallel_loop3A_1479 {strides = array<i32>} : memref<4x32x768xf32, #tpu.memory_space<vmem>>, vector<1x1x16xf32>,
        %parallel_loop3A_1480 = arith.constant 7 : i32
        %parallel_loop3A_1481 = arith.addi %rem3A_706, %parallel_loop3A_1480 : i32
        %parallel_loop3A_1482 = arith.constant 0 : i32
        %parallel_loop3A_1483 = arith.index_cast %parallel_loop3A_1481 : i32 to index
        %parallel_loop3A_1484 = arith.index_cast %parallel_loop3A_1482 : i32 to index
        %parallel_loop3A_1485 = arith.index_cast %parallel_loop3A_858 : i32 to index
        %parallel_loop3A_1486 = tpu.vector_load %arg10[%parallel_loop3A_1483, %parallel_loop3A_1484, %parallel_loop3A_1485] {strides = array<i32>} : memref<8x2x768xf32, #tpu.memory_space<vmem>>, vector<1x1x16xf32>,
        %parallel_loop3A_1487 = vector.shape_cast %parallel_loop3A_1486 : vector<1x1x16xf32> to vector<16xf32>
        %parallel_loop3A_1488 = arith.mulf %parallel_loop3A_864, %parallel_loop3A_1487 : vector<16xf32>
        %parallel_loop3A_1489 = arith.constant 7 : i32
        %parallel_loop3A_1490 = arith.addi %rem3A_706, %parallel_loop3A_1489 : i32
        %parallel_loop3A_1491 = arith.constant 1 : i32
        %parallel_loop3A_1492 = arith.index_cast %parallel_loop3A_1490 : i32 to index
        %parallel_loop3A_1493 = arith.index_cast %parallel_loop3A_1491 : i32 to index
        %parallel_loop3A_1494 = arith.index_cast %parallel_loop3A_858 : i32 to index
        %parallel_loop3A_1495 = tpu.vector_load %arg10[%parallel_loop3A_1492, %parallel_loop3A_1493, %parallel_loop3A_1494] {strides = array<i32>} : memref<8x2x768xf32, #tpu.memory_space<vmem>>, vector<1x1x16xf32>,
        %parallel_loop3A_1496 = vector.shape_cast %parallel_loop3A_1495 : vector<1x1x16xf32> to vector<16xf32>
        %parallel_loop3A_1497 = arith.mulf %parallel_loop3A_870, %parallel_loop3A_1496 : vector<16xf32>
        %parallel_loop3A_1498 = arith.addf %parallel_loop3A_1488, %parallel_loop3A_1497 : vector<16xf32>
        %parallel_loop3A_1499 = arith.constant 28 : i32
        %parallel_loop3A_1500 = arith.index_cast %rem3A_671 : i32 to index
        %parallel_loop3A_1501 = arith.index_cast %parallel_loop3A_1499 : i32 to index
        %parallel_loop3A_1502 = arith.index_cast %parallel_loop3A_858 : i32 to index
        %parallel_loop3A_1503 = tpu.vector_load %arg8[%parallel_loop3A_1500, %parallel_loop3A_1501, %parallel_loop3A_1502] {strides = array<i32>} : memref<4x32x768xf32, #tpu.memory_space<vmem>>, vector<1x1x16xf32>,
        %parallel_loop3A_1504 = vector.shape_cast %parallel_loop3A_1503 : vector<1x1x16xf32> to vector<16xf32>
        %parallel_loop3A_1505 = arith.constant 27.7128124 : f32
        %parallel_loop3A_1506 = vector.broadcast %parallel_loop3A_1505 : f32 to vector<16xf32>
        %parallel_loop3A_1507 = arith.mulf %parallel_loop3A_1504, %parallel_loop3A_1506 : vector<16xf32>
        %parallel_loop3A_1508 = arith.addf %parallel_loop3A_1507, %parallel_loop3A_1498 : vector<16xf32>
        %parallel_loop3A_1509 = arith.constant 28 : i32
        %parallel_loop3A_1510 = arith.index_cast %rem3A_671 : i32 to index
        %parallel_loop3A_1511 = arith.index_cast %parallel_loop3A_1509 : i32 to index
        %parallel_loop3A_1512 = arith.index_cast %parallel_loop3A_858 : i32 to index
        %parallel_loop3A_1513 = tpu.vector_load %arg8[%parallel_loop3A_1510, %parallel_loop3A_1511, %parallel_loop3A_1512] {strides = array<i32>} : memref<4x32x768xf32, #tpu.memory_space<vmem>>, vector<1x1x16xf32>,
        %parallel_loop3A_1514 = vector.shape_cast %parallel_loop3A_1513 : vector<1x1x16xf32> to vector<16xf32>
        %parallel_loop3A_1515 = vector.shape_cast %parallel_loop3A_1508 : vector<16xf32> to vector<1x1x16xf32>
        tpu.vector_store %arg8[%parallel_loop3A_1510, %parallel_loop3A_1511, %parallel_loop3A_1512], %parallel_loop3A_1515 {strides = array<i32>} : memref<4x32x768xf32, #tpu.memory_space<vmem>>, vector<1x1x16xf32>,
        %parallel_loop3A_1516 = arith.constant 29 : i32
        %parallel_loop3A_1517 = arith.index_cast %rem3A_671 : i32 to index
        %parallel_loop3A_1518 = arith.index_cast %parallel_loop3A_1516 : i32 to index
        %parallel_loop3A_1519 = arith.index_cast %parallel_loop3A_858 : i32 to index
        %parallel_loop3A_1520 = tpu.vector_load %arg8[%parallel_loop3A_1517, %parallel_loop3A_1518, %parallel_loop3A_1519] {strides = array<i32>} : memref<4x32x768xf32, #tpu.memory_space<vmem>>, vector<1x1x16xf32>,
        %parallel_loop3A_1521 = vector.shape_cast %parallel_loop3A_1520 : vector<1x1x16xf32> to vector<16xf32>
        %parallel_loop3A_1522 = arith.constant 27.7128124 : f32
        %parallel_loop3A_1523 = vector.broadcast %parallel_loop3A_1522 : f32 to vector<16xf32>
        %parallel_loop3A_1524 = arith.mulf %parallel_loop3A_1521, %parallel_loop3A_1523 : vector<16xf32>
        %parallel_loop3A_1525 = arith.addf %parallel_loop3A_1524, %parallel_loop3A_1498 : vector<16xf32>
        %parallel_loop3A_1526 = arith.constant 29 : i32
        %parallel_loop3A_1527 = arith.index_cast %rem3A_671 : i32 to index
        %parallel_loop3A_1528 = arith.index_cast %parallel_loop3A_1526 : i32 to index
        %parallel_loop3A_1529 = arith.index_cast %parallel_loop3A_858 : i32 to index
        %parallel_loop3A_1530 = tpu.vector_load %arg8[%parallel_loop3A_1527, %parallel_loop3A_1528, %parallel_loop3A_1529] {strides = array<i32>} : memref<4x32x768xf32, #tpu.memory_space<vmem>>, vector<1x1x16xf32>,
        %parallel_loop3A_1531 = vector.shape_cast %parallel_loop3A_1530 : vector<1x1x16xf32> to vector<16xf32>
        %parallel_loop3A_1532 = vector.shape_cast %parallel_loop3A_1525 : vector<16xf32> to vector<1x1x16xf32>
        tpu.vector_store %arg8[%parallel_loop3A_1527, %parallel_loop3A_1528, %parallel_loop3A_1529], %parallel_loop3A_1532 {strides = array<i32>} : memref<4x32x768xf32, #tpu.memory_space<vmem>>, vector<1x1x16xf32>,
        %parallel_loop3A_1533 = arith.constant 30 : i32
        %parallel_loop3A_1534 = arith.index_cast %rem3A_671 : i32 to index
        %parallel_loop3A_1535 = arith.index_cast %parallel_loop3A_1533 : i32 to index
        %parallel_loop3A_1536 = arith.index_cast %parallel_loop3A_858 : i32 to index
        %parallel_loop3A_1537 = tpu.vector_load %arg8[%parallel_loop3A_1534, %parallel_loop3A_1535, %parallel_loop3A_1536] {strides = array<i32>} : memref<4x32x768xf32, #tpu.memory_space<vmem>>, vector<1x1x16xf32>,
        %parallel_loop3A_1538 = vector.shape_cast %parallel_loop3A_1537 : vector<1x1x16xf32> to vector<16xf32>
        %parallel_loop3A_1539 = arith.constant 27.7128124 : f32
        %parallel_loop3A_1540 = vector.broadcast %parallel_loop3A_1539 : f32 to vector<16xf32>
        %parallel_loop3A_1541 = arith.mulf %parallel_loop3A_1538, %parallel_loop3A_1540 : vector<16xf32>
        %parallel_loop3A_1542 = arith.addf %parallel_loop3A_1541, %parallel_loop3A_1498 : vector<16xf32>
        %parallel_loop3A_1543 = arith.constant 30 : i32
        %parallel_loop3A_1544 = arith.index_cast %rem3A_671 : i32 to index
        %parallel_loop3A_1545 = arith.index_cast %parallel_loop3A_1543 : i32 to index
        %parallel_loop3A_1546 = arith.index_cast %parallel_loop3A_858 : i32 to index
        %parallel_loop3A_1547 = tpu.vector_load %arg8[%parallel_loop3A_1544, %parallel_loop3A_1545, %parallel_loop3A_1546] {strides = array<i32>} : memref<4x32x768xf32, #tpu.memory_space<vmem>>, vector<1x1x16xf32>,
        %parallel_loop3A_1548 = vector.shape_cast %parallel_loop3A_1547 : vector<1x1x16xf32> to vector<16xf32>
        %parallel_loop3A_1549 = vector.shape_cast %parallel_loop3A_1542 : vector<16xf32> to vector<1x1x16xf32>
        tpu.vector_store %arg8[%parallel_loop3A_1544, %parallel_loop3A_1545, %parallel_loop3A_1546], %parallel_loop3A_1549 {strides = array<i32>} : memref<4x32x768xf32, #tpu.memory_space<vmem>>, vector<1x1x16xf32>,
        %parallel_loop3A_1550 = arith.constant 31 : i32
        %parallel_loop3A_1551 = arith.index_cast %rem3A_671 : i32 to index
        %parallel_loop3A_1552 = arith.index_cast %parallel_loop3A_1550 : i32 to index
        %parallel_loop3A_1553 = arith.index_cast %parallel_loop3A_858 : i32 to index
        %parallel_loop3A_1554 = tpu.vector_load %arg8[%parallel_loop3A_1551, %parallel_loop3A_1552, %parallel_loop3A_1553] {strides = array<i32>} : memref<4x32x768xf32, #tpu.memory_space<vmem>>, vector<1x1x16xf32>,
        %parallel_loop3A_1555 = vector.shape_cast %parallel_loop3A_1554 : vector<1x1x16xf32> to vector<16xf32>
        %parallel_loop3A_1556 = arith.constant 27.7128124 : f32
        %parallel_loop3A_1557 = vector.broadcast %parallel_loop3A_1556 : f32 to vector<16xf32>
        %parallel_loop3A_1558 = arith.mulf %parallel_loop3A_1555, %parallel_loop3A_1557 : vector<16xf32>
        %parallel_loop3A_1559 = arith.addf %parallel_loop3A_1558, %parallel_loop3A_1498 : vector<16xf32>
        %parallel_loop3A_1560 = arith.constant 31 : i32
        %parallel_loop3A_1561 = arith.index_cast %rem3A_671 : i32 to index
        %parallel_loop3A_1562 = arith.index_cast %parallel_loop3A_1560 : i32 to index
        %parallel_loop3A_1563 = arith.index_cast %parallel_loop3A_858 : i32 to index
        %parallel_loop3A_1564 = tpu.vector_load %arg8[%parallel_loop3A_1561, %parallel_loop3A_1562, %parallel_loop3A_1563] {strides = array<i32>} : memref<4x32x768xf32, #tpu.memory_space<vmem>>, vector<1x1x16xf32>,
        %parallel_loop3A_1565 = vector.shape_cast %parallel_loop3A_1564 : vector<1x1x16xf32> to vector<16xf32>
        %parallel_loop3A_1566 = vector.shape_cast %parallel_loop3A_1559 : vector<16xf32> to vector<1x1x16xf32>
        tpu.vector_store %arg8[%parallel_loop3A_1561, %parallel_loop3A_1562, %parallel_loop3A_1563], %parallel_loop3A_1566 {strides = array<i32>} : memref<4x32x768xf32, #tpu.memory_space<vmem>>, vector<1x1x16xf32>,
      } {sc.loop_unroll_factor = 1 : i64, sc.parallel_access}
      %mul3A_709 = arith.constant 8 : i32
      %mul3A_710 = arith.muli %add3A_669, %mul3A_709 : i32
      %add3A_711 = arith.addi %mul3A_2, %mul3A_710 : i32
      %add3A_712 = arith.constant 0 : i32
      %add3A_713 = arith.addi %add3A_711, %add3A_712 : i32
      %dma_start3A_714 = arith.constant 0 : i32
      %dma_start3A_715 = arith.constant 0 : i32
      %dma_start3A_716 = tpu.memref_slice %arg8[%rem3A_671, %dma_start3A_714, %dma_start3A_715] : memref<4x32x768xf32, #tpu.memory_space<vmem>> -> memref<1x4x768xf32, #tpu.memory_space<vmem>>
      %dma_start3A_717 = tpu.memref_squeeze %dma_start3A_716 : memref<1x4x768xf32, #tpu.memory_space<vmem>> -> memref<4x768xf32, #tpu.memory_space<vmem>>
      %dma_start3A_718 = arith.constant 0 : i32
      %dma_start3A_719 = arith.constant 0 : i32
      %dma_start3A_720 = tpu.memref_slice %arg6[%add3A_713, %dma_start3A_718, %dma_start3A_719] : memref<4096x4x768xf32, #tpu.memory_space<hbm>> -> memref<1x4x768xf32, #tpu.memory_space<hbm>>
      %dma_start3A_721 = tpu.memref_squeeze %dma_start3A_720 : memref<1x4x768xf32, #tpu.memory_space<hbm>> -> memref<4x768xf32, #tpu.memory_space<hbm>>
      %dma_start3A_722 = arith.constant 0 : i32
      %dma_start3A_723 = arith.constant 0 : i32
      %dma_start3A_724 = tpu.memref_slice %arg6[%add3A_713, %dma_start3A_722, %dma_start3A_723] : memref<4096x4x768xf32, #tpu.memory_space<hbm>> -> memref<1x4x768xf32, #tpu.memory_space<hbm>>
      %dma_start3A_725 = tpu.memref_squeeze %dma_start3A_724 : memref<1x4x768xf32, #tpu.memory_space<hbm>> -> memref<4x768xf32, #tpu.memory_space<hbm>>
      %dma_start3A_726 = arith.constant 0 : i32
      %dma_start3A_727 = arith.constant 0 : i32
      %dma_start3A_728 = tpu.memref_slice %arg8[%rem3A_671, %dma_start3A_726, %dma_start3A_727] : memref<4x32x768xf32, #tpu.memory_space<vmem>> -> memref<1x4x768xf32, #tpu.memory_space<vmem>>
      %dma_start3A_729 = tpu.memref_squeeze %dma_start3A_728 : memref<1x4x768xf32, #tpu.memory_space<vmem>> -> memref<4x768xf32, #tpu.memory_space<vmem>>
      tpu.enqueue_dma source(%dma_start3A_729 : memref<4x768xf32, #tpu.memory_space<vmem>>) target(%dma_start3A_725 : memref<4x768xf32, #tpu.memory_space<hbm>>) target_semaphore(%arg13 : memref<!tpu.dma_semaphore, #tpu.memory_space<semaphore_mem>>)
      %add3A_730 = arith.constant 1 : i32
      %add3A_731 = arith.addi %add3A_711, %add3A_730 : i32
      %dma_start3A_732 = arith.constant 4 : i32
      %dma_start3A_733 = arith.constant 0 : i32
      %dma_start3A_734 = tpu.memref_slice %arg8[%rem3A_671, %dma_start3A_732, %dma_start3A_733] : memref<4x32x768xf32, #tpu.memory_space<vmem>> -> memref<1x4x768xf32, #tpu.memory_space<vmem>>
      %dma_start3A_735 = tpu.memref_squeeze %dma_start3A_734 : memref<1x4x768xf32, #tpu.memory_space<vmem>> -> memref<4x768xf32, #tpu.memory_space<vmem>>
      %dma_start3A_736 = arith.constant 0 : i32
      %dma_start3A_737 = arith.constant 0 : i32
      %dma_start3A_738 = tpu.memref_slice %arg6[%add3A_731, %dma_start3A_736, %dma_start3A_737] : memref<4096x4x768xf32, #tpu.memory_space<hbm>> -> memref<1x4x768xf32, #tpu.memory_space<hbm>>
      %dma_start3A_739 = tpu.memref_squeeze %dma_start3A_738 : memref<1x4x768xf32, #tpu.memory_space<hbm>> -> memref<4x768xf32, #tpu.memory_space<hbm>>
      %dma_start3A_740 = arith.constant 0 : i32
      %dma_start3A_741 = arith.constant 0 : i32
      %dma_start3A_742 = tpu.memref_slice %arg6[%add3A_731, %dma_start3A_740, %dma_start3A_741] : memref<4096x4x768xf32, #tpu.memory_space<hbm>> -> memref<1x4x768xf32, #tpu.memory_space<hbm>>
      %dma_start3A_743 = tpu.memref_squeeze %dma_start3A_742 : memref<1x4x768xf32, #tpu.memory_space<hbm>> -> memref<4x768xf32, #tpu.memory_space<hbm>>
      %dma_start3A_744 = arith.constant 4 : i32
      %dma_start3A_745 = arith.constant 0 : i32
      %dma_start3A_746 = tpu.memref_slice %arg8[%rem3A_671, %dma_start3A_744, %dma_start3A_745] : memref<4x32x768xf32, #tpu.memory_space<vmem>> -> memref<1x4x768xf32, #tpu.memory_space<vmem>>
      %dma_start3A_747 = tpu.memref_squeeze %dma_start3A_746 : memref<1x4x768xf32, #tpu.memory_space<vmem>> -> memref<4x768xf32, #tpu.memory_space<vmem>>
      tpu.enqueue_dma source(%dma_start3A_747 : memref<4x768xf32, #tpu.memory_space<vmem>>) target(%dma_start3A_743 : memref<4x768xf32, #tpu.memory_space<hbm>>) target_semaphore(%arg13 : memref<!tpu.dma_semaphore, #tpu.memory_space<semaphore_mem>>)
      %add3A_748 = arith.constant 2 : i32
      %add3A_749 = arith.addi %add3A_711, %add3A_748 : i32
      %dma_start3A_750 = arith.constant 8 : i32
      %dma_start3A_751 = arith.constant 0 : i32
      %dma_start3A_752 = tpu.memref_slice %arg8[%rem3A_671, %dma_start3A_750, %dma_start3A_751] : memref<4x32x768xf32, #tpu.memory_space<vmem>> -> memref<1x4x768xf32, #tpu.memory_space<vmem>>
      %dma_start3A_753 = tpu.memref_squeeze %dma_start3A_752 : memref<1x4x768xf32, #tpu.memory_space<vmem>> -> memref<4x768xf32, #tpu.memory_space<vmem>>
      %dma_start3A_754 = arith.constant 0 : i32
      %dma_start3A_755 = arith.constant 0 : i32
      %dma_start3A_756 = tpu.memref_slice %arg6[%add3A_749, %dma_start3A_754, %dma_start3A_755] : memref<4096x4x768xf32, #tpu.memory_space<hbm>> -> memref<1x4x768xf32, #tpu.memory_space<hbm>>
      %dma_start3A_757 = tpu.memref_squeeze %dma_start3A_756 : memref<1x4x768xf32, #tpu.memory_space<hbm>> -> memref<4x768xf32, #tpu.memory_space<hbm>>
      %dma_start3A_758 = arith.constant 0 : i32
      %dma_start3A_759 = arith.constant 0 : i32
      %dma_start3A_760 = tpu.memref_slice %arg6[%add3A_749, %dma_start3A_758, %dma_start3A_759] : memref<4096x4x768xf32, #tpu.memory_space<hbm>> -> memref<1x4x768xf32, #tpu.memory_space<hbm>>
      %dma_start3A_761 = tpu.memref_squeeze %dma_start3A_760 : memref<1x4x768xf32, #tpu.memory_space<hbm>> -> memref<4x768xf32, #tpu.memory_space<hbm>>
      %dma_start3A_762 = arith.constant 8 : i32
      %dma_start3A_763 = arith.constant 0 : i32
      %dma_start3A_764 = tpu.memref_slice %arg8[%rem3A_671, %dma_start3A_762, %dma_start3A_763] : memref<4x32x768xf32, #tpu.memory_space<vmem>> -> memref<1x4x768xf32, #tpu.memory_space<vmem>>
      %dma_start3A_765 = tpu.memref_squeeze %dma_start3A_764 : memref<1x4x768xf32, #tpu.memory_space<vmem>> -> memref<4x768xf32, #tpu.memory_space<vmem>>
      tpu.enqueue_dma source(%dma_start3A_765 : memref<4x768xf32, #tpu.memory_space<vmem>>) target(%dma_start3A_761 : memref<4x768xf32, #tpu.memory_space<hbm>>) target_semaphore(%arg13 : memref<!tpu.dma_semaphore, #tpu.memory_space<semaphore_mem>>)
      %add3A_766 = arith.constant 3 : i32
      %add3A_767 = arith.addi %add3A_711, %add3A_766 : i32
      %dma_start3A_768 = arith.constant 12 : i32
      %dma_start3A_769 = arith.constant 0 : i32
      %dma_start3A_770 = tpu.memref_slice %arg8[%rem3A_671, %dma_start3A_768, %dma_start3A_769] : memref<4x32x768xf32, #tpu.memory_space<vmem>> -> memref<1x4x768xf32, #tpu.memory_space<vmem>>
      %dma_start3A_771 = tpu.memref_squeeze %dma_start3A_770 : memref<1x4x768xf32, #tpu.memory_space<vmem>> -> memref<4x768xf32, #tpu.memory_space<vmem>>
      %dma_start3A_772 = arith.constant 0 : i32
      %dma_start3A_773 = arith.constant 0 : i32
      %dma_start3A_774 = tpu.memref_slice %arg6[%add3A_767, %dma_start3A_772, %dma_start3A_773] : memref<4096x4x768xf32, #tpu.memory_space<hbm>> -> memref<1x4x768xf32, #tpu.memory_space<hbm>>
      %dma_start3A_775 = tpu.memref_squeeze %dma_start3A_774 : memref<1x4x768xf32, #tpu.memory_space<hbm>> -> memref<4x768xf32, #tpu.memory_space<hbm>>
      %dma_start3A_776 = arith.constant 0 : i32
      %dma_start3A_777 = arith.constant 0 : i32
      %dma_start3A_778 = tpu.memref_slice %arg6[%add3A_767, %dma_start3A_776, %dma_start3A_777] : memref<4096x4x768xf32, #tpu.memory_space<hbm>> -> memref<1x4x768xf32, #tpu.memory_space<hbm>>
      %dma_start3A_779 = tpu.memref_squeeze %dma_start3A_778 : memref<1x4x768xf32, #tpu.memory_space<hbm>> -> memref<4x768xf32, #tpu.memory_space<hbm>>
      %dma_start3A_780 = arith.constant 12 : i32
      %dma_start3A_781 = arith.constant 0 : i32
      %dma_start3A_782 = tpu.memref_slice %arg8[%rem3A_671, %dma_start3A_780, %dma_start3A_781] : memref<4x32x768xf32, #tpu.memory_space<vmem>> -> memref<1x4x768xf32, #tpu.memory_space<vmem>>
      %dma_start3A_783 = tpu.memref_squeeze %dma_start3A_782 : memref<1x4x768xf32, #tpu.memory_space<vmem>> -> memref<4x768xf32, #tpu.memory_space<vmem>>
      tpu.enqueue_dma source(%dma_start3A_783 : memref<4x768xf32, #tpu.memory_space<vmem>>) target(%dma_start3A_779 : memref<4x768xf32, #tpu.memory_space<hbm>>) target_semaphore(%arg13 : memref<!tpu.dma_semaphore, #tpu.memory_space<semaphore_mem>>)
      %add3A_784 = arith.constant 4 : i32
      %add3A_785 = arith.addi %add3A_711, %add3A_784 : i32
      %dma_start3A_786 = arith.constant 16 : i32
      %dma_start3A_787 = arith.constant 0 : i32
      %dma_start3A_788 = tpu.memref_slice %arg8[%rem3A_671, %dma_start3A_786, %dma_start3A_787] : memref<4x32x768xf32, #tpu.memory_space<vmem>> -> memref<1x4x768xf32, #tpu.memory_space<vmem>>
      %dma_start3A_789 = tpu.memref_squeeze %dma_start3A_788 : memref<1x4x768xf32, #tpu.memory_space<vmem>> -> memref<4x768xf32, #tpu.memory_space<vmem>>
      %dma_start3A_790 = arith.constant 0 : i32
      %dma_start3A_791 = arith.constant 0 : i32
      %dma_start3A_792 = tpu.memref_slice %arg6[%add3A_785, %dma_start3A_790, %dma_start3A_791] : memref<4096x4x768xf32, #tpu.memory_space<hbm>> -> memref<1x4x768xf32, #tpu.memory_space<hbm>>
      %dma_start3A_793 = tpu.memref_squeeze %dma_start3A_792 : memref<1x4x768xf32, #tpu.memory_space<hbm>> -> memref<4x768xf32, #tpu.memory_space<hbm>>
      %dma_start3A_794 = arith.constant 0 : i32
      %dma_start3A_795 = arith.constant 0 : i32
      %dma_start3A_796 = tpu.memref_slice %arg6[%add3A_785, %dma_start3A_794, %dma_start3A_795] : memref<4096x4x768xf32, #tpu.memory_space<hbm>> -> memref<1x4x768xf32, #tpu.memory_space<hbm>>
      %dma_start3A_797 = tpu.memref_squeeze %dma_start3A_796 : memref<1x4x768xf32, #tpu.memory_space<hbm>> -> memref<4x768xf32, #tpu.memory_space<hbm>>
      %dma_start3A_798 = arith.constant 16 : i32
      %dma_start3A_799 = arith.constant 0 : i32
      %dma_start3A_800 = tpu.memref_slice %arg8[%rem3A_671, %dma_start3A_798, %dma_start3A_799] : memref<4x32x768xf32, #tpu.memory_space<vmem>> -> memref<1x4x768xf32, #tpu.memory_space<vmem>>
      %dma_start3A_801 = tpu.memref_squeeze %dma_start3A_800 : memref<1x4x768xf32, #tpu.memory_space<vmem>> -> memref<4x768xf32, #tpu.memory_space<vmem>>
      tpu.enqueue_dma source(%dma_start3A_801 : memref<4x768xf32, #tpu.memory_space<vmem>>) target(%dma_start3A_797 : memref<4x768xf32, #tpu.memory_space<hbm>>) target_semaphore(%arg13 : memref<!tpu.dma_semaphore, #tpu.memory_space<semaphore_mem>>)
      %add3A_802 = arith.constant 5 : i32
      %add3A_803 = arith.addi %add3A_711, %add3A_802 : i32
      %dma_start3A_804 = arith.constant 20 : i32
      %dma_start3A_805 = arith.constant 0 : i32
      %dma_start3A_806 = tpu.memref_slice %arg8[%rem3A_671, %dma_start3A_804, %dma_start3A_805] : memref<4x32x768xf32, #tpu.memory_space<vmem>> -> memref<1x4x768xf32, #tpu.memory_space<vmem>>
      %dma_start3A_807 = tpu.memref_squeeze %dma_start3A_806 : memref<1x4x768xf32, #tpu.memory_space<vmem>> -> memref<4x768xf32, #tpu.memory_space<vmem>>
      %dma_start3A_808 = arith.constant 0 : i32
      %dma_start3A_809 = arith.constant 0 : i32
      %dma_start3A_810 = tpu.memref_slice %arg6[%add3A_803, %dma_start3A_808, %dma_start3A_809] : memref<4096x4x768xf32, #tpu.memory_space<hbm>> -> memref<1x4x768xf32, #tpu.memory_space<hbm>>
      %dma_start3A_811 = tpu.memref_squeeze %dma_start3A_810 : memref<1x4x768xf32, #tpu.memory_space<hbm>> -> memref<4x768xf32, #tpu.memory_space<hbm>>
      %dma_start3A_812 = arith.constant 0 : i32
      %dma_start3A_813 = arith.constant 0 : i32
      %dma_start3A_814 = tpu.memref_slice %arg6[%add3A_803, %dma_start3A_812, %dma_start3A_813] : memref<4096x4x768xf32, #tpu.memory_space<hbm>> -> memref<1x4x768xf32, #tpu.memory_space<hbm>>
      %dma_start3A_815 = tpu.memref_squeeze %dma_start3A_814 : memref<1x4x768xf32, #tpu.memory_space<hbm>> -> memref<4x768xf32, #tpu.memory_space<hbm>>
      %dma_start3A_816 = arith.constant 20 : i32
      %dma_start3A_817 = arith.constant 0 : i32
      %dma_start3A_818 = tpu.memref_slice %arg8[%rem3A_671, %dma_start3A_816, %dma_start3A_817] : memref<4x32x768xf32, #tpu.memory_space<vmem>> -> memref<1x4x768xf32, #tpu.memory_space<vmem>>
      %dma_start3A_819 = tpu.memref_squeeze %dma_start3A_818 : memref<1x4x768xf32, #tpu.memory_space<vmem>> -> memref<4x768xf32, #tpu.memory_space<vmem>>
      tpu.enqueue_dma source(%dma_start3A_819 : memref<4x768xf32, #tpu.memory_space<vmem>>) target(%dma_start3A_815 : memref<4x768xf32, #tpu.memory_space<hbm>>) target_semaphore(%arg13 : memref<!tpu.dma_semaphore, #tpu.memory_space<semaphore_mem>>)
      %add3A_820 = arith.constant 6 : i32
      %add3A_821 = arith.addi %add3A_711, %add3A_820 : i32
      %dma_start3A_822 = arith.constant 24 : i32
      %dma_start3A_823 = arith.constant 0 : i32
      %dma_start3A_824 = tpu.memref_slice %arg8[%rem3A_671, %dma_start3A_822, %dma_start3A_823] : memref<4x32x768xf32, #tpu.memory_space<vmem>> -> memref<1x4x768xf32, #tpu.memory_space<vmem>>
      %dma_start3A_825 = tpu.memref_squeeze %dma_start3A_824 : memref<1x4x768xf32, #tpu.memory_space<vmem>> -> memref<4x768xf32, #tpu.memory_space<vmem>>
      %dma_start3A_826 = arith.constant 0 : i32
      %dma_start3A_827 = arith.constant 0 : i32
      %dma_start3A_828 = tpu.memref_slice %arg6[%add3A_821, %dma_start3A_826, %dma_start3A_827] : memref<4096x4x768xf32, #tpu.memory_space<hbm>> -> memref<1x4x768xf32, #tpu.memory_space<hbm>>
      %dma_start3A_829 = tpu.memref_squeeze %dma_start3A_828 : memref<1x4x768xf32, #tpu.memory_space<hbm>> -> memref<4x768xf32, #tpu.memory_space<hbm>>
      %dma_start3A_830 = arith.constant 0 : i32
      %dma_start3A_831 = arith.constant 0 : i32
      %dma_start3A_832 = tpu.memref_slice %arg6[%add3A_821, %dma_start3A_830, %dma_start3A_831] : memref<4096x4x768xf32, #tpu.memory_space<hbm>> -> memref<1x4x768xf32, #tpu.memory_space<hbm>>
      %dma_start3A_833 = tpu.memref_squeeze %dma_start3A_832 : memref<1x4x768xf32, #tpu.memory_space<hbm>> -> memref<4x768xf32, #tpu.memory_space<hbm>>
      %dma_start3A_834 = arith.constant 24 : i32
      %dma_start3A_835 = arith.constant 0 : i32
      %dma_start3A_836 = tpu.memref_slice %arg8[%rem3A_671, %dma_start3A_834, %dma_start3A_835] : memref<4x32x768xf32, #tpu.memory_space<vmem>> -> memref<1x4x768xf32, #tpu.memory_space<vmem>>
      %dma_start3A_837 = tpu.memref_squeeze %dma_start3A_836 : memref<1x4x768xf32, #tpu.memory_space<vmem>> -> memref<4x768xf32, #tpu.memory_space<vmem>>
      tpu.enqueue_dma source(%dma_start3A_837 : memref<4x768xf32, #tpu.memory_space<vmem>>) target(%dma_start3A_833 : memref<4x768xf32, #tpu.memory_space<hbm>>) target_semaphore(%arg13 : memref<!tpu.dma_semaphore, #tpu.memory_space<semaphore_mem>>)
      %add3A_838 = arith.constant 7 : i32
      %add3A_839 = arith.addi %add3A_711, %add3A_838 : i32
      %dma_start3A_840 = arith.constant 28 : i32
      %dma_start3A_841 = arith.constant 0 : i32
      %dma_start3A_842 = tpu.memref_slice %arg8[%rem3A_671, %dma_start3A_840, %dma_start3A_841] : memref<4x32x768xf32, #tpu.memory_space<vmem>> -> memref<1x4x768xf32, #tpu.memory_space<vmem>>
      %dma_start3A_843 = tpu.memref_squeeze %dma_start3A_842 : memref<1x4x768xf32, #tpu.memory_space<vmem>> -> memref<4x768xf32, #tpu.memory_space<vmem>>
      %dma_start3A_844 = arith.constant 0 : i32
      %dma_start3A_845 = arith.constant 0 : i32
      %dma_start3A_846 = tpu.memref_slice %arg6[%add3A_839, %dma_start3A_844, %dma_start3A_845] : memref<4096x4x768xf32, #tpu.memory_space<hbm>> -> memref<1x4x768xf32, #tpu.memory_space<hbm>>
      %dma_start3A_847 = tpu.memref_squeeze %dma_start3A_846 : memref<1x4x768xf32, #tpu.memory_space<hbm>> -> memref<4x768xf32, #tpu.memory_space<hbm>>
      %dma_start3A_848 = arith.constant 0 : i32
      %dma_start3A_849 = arith.constant 0 : i32
      %dma_start3A_850 = tpu.memref_slice %arg6[%add3A_839, %dma_start3A_848, %dma_start3A_849] : memref<4096x4x768xf32, #tpu.memory_space<hbm>> -> memref<1x4x768xf32, #tpu.memory_space<hbm>>
      %dma_start3A_851 = tpu.memref_squeeze %dma_start3A_850 : memref<1x4x768xf32, #tpu.memory_space<hbm>> -> memref<4x768xf32, #tpu.memory_space<hbm>>
      %dma_start3A_852 = arith.constant 28 : i32
      %dma_start3A_853 = arith.constant 0 : i32
      %dma_start3A_854 = tpu.memref_slice %arg8[%rem3A_671, %dma_start3A_852, %dma_start3A_853] : memref<4x32x768xf32, #tpu.memory_space<vmem>> -> memref<1x4x768xf32, #tpu.memory_space<vmem>>
      %dma_start3A_855 = tpu.memref_squeeze %dma_start3A_854 : memref<1x4x768xf32, #tpu.memory_space<vmem>> -> memref<4x768xf32, #tpu.memory_space<vmem>>
      tpu.enqueue_dma source(%dma_start3A_855 : memref<4x768xf32, #tpu.memory_space<vmem>>) target(%dma_start3A_851 : memref<4x768xf32, #tpu.memory_space<hbm>>) target_semaphore(%arg13 : memref<!tpu.dma_semaphore, #tpu.memory_space<semaphore_mem>>)
    }
    %scan3A_89 = arith.constant 16 : i32
    %dma_wait3A = arith.constant 0 : i32
    %dma_wait3A_90 = arith.constant 0 : i32
    %dma_wait3A_91 = arith.constant 0 : i32
    %dma_wait3A_92 = arith.constant 0 : i32
    %dma_wait3A_93 = tpu.memref_slice %arg8[%dma_wait3A, %dma_wait3A_91, %dma_wait3A_92] : memref<4x32x768xf32, #tpu.memory_space<vmem>> -> memref<1x4x768xf32, #tpu.memory_space<vmem>>
    %dma_wait3A_94 = tpu.memref_squeeze %dma_wait3A_93 : memref<1x4x768xf32, #tpu.memory_space<vmem>> -> memref<4x768xf32, #tpu.memory_space<vmem>>
    %dma_wait3A_95 = arith.constant 0 : i32
    %dma_wait3A_96 = arith.constant 0 : i32
    %dma_wait3A_97 = tpu.memref_slice %arg6[%dma_wait3A_90, %dma_wait3A_95, %dma_wait3A_96] : memref<4096x4x768xf32, #tpu.memory_space<hbm>> -> memref<1x4x768xf32, #tpu.memory_space<hbm>>
    %dma_wait3A_98 = tpu.memref_squeeze %dma_wait3A_97 : memref<1x4x768xf32, #tpu.memory_space<hbm>> -> memref<4x768xf32, #tpu.memory_space<hbm>>
    %dma_wait3A_99 = arith.constant 0 : i32
    %dma_wait3A_100 = arith.constant 0 : i32
    %dma_wait3A_101 = tpu.memref_slice %arg6[%dma_wait3A_90, %dma_wait3A_99, %dma_wait3A_100] : memref<4096x4x768xf32, #tpu.memory_space<hbm>> -> memref<1x4x768xf32, #tpu.memory_space<hbm>>
    %dma_wait3A_102 = tpu.memref_squeeze %dma_wait3A_101 : memref<1x4x768xf32, #tpu.memory_space<hbm>> -> memref<4x768xf32, #tpu.memory_space<hbm>>
    %dma_wait3A_103 = arith.constant 0 : i32
    %dma_wait3A_104 = arith.constant 0 : i32
    %dma_wait3A_105 = tpu.memref_slice %arg8[%dma_wait3A, %dma_wait3A_103, %dma_wait3A_104] : memref<4x32x768xf32, #tpu.memory_space<vmem>> -> memref<1x4x768xf32, #tpu.memory_space<vmem>>
    %dma_wait3A_106 = tpu.memref_squeeze %dma_wait3A_105 : memref<1x4x768xf32, #tpu.memory_space<vmem>> -> memref<4x768xf32, #tpu.memory_space<vmem>>
    tpu.wait_dma2 semaphore(%arg13 : memref<!tpu.dma_semaphore, #tpu.memory_space<semaphore_mem>>) src(%dma_wait3A_106 : memref<4x768xf32, #tpu.memory_space<vmem>>) dst(%dma_wait3A_102 : memref<4x768xf32, #tpu.memory_space<hbm>>)
    %dma_wait3A_107 = arith.constant 0 : i32
    %dma_wait3A_108 = arith.constant 0 : i32
    %dma_wait3A_109 = arith.constant 0 : i32
    %dma_wait3A_110 = arith.constant 0 : i32
    %dma_wait3A_111 = tpu.memref_slice %arg8[%dma_wait3A_107, %dma_wait3A_109, %dma_wait3A_110] : memref<4x32x768xf32, #tpu.memory_space<vmem>> -> memref<1x4x768xf32, #tpu.memory_space<vmem>>
    %dma_wait3A_112 = tpu.memref_squeeze %dma_wait3A_111 : memref<1x4x768xf32, #tpu.memory_space<vmem>> -> memref<4x768xf32, #tpu.memory_space<vmem>>
    %dma_wait3A_113 = arith.constant 0 : i32
    %dma_wait3A_114 = arith.constant 0 : i32
    %dma_wait3A_115 = tpu.memref_slice %arg6[%dma_wait3A_108, %dma_wait3A_113, %dma_wait3A_114] : memref<4096x4x768xf32, #tpu.memory_space<hbm>> -> memref<1x4x768xf32, #tpu.memory_space<hbm>>
    %dma_wait3A_116 = tpu.memref_squeeze %dma_wait3A_115 : memref<1x4x768xf32, #tpu.memory_space<hbm>> -> memref<4x768xf32, #tpu.memory_space<hbm>>
    %dma_wait3A_117 = arith.constant 0 : i32
    %dma_wait3A_118 = arith.constant 0 : i32
    %dma_wait3A_119 = tpu.memref_slice %arg6[%dma_wait3A_108, %dma_wait3A_117, %dma_wait3A_118] : memref<4096x4x768xf32, #tpu.memory_space<hbm>> -> memref<1x4x768xf32, #tpu.memory_space<hbm>>
    %dma_wait3A_120 = tpu.memref_squeeze %dma_wait3A_119 : memref<1x4x768xf32, #tpu.memory_space<hbm>> -> memref<4x768xf32, #tpu.memory_space<hbm>>
    %dma_wait3A_121 = arith.constant 0 : i32
    %dma_wait3A_122 = arith.constant 0 : i32
    %dma_wait3A_123 = tpu.memref_slice %arg8[%dma_wait3A_107, %dma_wait3A_121, %dma_wait3A_122] : memref<4x32x768xf32, #tpu.memory_space<vmem>> -> memref<1x4x768xf32, #tpu.memory_space<vmem>>
    %dma_wait3A_124 = tpu.memref_squeeze %dma_wait3A_123 : memref<1x4x768xf32, #tpu.memory_space<vmem>> -> memref<4x768xf32, #tpu.memory_space<vmem>>
    tpu.wait_dma2 semaphore(%arg13 : memref<!tpu.dma_semaphore, #tpu.memory_space<semaphore_mem>>) src(%dma_wait3A_124 : memref<4x768xf32, #tpu.memory_space<vmem>>) dst(%dma_wait3A_120 : memref<4x768xf32, #tpu.memory_space<hbm>>)
    %dma_wait3A_125 = arith.constant 0 : i32
    %dma_wait3A_126 = arith.constant 0 : i32
    %dma_wait3A_127 = arith.constant 0 : i32
    %dma_wait3A_128 = arith.constant 0 : i32
    %dma_wait3A_129 = tpu.memref_slice %arg8[%dma_wait3A_125, %dma_wait3A_127, %dma_wait3A_128] : memref<4x32x768xf32, #tpu.memory_space<vmem>> -> memref<1x4x768xf32, #tpu.memory_space<vmem>>
    %dma_wait3A_130 = tpu.memref_squeeze %dma_wait3A_129 : memref<1x4x768xf32, #tpu.memory_space<vmem>> -> memref<4x768xf32, #tpu.memory_space<vmem>>
    %dma_wait3A_131 = arith.constant 0 : i32
    %dma_wait3A_132 = arith.constant 0 : i32
    %dma_wait3A_133 = tpu.memref_slice %arg6[%dma_wait3A_126, %dma_wait3A_131, %dma_wait3A_132] : memref<4096x4x768xf32, #tpu.memory_space<hbm>> -> memref<1x4x768xf32, #tpu.memory_space<hbm>>
    %dma_wait3A_134 = tpu.memref_squeeze %dma_wait3A_133 : memref<1x4x768xf32, #tpu.memory_space<hbm>> -> memref<4x768xf32, #tpu.memory_space<hbm>>
    %dma_wait3A_135 = arith.constant 0 : i32
    %dma_wait3A_136 = arith.constant 0 : i32
    %dma_wait3A_137 = tpu.memref_slice %arg6[%dma_wait3A_126, %dma_wait3A_135, %dma_wait3A_136] : memref<4096x4x768xf32, #tpu.memory_space<hbm>> -> memref<1x4x768xf32, #tpu.memory_space<hbm>>
    %dma_wait3A_138 = tpu.memref_squeeze %dma_wait3A_137 : memref<1x4x768xf32, #tpu.memory_space<hbm>> -> memref<4x768xf32, #tpu.memory_space<hbm>>
    %dma_wait3A_139 = arith.constant 0 : i32
    %dma_wait3A_140 = arith.constant 0 : i32
    %dma_wait3A_141 = tpu.memref_slice %arg8[%dma_wait3A_125, %dma_wait3A_139, %dma_wait3A_140] : memref<4x32x768xf32, #tpu.memory_space<vmem>> -> memref<1x4x768xf32, #tpu.memory_space<vmem>>
    %dma_wait3A_142 = tpu.memref_squeeze %dma_wait3A_141 : memref<1x4x768xf32, #tpu.memory_space<vmem>> -> memref<4x768xf32, #tpu.memory_space<vmem>>
    tpu.wait_dma2 semaphore(%arg13 : memref<!tpu.dma_semaphore, #tpu.memory_space<semaphore_mem>>) src(%dma_wait3A_142 : memref<4x768xf32, #tpu.memory_space<vmem>>) dst(%dma_wait3A_138 : memref<4x768xf32, #tpu.memory_space<hbm>>)
    %dma_wait3A_143 = arith.constant 0 : i32
    %dma_wait3A_144 = arith.constant 0 : i32
    %dma_wait3A_145 = arith.constant 0 : i32
    %dma_wait3A_146 = arith.constant 0 : i32
    %dma_wait3A_147 = tpu.memref_slice %arg8[%dma_wait3A_143, %dma_wait3A_145, %dma_wait3A_146] : memref<4x32x768xf32, #tpu.memory_space<vmem>> -> memref<1x4x768xf32, #tpu.memory_space<vmem>>
    %dma_wait3A_148 = tpu.memref_squeeze %dma_wait3A_147 : memref<1x4x768xf32, #tpu.memory_space<vmem>> -> memref<4x768xf32, #tpu.memory_space<vmem>>
    %dma_wait3A_149 = arith.constant 0 : i32
    %dma_wait3A_150 = arith.constant 0 : i32
    %dma_wait3A_151 = tpu.memref_slice %arg6[%dma_wait3A_144, %dma_wait3A_149, %dma_wait3A_150] : memref<4096x4x768xf32, #tpu.memory_space<hbm>> -> memref<1x4x768xf32, #tpu.memory_space<hbm>>
    %dma_wait3A_152 = tpu.memref_squeeze %dma_wait3A_151 : memref<1x4x768xf32, #tpu.memory_space<hbm>> -> memref<4x768xf32, #tpu.memory_space<hbm>>
    %dma_wait3A_153 = arith.constant 0 : i32
    %dma_wait3A_154 = arith.constant 0 : i32
    %dma_wait3A_155 = tpu.memref_slice %arg6[%dma_wait3A_144, %dma_wait3A_153, %dma_wait3A_154] : memref<4096x4x768xf32, #tpu.memory_space<hbm>> -> memref<1x4x768xf32, #tpu.memory_space<hbm>>
    %dma_wait3A_156 = tpu.memref_squeeze %dma_wait3A_155 : memref<1x4x768xf32, #tpu.memory_space<hbm>> -> memref<4x768xf32, #tpu.memory_space<hbm>>
    %dma_wait3A_157 = arith.constant 0 : i32
    %dma_wait3A_158 = arith.constant 0 : i32
    %dma_wait3A_159 = tpu.memref_slice %arg8[%dma_wait3A_143, %dma_wait3A_157, %dma_wait3A_158] : memref<4x32x768xf32, #tpu.memory_space<vmem>> -> memref<1x4x768xf32, #tpu.memory_space<vmem>>
    %dma_wait3A_160 = tpu.memref_squeeze %dma_wait3A_159 : memref<1x4x768xf32, #tpu.memory_space<vmem>> -> memref<4x768xf32, #tpu.memory_space<vmem>>
    tpu.wait_dma2 semaphore(%arg13 : memref<!tpu.dma_semaphore, #tpu.memory_space<semaphore_mem>>) src(%dma_wait3A_160 : memref<4x768xf32, #tpu.memory_space<vmem>>) dst(%dma_wait3A_156 : memref<4x768xf32, #tpu.memory_space<hbm>>)
    %dma_wait3A_161 = arith.constant 0 : i32
    %dma_wait3A_162 = arith.constant 0 : i32
    %dma_wait3A_163 = arith.constant 0 : i32
    %dma_wait3A_164 = arith.constant 0 : i32
    %dma_wait3A_165 = tpu.memref_slice %arg8[%dma_wait3A_161, %dma_wait3A_163, %dma_wait3A_164] : memref<4x32x768xf32, #tpu.memory_space<vmem>> -> memref<1x4x768xf32, #tpu.memory_space<vmem>>
    %dma_wait3A_166 = tpu.memref_squeeze %dma_wait3A_165 : memref<1x4x768xf32, #tpu.memory_space<vmem>> -> memref<4x768xf32, #tpu.memory_space<vmem>>
    %dma_wait3A_167 = arith.constant 0 : i32
    %dma_wait3A_168 = arith.constant 0 : i32
    %dma_wait3A_169 = tpu.memref_slice %arg6[%dma_wait3A_162, %dma_wait3A_167, %dma_wait3A_168] : memref<4096x4x768xf32, #tpu.memory_space<hbm>> -> memref<1x4x768xf32, #tpu.memory_space<hbm>>
    %dma_wait3A_170 = tpu.memref_squeeze %dma_wait3A_169 : memref<1x4x768xf32, #tpu.memory_space<hbm>> -> memref<4x768xf32, #tpu.memory_space<hbm>>
    %dma_wait3A_171 = arith.constant 0 : i32
    %dma_wait3A_172 = arith.constant 0 : i32
    %dma_wait3A_173 = tpu.memref_slice %arg6[%dma_wait3A_162, %dma_wait3A_171, %dma_wait3A_172] : memref<4096x4x768xf32, #tpu.memory_space<hbm>> -> memref<1x4x768xf32, #tpu.memory_space<hbm>>
    %dma_wait3A_174 = tpu.memref_squeeze %dma_wait3A_173 : memref<1x4x768xf32, #tpu.memory_space<hbm>> -> memref<4x768xf32, #tpu.memory_space<hbm>>
    %dma_wait3A_175 = arith.constant 0 : i32
    %dma_wait3A_176 = arith.constant 0 : i32
    %dma_wait3A_177 = tpu.memref_slice %arg8[%dma_wait3A_161, %dma_wait3A_175, %dma_wait3A_176] : memref<4x32x768xf32, #tpu.memory_space<vmem>> -> memref<1x4x768xf32, #tpu.memory_space<vmem>>
    %dma_wait3A_178 = tpu.memref_squeeze %dma_wait3A_177 : memref<1x4x768xf32, #tpu.memory_space<vmem>> -> memref<4x768xf32, #tpu.memory_space<vmem>>
    tpu.wait_dma2 semaphore(%arg13 : memref<!tpu.dma_semaphore, #tpu.memory_space<semaphore_mem>>) src(%dma_wait3A_178 : memref<4x768xf32, #tpu.memory_space<vmem>>) dst(%dma_wait3A_174 : memref<4x768xf32, #tpu.memory_space<hbm>>)
    %dma_wait3A_179 = arith.constant 0 : i32
    %dma_wait3A_180 = arith.constant 0 : i32
    %dma_wait3A_181 = arith.constant 0 : i32
    %dma_wait3A_182 = arith.constant 0 : i32
    %dma_wait3A_183 = tpu.memref_slice %arg8[%dma_wait3A_179, %dma_wait3A_181, %dma_wait3A_182] : memref<4x32x768xf32, #tpu.memory_space<vmem>> -> memref<1x4x768xf32, #tpu.memory_space<vmem>>
    %dma_wait3A_184 = tpu.memref_squeeze %dma_wait3A_183 : memref<1x4x768xf32, #tpu.memory_space<vmem>> -> memref<4x768xf32, #tpu.memory_space<vmem>>
    %dma_wait3A_185 = arith.constant 0 : i32
    %dma_wait3A_186 = arith.constant 0 : i32
    %dma_wait3A_187 = tpu.memref_slice %arg6[%dma_wait3A_180, %dma_wait3A_185, %dma_wait3A_186] : memref<4096x4x768xf32, #tpu.memory_space<hbm>> -> memref<1x4x768xf32, #tpu.memory_space<hbm>>
    %dma_wait3A_188 = tpu.memref_squeeze %dma_wait3A_187 : memref<1x4x768xf32, #tpu.memory_space<hbm>> -> memref<4x768xf32, #tpu.memory_space<hbm>>
    %dma_wait3A_189 = arith.constant 0 : i32
    %dma_wait3A_190 = arith.constant 0 : i32
    %dma_wait3A_191 = tpu.memref_slice %arg6[%dma_wait3A_180, %dma_wait3A_189, %dma_wait3A_190] : memref<4096x4x768xf32, #tpu.memory_space<hbm>> -> memref<1x4x768xf32, #tpu.memory_space<hbm>>
    %dma_wait3A_192 = tpu.memref_squeeze %dma_wait3A_191 : memref<1x4x768xf32, #tpu.memory_space<hbm>> -> memref<4x768xf32, #tpu.memory_space<hbm>>
    %dma_wait3A_193 = arith.constant 0 : i32
    %dma_wait3A_194 = arith.constant 0 : i32
    %dma_wait3A_195 = tpu.memref_slice %arg8[%dma_wait3A_179, %dma_wait3A_193, %dma_wait3A_194] : memref<4x32x768xf32, #tpu.memory_space<vmem>> -> memref<1x4x768xf32, #tpu.memory_space<vmem>>
    %dma_wait3A_196 = tpu.memref_squeeze %dma_wait3A_195 : memref<1x4x768xf32, #tpu.memory_space<vmem>> -> memref<4x768xf32, #tpu.memory_space<vmem>>
    tpu.wait_dma2 semaphore(%arg13 : memref<!tpu.dma_semaphore, #tpu.memory_space<semaphore_mem>>) src(%dma_wait3A_196 : memref<4x768xf32, #tpu.memory_space<vmem>>) dst(%dma_wait3A_192 : memref<4x768xf32, #tpu.memory_space<hbm>>)
    %dma_wait3A_197 = arith.constant 0 : i32
    %dma_wait3A_198 = arith.constant 0 : i32
    %dma_wait3A_199 = arith.constant 0 : i32
    %dma_wait3A_200 = arith.constant 0 : i32
    %dma_wait3A_201 = tpu.memref_slice %arg8[%dma_wait3A_197, %dma_wait3A_199, %dma_wait3A_200] : memref<4x32x768xf32, #tpu.memory_space<vmem>> -> memref<1x4x768xf32, #tpu.memory_space<vmem>>
    %dma_wait3A_202 = tpu.memref_squeeze %dma_wait3A_201 : memref<1x4x768xf32, #tpu.memory_space<vmem>> -> memref<4x768xf32, #tpu.memory_space<vmem>>
    %dma_wait3A_203 = arith.constant 0 : i32
    %dma_wait3A_204 = arith.constant 0 : i32
    %dma_wait3A_205 = tpu.memref_slice %arg6[%dma_wait3A_198, %dma_wait3A_203, %dma_wait3A_204] : memref<4096x4x768xf32, #tpu.memory_space<hbm>> -> memref<1x4x768xf32, #tpu.memory_space<hbm>>
    %dma_wait3A_206 = tpu.memref_squeeze %dma_wait3A_205 : memref<1x4x768xf32, #tpu.memory_space<hbm>> -> memref<4x768xf32, #tpu.memory_space<hbm>>
    %dma_wait3A_207 = arith.constant 0 : i32
    %dma_wait3A_208 = arith.constant 0 : i32
    %dma_wait3A_209 = tpu.memref_slice %arg6[%dma_wait3A_198, %dma_wait3A_207, %dma_wait3A_208] : memref<4096x4x768xf32, #tpu.memory_space<hbm>> -> memref<1x4x768xf32, #tpu.memory_space<hbm>>
    %dma_wait3A_210 = tpu.memref_squeeze %dma_wait3A_209 : memref<1x4x768xf32, #tpu.memory_space<hbm>> -> memref<4x768xf32, #tpu.memory_space<hbm>>
    %dma_wait3A_211 = arith.constant 0 : i32
    %dma_wait3A_212 = arith.constant 0 : i32
    %dma_wait3A_213 = tpu.memref_slice %arg8[%dma_wait3A_197, %dma_wait3A_211, %dma_wait3A_212] : memref<4x32x768xf32, #tpu.memory_space<vmem>> -> memref<1x4x768xf32, #tpu.memory_space<vmem>>
    %dma_wait3A_214 = tpu.memref_squeeze %dma_wait3A_213 : memref<1x4x768xf32, #tpu.memory_space<vmem>> -> memref<4x768xf32, #tpu.memory_space<vmem>>
    tpu.wait_dma2 semaphore(%arg13 : memref<!tpu.dma_semaphore, #tpu.memory_space<semaphore_mem>>) src(%dma_wait3A_214 : memref<4x768xf32, #tpu.memory_space<vmem>>) dst(%dma_wait3A_210 : memref<4x768xf32, #tpu.memory_space<hbm>>)
    %dma_wait3A_215 = arith.constant 0 : i32
    %dma_wait3A_216 = arith.constant 0 : i32
    %dma_wait3A_217 = arith.constant 0 : i32
    %dma_wait3A_218 = arith.constant 0 : i32
    %dma_wait3A_219 = tpu.memref_slice %arg8[%dma_wait3A_215, %dma_wait3A_217, %dma_wait3A_218] : memref<4x32x768xf32, #tpu.memory_space<vmem>> -> memref<1x4x768xf32, #tpu.memory_space<vmem>>
    %dma_wait3A_220 = tpu.memref_squeeze %dma_wait3A_219 : memref<1x4x768xf32, #tpu.memory_space<vmem>> -> memref<4x768xf32, #tpu.memory_space<vmem>>
    %dma_wait3A_221 = arith.constant 0 : i32
    %dma_wait3A_222 = arith.constant 0 : i32
    %dma_wait3A_223 = tpu.memref_slice %arg6[%dma_wait3A_216, %dma_wait3A_221, %dma_wait3A_222] : memref<4096x4x768xf32, #tpu.memory_space<hbm>> -> memref<1x4x768xf32, #tpu.memory_space<hbm>>
    %dma_wait3A_224 = tpu.memref_squeeze %dma_wait3A_223 : memref<1x4x768xf32, #tpu.memory_space<hbm>> -> memref<4x768xf32, #tpu.memory_space<hbm>>
    %dma_wait3A_225 = arith.constant 0 : i32
    %dma_wait3A_226 = arith.constant 0 : i32
    %dma_wait3A_227 = tpu.memref_slice %arg6[%dma_wait3A_216, %dma_wait3A_225, %dma_wait3A_226] : memref<4096x4x768xf32, #tpu.memory_space<hbm>> -> memref<1x4x768xf32, #tpu.memory_space<hbm>>
    %dma_wait3A_228 = tpu.memref_squeeze %dma_wait3A_227 : memref<1x4x768xf32, #tpu.memory_space<hbm>> -> memref<4x768xf32, #tpu.memory_space<hbm>>
    %dma_wait3A_229 = arith.constant 0 : i32
    %dma_wait3A_230 = arith.constant 0 : i32
    %dma_wait3A_231 = tpu.memref_slice %arg8[%dma_wait3A_215, %dma_wait3A_229, %dma_wait3A_230] : memref<4x32x768xf32, #tpu.memory_space<vmem>> -> memref<1x4x768xf32, #tpu.memory_space<vmem>>
    %dma_wait3A_232 = tpu.memref_squeeze %dma_wait3A_231 : memref<1x4x768xf32, #tpu.memory_space<vmem>> -> memref<4x768xf32, #tpu.memory_space<vmem>>
    tpu.wait_dma2 semaphore(%arg13 : memref<!tpu.dma_semaphore, #tpu.memory_space<semaphore_mem>>) src(%dma_wait3A_232 : memref<4x768xf32, #tpu.memory_space<vmem>>) dst(%dma_wait3A_228 : memref<4x768xf32, #tpu.memory_space<hbm>>)
    %dma_wait3A_233 = arith.constant 0 : i32
    %dma_wait3A_234 = arith.constant 0 : i32
    %dma_wait3A_235 = arith.constant 0 : i32
    %dma_wait3A_236 = arith.constant 0 : i32
    %dma_wait3A_237 = tpu.memref_slice %arg8[%dma_wait3A_233, %dma_wait3A_235, %dma_wait3A_236] : memref<4x32x768xf32, #tpu.memory_space<vmem>> -> memref<1x4x768xf32, #tpu.memory_space<vmem>>
    %dma_wait3A_238 = tpu.memref_squeeze %dma_wait3A_237 : memref<1x4x768xf32, #tpu.memory_space<vmem>> -> memref<4x768xf32, #tpu.memory_space<vmem>>
    %dma_wait3A_239 = arith.constant 0 : i32
    %dma_wait3A_240 = arith.constant 0 : i32
    %dma_wait3A_241 = tpu.memref_slice %arg6[%dma_wait3A_234, %dma_wait3A_239, %dma_wait3A_240] : memref<4096x4x768xf32, #tpu.memory_space<hbm>> -> memref<1x4x768xf32, #tpu.memory_space<hbm>>
    %dma_wait3A_242 = tpu.memref_squeeze %dma_wait3A_241 : memref<1x4x768xf32, #tpu.memory_space<hbm>> -> memref<4x768xf32, #tpu.memory_space<hbm>>
    %dma_wait3A_243 = arith.constant 0 : i32
    %dma_wait3A_244 = arith.constant 0 : i32
    %dma_wait3A_245 = tpu.memref_slice %arg6[%dma_wait3A_234, %dma_wait3A_243, %dma_wait3A_244] : memref<4096x4x768xf32, #tpu.memory_space<hbm>> -> memref<1x4x768xf32, #tpu.memory_space<hbm>>
    %dma_wait3A_246 = tpu.memref_squeeze %dma_wait3A_245 : memref<1x4x768xf32, #tpu.memory_space<hbm>> -> memref<4x768xf32, #tpu.memory_space<hbm>>
    %dma_wait3A_247 = arith.constant 0 : i32
    %dma_wait3A_248 = arith.constant 0 : i32
    %dma_wait3A_249 = tpu.memref_slice %arg8[%dma_wait3A_233, %dma_wait3A_247, %dma_wait3A_248] : memref<4x32x768xf32, #tpu.memory_space<vmem>> -> memref<1x4x768xf32, #tpu.memory_space<vmem>>
    %dma_wait3A_250 = tpu.memref_squeeze %dma_wait3A_249 : memref<1x4x768xf32, #tpu.memory_space<vmem>> -> memref<4x768xf32, #tpu.memory_space<vmem>>
    tpu.wait_dma2 semaphore(%arg13 : memref<!tpu.dma_semaphore, #tpu.memory_space<semaphore_mem>>) src(%dma_wait3A_250 : memref<4x768xf32, #tpu.memory_space<vmem>>) dst(%dma_wait3A_246 : memref<4x768xf32, #tpu.memory_space<hbm>>)
    %dma_wait3A_251 = arith.constant 0 : i32
    %dma_wait3A_252 = arith.constant 0 : i32
    %dma_wait3A_253 = arith.constant 0 : i32
    %dma_wait3A_254 = arith.constant 0 : i32
    %dma_wait3A_255 = tpu.memref_slice %arg8[%dma_wait3A_251, %dma_wait3A_253, %dma_wait3A_254] : memref<4x32x768xf32, #tpu.memory_space<vmem>> -> memref<1x4x768xf32, #tpu.memory_space<vmem>>
    %dma_wait3A_256 = tpu.memref_squeeze %dma_wait3A_255 : memref<1x4x768xf32, #tpu.memory_space<vmem>> -> memref<4x768xf32, #tpu.memory_space<vmem>>
    %dma_wait3A_257 = arith.constant 0 : i32
    %dma_wait3A_258 = arith.constant 0 : i32
    %dma_wait3A_259 = tpu.memref_slice %arg6[%dma_wait3A_252, %dma_wait3A_257, %dma_wait3A_258] : memref<4096x4x768xf32, #tpu.memory_space<hbm>> -> memref<1x4x768xf32, #tpu.memory_space<hbm>>
    %dma_wait3A_260 = tpu.memref_squeeze %dma_wait3A_259 : memref<1x4x768xf32, #tpu.memory_space<hbm>> -> memref<4x768xf32, #tpu.memory_space<hbm>>
    %dma_wait3A_261 = arith.constant 0 : i32
    %dma_wait3A_262 = arith.constant 0 : i32
    %dma_wait3A_263 = tpu.memref_slice %arg6[%dma_wait3A_252, %dma_wait3A_261, %dma_wait3A_262] : memref<4096x4x768xf32, #tpu.memory_space<hbm>> -> memref<1x4x768xf32, #tpu.memory_space<hbm>>
    %dma_wait3A_264 = tpu.memref_squeeze %dma_wait3A_263 : memref<1x4x768xf32, #tpu.memory_space<hbm>> -> memref<4x768xf32, #tpu.memory_space<hbm>>
    %dma_wait3A_265 = arith.constant 0 : i32
    %dma_wait3A_266 = arith.constant 0 : i32
    %dma_wait3A_267 = tpu.memref_slice %arg8[%dma_wait3A_251, %dma_wait3A_265, %dma_wait3A_266] : memref<4x32x768xf32, #tpu.memory_space<vmem>> -> memref<1x4x768xf32, #tpu.memory_space<vmem>>
    %dma_wait3A_268 = tpu.memref_squeeze %dma_wait3A_267 : memref<1x4x768xf32, #tpu.memory_space<vmem>> -> memref<4x768xf32, #tpu.memory_space<vmem>>
    tpu.wait_dma2 semaphore(%arg13 : memref<!tpu.dma_semaphore, #tpu.memory_space<semaphore_mem>>) src(%dma_wait3A_268 : memref<4x768xf32, #tpu.memory_space<vmem>>) dst(%dma_wait3A_264 : memref<4x768xf32, #tpu.memory_space<hbm>>)
    %dma_wait3A_269 = arith.constant 0 : i32
    %dma_wait3A_270 = arith.constant 0 : i32
    %dma_wait3A_271 = arith.constant 0 : i32
    %dma_wait3A_272 = arith.constant 0 : i32
    %dma_wait3A_273 = tpu.memref_slice %arg8[%dma_wait3A_269, %dma_wait3A_271, %dma_wait3A_272] : memref<4x32x768xf32, #tpu.memory_space<vmem>> -> memref<1x4x768xf32, #tpu.memory_space<vmem>>
    %dma_wait3A_274 = tpu.memref_squeeze %dma_wait3A_273 : memref<1x4x768xf32, #tpu.memory_space<vmem>> -> memref<4x768xf32, #tpu.memory_space<vmem>>
    %dma_wait3A_275 = arith.constant 0 : i32
    %dma_wait3A_276 = arith.constant 0 : i32
    %dma_wait3A_277 = tpu.memref_slice %arg6[%dma_wait3A_270, %dma_wait3A_275, %dma_wait3A_276] : memref<4096x4x768xf32, #tpu.memory_space<hbm>> -> memref<1x4x768xf32, #tpu.memory_space<hbm>>
    %dma_wait3A_278 = tpu.memref_squeeze %dma_wait3A_277 : memref<1x4x768xf32, #tpu.memory_space<hbm>> -> memref<4x768xf32, #tpu.memory_space<hbm>>
    %dma_wait3A_279 = arith.constant 0 : i32
    %dma_wait3A_280 = arith.constant 0 : i32
    %dma_wait3A_281 = tpu.memref_slice %arg6[%dma_wait3A_270, %dma_wait3A_279, %dma_wait3A_280] : memref<4096x4x768xf32, #tpu.memory_space<hbm>> -> memref<1x4x768xf32, #tpu.memory_space<hbm>>
    %dma_wait3A_282 = tpu.memref_squeeze %dma_wait3A_281 : memref<1x4x768xf32, #tpu.memory_space<hbm>> -> memref<4x768xf32, #tpu.memory_space<hbm>>
    %dma_wait3A_283 = arith.constant 0 : i32
    %dma_wait3A_284 = arith.constant 0 : i32
    %dma_wait3A_285 = tpu.memref_slice %arg8[%dma_wait3A_269, %dma_wait3A_283, %dma_wait3A_284] : memref<4x32x768xf32, #tpu.memory_space<vmem>> -> memref<1x4x768xf32, #tpu.memory_space<vmem>>
    %dma_wait3A_286 = tpu.memref_squeeze %dma_wait3A_285 : memref<1x4x768xf32, #tpu.memory_space<vmem>> -> memref<4x768xf32, #tpu.memory_space<vmem>>
    tpu.wait_dma2 semaphore(%arg13 : memref<!tpu.dma_semaphore, #tpu.memory_space<semaphore_mem>>) src(%dma_wait3A_286 : memref<4x768xf32, #tpu.memory_space<vmem>>) dst(%dma_wait3A_282 : memref<4x768xf32, #tpu.memory_space<hbm>>)
    %dma_wait3A_287 = arith.constant 0 : i32
    %dma_wait3A_288 = arith.constant 0 : i32
    %dma_wait3A_289 = arith.constant 0 : i32
    %dma_wait3A_290 = arith.constant 0 : i32
    %dma_wait3A_291 = tpu.memref_slice %arg8[%dma_wait3A_287, %dma_wait3A_289, %dma_wait3A_290] : memref<4x32x768xf32, #tpu.memory_space<vmem>> -> memref<1x4x768xf32, #tpu.memory_space<vmem>>
    %dma_wait3A_292 = tpu.memref_squeeze %dma_wait3A_291 : memref<1x4x768xf32, #tpu.memory_space<vmem>> -> memref<4x768xf32, #tpu.memory_space<vmem>>
    %dma_wait3A_293 = arith.constant 0 : i32
    %dma_wait3A_294 = arith.constant 0 : i32
    %dma_wait3A_295 = tpu.memref_slice %arg6[%dma_wait3A_288, %dma_wait3A_293, %dma_wait3A_294] : memref<4096x4x768xf32, #tpu.memory_space<hbm>> -> memref<1x4x768xf32, #tpu.memory_space<hbm>>
    %dma_wait3A_296 = tpu.memref_squeeze %dma_wait3A_295 : memref<1x4x768xf32, #tpu.memory_space<hbm>> -> memref<4x768xf32, #tpu.memory_space<hbm>>
    %dma_wait3A_297 = arith.constant 0 : i32
    %dma_wait3A_298 = arith.constant 0 : i32
    %dma_wait3A_299 = tpu.memref_slice %arg6[%dma_wait3A_288, %dma_wait3A_297, %dma_wait3A_298] : memref<4096x4x768xf32, #tpu.memory_space<hbm>> -> memref<1x4x768xf32, #tpu.memory_space<hbm>>
    %dma_wait3A_300 = tpu.memref_squeeze %dma_wait3A_299 : memref<1x4x768xf32, #tpu.memory_space<hbm>> -> memref<4x768xf32, #tpu.memory_space<hbm>>
    %dma_wait3A_301 = arith.constant 0 : i32
    %dma_wait3A_302 = arith.constant 0 : i32
    %dma_wait3A_303 = tpu.memref_slice %arg8[%dma_wait3A_287, %dma_wait3A_301, %dma_wait3A_302] : memref<4x32x768xf32, #tpu.memory_space<vmem>> -> memref<1x4x768xf32, #tpu.memory_space<vmem>>
    %dma_wait3A_304 = tpu.memref_squeeze %dma_wait3A_303 : memref<1x4x768xf32, #tpu.memory_space<vmem>> -> memref<4x768xf32, #tpu.memory_space<vmem>>
    tpu.wait_dma2 semaphore(%arg13 : memref<!tpu.dma_semaphore, #tpu.memory_space<semaphore_mem>>) src(%dma_wait3A_304 : memref<4x768xf32, #tpu.memory_space<vmem>>) dst(%dma_wait3A_300 : memref<4x768xf32, #tpu.memory_space<hbm>>)
    %dma_wait3A_305 = arith.constant 0 : i32
    %dma_wait3A_306 = arith.constant 0 : i32
    %dma_wait3A_307 = arith.constant 0 : i32
    %dma_wait3A_308 = arith.constant 0 : i32
    %dma_wait3A_309 = tpu.memref_slice %arg8[%dma_wait3A_305, %dma_wait3A_307, %dma_wait3A_308] : memref<4x32x768xf32, #tpu.memory_space<vmem>> -> memref<1x4x768xf32, #tpu.memory_space<vmem>>
    %dma_wait3A_310 = tpu.memref_squeeze %dma_wait3A_309 : memref<1x4x768xf32, #tpu.memory_space<vmem>> -> memref<4x768xf32, #tpu.memory_space<vmem>>
    %dma_wait3A_311 = arith.constant 0 : i32
    %dma_wait3A_312 = arith.constant 0 : i32
    %dma_wait3A_313 = tpu.memref_slice %arg6[%dma_wait3A_306, %dma_wait3A_311, %dma_wait3A_312] : memref<4096x4x768xf32, #tpu.memory_space<hbm>> -> memref<1x4x768xf32, #tpu.memory_space<hbm>>
    %dma_wait3A_314 = tpu.memref_squeeze %dma_wait3A_313 : memref<1x4x768xf32, #tpu.memory_space<hbm>> -> memref<4x768xf32, #tpu.memory_space<hbm>>
    %dma_wait3A_315 = arith.constant 0 : i32
    %dma_wait3A_316 = arith.constant 0 : i32
    %dma_wait3A_317 = tpu.memref_slice %arg6[%dma_wait3A_306, %dma_wait3A_315, %dma_wait3A_316] : memref<4096x4x768xf32, #tpu.memory_space<hbm>> -> memref<1x4x768xf32, #tpu.memory_space<hbm>>
    %dma_wait3A_318 = tpu.memref_squeeze %dma_wait3A_317 : memref<1x4x768xf32, #tpu.memory_space<hbm>> -> memref<4x768xf32, #tpu.memory_space<hbm>>
    %dma_wait3A_319 = arith.constant 0 : i32
    %dma_wait3A_320 = arith.constant 0 : i32
    %dma_wait3A_321 = tpu.memref_slice %arg8[%dma_wait3A_305, %dma_wait3A_319, %dma_wait3A_320] : memref<4x32x768xf32, #tpu.memory_space<vmem>> -> memref<1x4x768xf32, #tpu.memory_space<vmem>>
    %dma_wait3A_322 = tpu.memref_squeeze %dma_wait3A_321 : memref<1x4x768xf32, #tpu.memory_space<vmem>> -> memref<4x768xf32, #tpu.memory_space<vmem>>
    tpu.wait_dma2 semaphore(%arg13 : memref<!tpu.dma_semaphore, #tpu.memory_space<semaphore_mem>>) src(%dma_wait3A_322 : memref<4x768xf32, #tpu.memory_space<vmem>>) dst(%dma_wait3A_318 : memref<4x768xf32, #tpu.memory_space<hbm>>)
    %dma_wait3A_323 = arith.constant 0 : i32
    %dma_wait3A_324 = arith.constant 0 : i32
    %dma_wait3A_325 = arith.constant 0 : i32
    %dma_wait3A_326 = arith.constant 0 : i32
    %dma_wait3A_327 = tpu.memref_slice %arg8[%dma_wait3A_323, %dma_wait3A_325, %dma_wait3A_326] : memref<4x32x768xf32, #tpu.memory_space<vmem>> -> memref<1x4x768xf32, #tpu.memory_space<vmem>>
    %dma_wait3A_328 = tpu.memref_squeeze %dma_wait3A_327 : memref<1x4x768xf32, #tpu.memory_space<vmem>> -> memref<4x768xf32, #tpu.memory_space<vmem>>
    %dma_wait3A_329 = arith.constant 0 : i32
    %dma_wait3A_330 = arith.constant 0 : i32
    %dma_wait3A_331 = tpu.memref_slice %arg6[%dma_wait3A_324, %dma_wait3A_329, %dma_wait3A_330] : memref<4096x4x768xf32, #tpu.memory_space<hbm>> -> memref<1x4x768xf32, #tpu.memory_space<hbm>>
    %dma_wait3A_332 = tpu.memref_squeeze %dma_wait3A_331 : memref<1x4x768xf32, #tpu.memory_space<hbm>> -> memref<4x768xf32, #tpu.memory_space<hbm>>
    %dma_wait3A_333 = arith.constant 0 : i32
    %dma_wait3A_334 = arith.constant 0 : i32
    %dma_wait3A_335 = tpu.memref_slice %arg6[%dma_wait3A_324, %dma_wait3A_333, %dma_wait3A_334] : memref<4096x4x768xf32, #tpu.memory_space<hbm>> -> memref<1x4x768xf32, #tpu.memory_space<hbm>>
    %dma_wait3A_336 = tpu.memref_squeeze %dma_wait3A_335 : memref<1x4x768xf32, #tpu.memory_space<hbm>> -> memref<4x768xf32, #tpu.memory_space<hbm>>
    %dma_wait3A_337 = arith.constant 0 : i32
    %dma_wait3A_338 = arith.constant 0 : i32
    %dma_wait3A_339 = tpu.memref_slice %arg8[%dma_wait3A_323, %dma_wait3A_337, %dma_wait3A_338] : memref<4x32x768xf32, #tpu.memory_space<vmem>> -> memref<1x4x768xf32, #tpu.memory_space<vmem>>
    %dma_wait3A_340 = tpu.memref_squeeze %dma_wait3A_339 : memref<1x4x768xf32, #tpu.memory_space<vmem>> -> memref<4x768xf32, #tpu.memory_space<vmem>>
    tpu.wait_dma2 semaphore(%arg13 : memref<!tpu.dma_semaphore, #tpu.memory_space<semaphore_mem>>) src(%dma_wait3A_340 : memref<4x768xf32, #tpu.memory_space<vmem>>) dst(%dma_wait3A_336 : memref<4x768xf32, #tpu.memory_space<hbm>>)
    %dma_wait3A_341 = arith.constant 0 : i32
    %dma_wait3A_342 = arith.constant 0 : i32
    %dma_wait3A_343 = arith.constant 0 : i32
    %dma_wait3A_344 = arith.constant 0 : i32
    %dma_wait3A_345 = tpu.memref_slice %arg8[%dma_wait3A_341, %dma_wait3A_343, %dma_wait3A_344] : memref<4x32x768xf32, #tpu.memory_space<vmem>> -> memref<1x4x768xf32, #tpu.memory_space<vmem>>
    %dma_wait3A_346 = tpu.memref_squeeze %dma_wait3A_345 : memref<1x4x768xf32, #tpu.memory_space<vmem>> -> memref<4x768xf32, #tpu.memory_space<vmem>>
    %dma_wait3A_347 = arith.constant 0 : i32
    %dma_wait3A_348 = arith.constant 0 : i32
    %dma_wait3A_349 = tpu.memref_slice %arg6[%dma_wait3A_342, %dma_wait3A_347, %dma_wait3A_348] : memref<4096x4x768xf32, #tpu.memory_space<hbm>> -> memref<1x4x768xf32, #tpu.memory_space<hbm>>
    %dma_wait3A_350 = tpu.memref_squeeze %dma_wait3A_349 : memref<1x4x768xf32, #tpu.memory_space<hbm>> -> memref<4x768xf32, #tpu.memory_space<hbm>>
    %dma_wait3A_351 = arith.constant 0 : i32
    %dma_wait3A_352 = arith.constant 0 : i32
    %dma_wait3A_353 = tpu.memref_slice %arg6[%dma_wait3A_342, %dma_wait3A_351, %dma_wait3A_352] : memref<4096x4x768xf32, #tpu.memory_space<hbm>> -> memref<1x4x768xf32, #tpu.memory_space<hbm>>
    %dma_wait3A_354 = tpu.memref_squeeze %dma_wait3A_353 : memref<1x4x768xf32, #tpu.memory_space<hbm>> -> memref<4x768xf32, #tpu.memory_space<hbm>>
    %dma_wait3A_355 = arith.constant 0 : i32
    %dma_wait3A_356 = arith.constant 0 : i32
    %dma_wait3A_357 = tpu.memref_slice %arg8[%dma_wait3A_341, %dma_wait3A_355, %dma_wait3A_356] : memref<4x32x768xf32, #tpu.memory_space<vmem>> -> memref<1x4x768xf32, #tpu.memory_space<vmem>>
    %dma_wait3A_358 = tpu.memref_squeeze %dma_wait3A_357 : memref<1x4x768xf32, #tpu.memory_space<vmem>> -> memref<4x768xf32, #tpu.memory_space<vmem>>
    tpu.wait_dma2 semaphore(%arg13 : memref<!tpu.dma_semaphore, #tpu.memory_space<semaphore_mem>>) src(%dma_wait3A_358 : memref<4x768xf32, #tpu.memory_space<vmem>>) dst(%dma_wait3A_354 : memref<4x768xf32, #tpu.memory_space<hbm>>)
    %dma_wait3A_359 = arith.constant 0 : i32
    %dma_wait3A_360 = arith.constant 0 : i32
    %dma_wait3A_361 = arith.constant 0 : i32
    %dma_wait3A_362 = arith.constant 0 : i32
    %dma_wait3A_363 = tpu.memref_slice %arg8[%dma_wait3A_359, %dma_wait3A_361, %dma_wait3A_362] : memref<4x32x768xf32, #tpu.memory_space<vmem>> -> memref<1x4x768xf32, #tpu.memory_space<vmem>>
    %dma_wait3A_364 = tpu.memref_squeeze %dma_wait3A_363 : memref<1x4x768xf32, #tpu.memory_space<vmem>> -> memref<4x768xf32, #tpu.memory_space<vmem>>
    %dma_wait3A_365 = arith.constant 0 : i32
    %dma_wait3A_366 = arith.constant 0 : i32
    %dma_wait3A_367 = tpu.memref_slice %arg6[%dma_wait3A_360, %dma_wait3A_365, %dma_wait3A_366] : memref<4096x4x768xf32, #tpu.memory_space<hbm>> -> memref<1x4x768xf32, #tpu.memory_space<hbm>>
    %dma_wait3A_368 = tpu.memref_squeeze %dma_wait3A_367 : memref<1x4x768xf32, #tpu.memory_space<hbm>> -> memref<4x768xf32, #tpu.memory_space<hbm>>
    %dma_wait3A_369 = arith.constant 0 : i32
    %dma_wait3A_370 = arith.constant 0 : i32
    %dma_wait3A_371 = tpu.memref_slice %arg6[%dma_wait3A_360, %dma_wait3A_369, %dma_wait3A_370] : memref<4096x4x768xf32, #tpu.memory_space<hbm>> -> memref<1x4x768xf32, #tpu.memory_space<hbm>>
    %dma_wait3A_372 = tpu.memref_squeeze %dma_wait3A_371 : memref<1x4x768xf32, #tpu.memory_space<hbm>> -> memref<4x768xf32, #tpu.memory_space<hbm>>
    %dma_wait3A_373 = arith.constant 0 : i32
    %dma_wait3A_374 = arith.constant 0 : i32
    %dma_wait3A_375 = tpu.memref_slice %arg8[%dma_wait3A_359, %dma_wait3A_373, %dma_wait3A_374] : memref<4x32x768xf32, #tpu.memory_space<vmem>> -> memref<1x4x768xf32, #tpu.memory_space<vmem>>
    %dma_wait3A_376 = tpu.memref_squeeze %dma_wait3A_375 : memref<1x4x768xf32, #tpu.memory_space<vmem>> -> memref<4x768xf32, #tpu.memory_space<vmem>>
    tpu.wait_dma2 semaphore(%arg13 : memref<!tpu.dma_semaphore, #tpu.memory_space<semaphore_mem>>) src(%dma_wait3A_376 : memref<4x768xf32, #tpu.memory_space<vmem>>) dst(%dma_wait3A_372 : memref<4x768xf32, #tpu.memory_space<hbm>>)
    %dma_wait3A_377 = arith.constant 0 : i32
    %dma_wait3A_378 = arith.constant 0 : i32
    %dma_wait3A_379 = arith.constant 0 : i32
    %dma_wait3A_380 = arith.constant 0 : i32
    %dma_wait3A_381 = tpu.memref_slice %arg8[%dma_wait3A_377, %dma_wait3A_379, %dma_wait3A_380] : memref<4x32x768xf32, #tpu.memory_space<vmem>> -> memref<1x4x768xf32, #tpu.memory_space<vmem>>
    %dma_wait3A_382 = tpu.memref_squeeze %dma_wait3A_381 : memref<1x4x768xf32, #tpu.memory_space<vmem>> -> memref<4x768xf32, #tpu.memory_space<vmem>>
    %dma_wait3A_383 = arith.constant 0 : i32
    %dma_wait3A_384 = arith.constant 0 : i32
    %dma_wait3A_385 = tpu.memref_slice %arg6[%dma_wait3A_378, %dma_wait3A_383, %dma_wait3A_384] : memref<4096x4x768xf32, #tpu.memory_space<hbm>> -> memref<1x4x768xf32, #tpu.memory_space<hbm>>
    %dma_wait3A_386 = tpu.memref_squeeze %dma_wait3A_385 : memref<1x4x768xf32, #tpu.memory_space<hbm>> -> memref<4x768xf32, #tpu.memory_space<hbm>>
    %dma_wait3A_387 = arith.constant 0 : i32
    %dma_wait3A_388 = arith.constant 0 : i32
    %dma_wait3A_389 = tpu.memref_slice %arg6[%dma_wait3A_378, %dma_wait3A_387, %dma_wait3A_388] : memref<4096x4x768xf32, #tpu.memory_space<hbm>> -> memref<1x4x768xf32, #tpu.memory_space<hbm>>
    %dma_wait3A_390 = tpu.memref_squeeze %dma_wait3A_389 : memref<1x4x768xf32, #tpu.memory_space<hbm>> -> memref<4x768xf32, #tpu.memory_space<hbm>>
    %dma_wait3A_391 = arith.constant 0 : i32
    %dma_wait3A_392 = arith.constant 0 : i32
    %dma_wait3A_393 = tpu.memref_slice %arg8[%dma_wait3A_377, %dma_wait3A_391, %dma_wait3A_392] : memref<4x32x768xf32, #tpu.memory_space<vmem>> -> memref<1x4x768xf32, #tpu.memory_space<vmem>>
    %dma_wait3A_394 = tpu.memref_squeeze %dma_wait3A_393 : memref<1x4x768xf32, #tpu.memory_space<vmem>> -> memref<4x768xf32, #tpu.memory_space<vmem>>
    tpu.wait_dma2 semaphore(%arg13 : memref<!tpu.dma_semaphore, #tpu.memory_space<semaphore_mem>>) src(%dma_wait3A_394 : memref<4x768xf32, #tpu.memory_space<vmem>>) dst(%dma_wait3A_390 : memref<4x768xf32, #tpu.memory_space<hbm>>)
    %dma_wait3A_395 = arith.constant 0 : i32
    %dma_wait3A_396 = arith.constant 0 : i32
    %dma_wait3A_397 = arith.constant 0 : i32
    %dma_wait3A_398 = arith.constant 0 : i32
    %dma_wait3A_399 = tpu.memref_slice %arg8[%dma_wait3A_395, %dma_wait3A_397, %dma_wait3A_398] : memref<4x32x768xf32, #tpu.memory_space<vmem>> -> memref<1x4x768xf32, #tpu.memory_space<vmem>>
    %dma_wait3A_400 = tpu.memref_squeeze %dma_wait3A_399 : memref<1x4x768xf32, #tpu.memory_space<vmem>> -> memref<4x768xf32, #tpu.memory_space<vmem>>
    %dma_wait3A_401 = arith.constant 0 : i32
    %dma_wait3A_402 = arith.constant 0 : i32
    %dma_wait3A_403 = tpu.memref_slice %arg6[%dma_wait3A_396, %dma_wait3A_401, %dma_wait3A_402] : memref<4096x4x768xf32, #tpu.memory_space<hbm>> -> memref<1x4x768xf32, #tpu.memory_space<hbm>>
    %dma_wait3A_404 = tpu.memref_squeeze %dma_wait3A_403 : memref<1x4x768xf32, #tpu.memory_space<hbm>> -> memref<4x768xf32, #tpu.memory_space<hbm>>
    %dma_wait3A_405 = arith.constant 0 : i32
    %dma_wait3A_406 = arith.constant 0 : i32
    %dma_wait3A_407 = tpu.memref_slice %arg6[%dma_wait3A_396, %dma_wait3A_405, %dma_wait3A_406] : memref<4096x4x768xf32, #tpu.memory_space<hbm>> -> memref<1x4x768xf32, #tpu.memory_space<hbm>>
    %dma_wait3A_408 = tpu.memref_squeeze %dma_wait3A_407 : memref<1x4x768xf32, #tpu.memory_space<hbm>> -> memref<4x768xf32, #tpu.memory_space<hbm>>
    %dma_wait3A_409 = arith.constant 0 : i32
    %dma_wait3A_410 = arith.constant 0 : i32
    %dma_wait3A_411 = tpu.memref_slice %arg8[%dma_wait3A_395, %dma_wait3A_409, %dma_wait3A_410] : memref<4x32x768xf32, #tpu.memory_space<vmem>> -> memref<1x4x768xf32, #tpu.memory_space<vmem>>
    %dma_wait3A_412 = tpu.memref_squeeze %dma_wait3A_411 : memref<1x4x768xf32, #tpu.memory_space<vmem>> -> memref<4x768xf32, #tpu.memory_space<vmem>>
    tpu.wait_dma2 semaphore(%arg13 : memref<!tpu.dma_semaphore, #tpu.memory_space<semaphore_mem>>) src(%dma_wait3A_412 : memref<4x768xf32, #tpu.memory_space<vmem>>) dst(%dma_wait3A_408 : memref<4x768xf32, #tpu.memory_space<hbm>>)
    %dma_wait3A_413 = arith.constant 0 : i32
    %dma_wait3A_414 = arith.constant 0 : i32
    %dma_wait3A_415 = arith.constant 0 : i32
    %dma_wait3A_416 = arith.constant 0 : i32
    %dma_wait3A_417 = tpu.memref_slice %arg8[%dma_wait3A_413, %dma_wait3A_415, %dma_wait3A_416] : memref<4x32x768xf32, #tpu.memory_space<vmem>> -> memref<1x4x768xf32, #tpu.memory_space<vmem>>
    %dma_wait3A_418 = tpu.memref_squeeze %dma_wait3A_417 : memref<1x4x768xf32, #tpu.memory_space<vmem>> -> memref<4x768xf32, #tpu.memory_space<vmem>>
    %dma_wait3A_419 = arith.constant 0 : i32
    %dma_wait3A_420 = arith.constant 0 : i32
    %dma_wait3A_421 = tpu.memref_slice %arg6[%dma_wait3A_414, %dma_wait3A_419, %dma_wait3A_420] : memref<4096x4x768xf32, #tpu.memory_space<hbm>> -> memref<1x4x768xf32, #tpu.memory_space<hbm>>
    %dma_wait3A_422 = tpu.memref_squeeze %dma_wait3A_421 : memref<1x4x768xf32, #tpu.memory_space<hbm>> -> memref<4x768xf32, #tpu.memory_space<hbm>>
    %dma_wait3A_423 = arith.constant 0 : i32
    %dma_wait3A_424 = arith.constant 0 : i32
    %dma_wait3A_425 = tpu.memref_slice %arg6[%dma_wait3A_414, %dma_wait3A_423, %dma_wait3A_424] : memref<4096x4x768xf32, #tpu.memory_space<hbm>> -> memref<1x4x768xf32, #tpu.memory_space<hbm>>
    %dma_wait3A_426 = tpu.memref_squeeze %dma_wait3A_425 : memref<1x4x768xf32, #tpu.memory_space<hbm>> -> memref<4x768xf32, #tpu.memory_space<hbm>>
    %dma_wait3A_427 = arith.constant 0 : i32
    %dma_wait3A_428 = arith.constant 0 : i32
    %dma_wait3A_429 = tpu.memref_slice %arg8[%dma_wait3A_413, %dma_wait3A_427, %dma_wait3A_428] : memref<4x32x768xf32, #tpu.memory_space<vmem>> -> memref<1x4x768xf32, #tpu.memory_space<vmem>>
    %dma_wait3A_430 = tpu.memref_squeeze %dma_wait3A_429 : memref<1x4x768xf32, #tpu.memory_space<vmem>> -> memref<4x768xf32, #tpu.memory_space<vmem>>
    tpu.wait_dma2 semaphore(%arg13 : memref<!tpu.dma_semaphore, #tpu.memory_space<semaphore_mem>>) src(%dma_wait3A_430 : memref<4x768xf32, #tpu.memory_space<vmem>>) dst(%dma_wait3A_426 : memref<4x768xf32, #tpu.memory_space<hbm>>)
    %dma_wait3A_431 = arith.constant 0 : i32
    %dma_wait3A_432 = arith.constant 0 : i32
    %dma_wait3A_433 = arith.constant 0 : i32
    %dma_wait3A_434 = arith.constant 0 : i32
    %dma_wait3A_435 = tpu.memref_slice %arg8[%dma_wait3A_431, %dma_wait3A_433, %dma_wait3A_434] : memref<4x32x768xf32, #tpu.memory_space<vmem>> -> memref<1x4x768xf32, #tpu.memory_space<vmem>>
    %dma_wait3A_436 = tpu.memref_squeeze %dma_wait3A_435 : memref<1x4x768xf32, #tpu.memory_space<vmem>> -> memref<4x768xf32, #tpu.memory_space<vmem>>
    %dma_wait3A_437 = arith.constant 0 : i32
    %dma_wait3A_438 = arith.constant 0 : i32
    %dma_wait3A_439 = tpu.memref_slice %arg6[%dma_wait3A_432, %dma_wait3A_437, %dma_wait3A_438] : memref<4096x4x768xf32, #tpu.memory_space<hbm>> -> memref<1x4x768xf32, #tpu.memory_space<hbm>>
    %dma_wait3A_440 = tpu.memref_squeeze %dma_wait3A_439 : memref<1x4x768xf32, #tpu.memory_space<hbm>> -> memref<4x768xf32, #tpu.memory_space<hbm>>
    %dma_wait3A_441 = arith.constant 0 : i32
    %dma_wait3A_442 = arith.constant 0 : i32
    %dma_wait3A_443 = tpu.memref_slice %arg6[%dma_wait3A_432, %dma_wait3A_441, %dma_wait3A_442] : memref<4096x4x768xf32, #tpu.memory_space<hbm>> -> memref<1x4x768xf32, #tpu.memory_space<hbm>>
    %dma_wait3A_444 = tpu.memref_squeeze %dma_wait3A_443 : memref<1x4x768xf32, #tpu.memory_space<hbm>> -> memref<4x768xf32, #tpu.memory_space<hbm>>
    %dma_wait3A_445 = arith.constant 0 : i32
    %dma_wait3A_446 = arith.constant 0 : i32
    %dma_wait3A_447 = tpu.memref_slice %arg8[%dma_wait3A_431, %dma_wait3A_445, %dma_wait3A_446] : memref<4x32x768xf32, #tpu.memory_space<vmem>> -> memref<1x4x768xf32, #tpu.memory_space<vmem>>
    %dma_wait3A_448 = tpu.memref_squeeze %dma_wait3A_447 : memref<1x4x768xf32, #tpu.memory_space<vmem>> -> memref<4x768xf32, #tpu.memory_space<vmem>>
    tpu.wait_dma2 semaphore(%arg13 : memref<!tpu.dma_semaphore, #tpu.memory_space<semaphore_mem>>) src(%dma_wait3A_448 : memref<4x768xf32, #tpu.memory_space<vmem>>) dst(%dma_wait3A_444 : memref<4x768xf32, #tpu.memory_space<hbm>>)
    %dma_wait3A_449 = arith.constant 0 : i32
    %dma_wait3A_450 = arith.constant 0 : i32
    %dma_wait3A_451 = arith.constant 0 : i32
    %dma_wait3A_452 = arith.constant 0 : i32
    %dma_wait3A_453 = tpu.memref_slice %arg8[%dma_wait3A_449, %dma_wait3A_451, %dma_wait3A_452] : memref<4x32x768xf32, #tpu.memory_space<vmem>> -> memref<1x4x768xf32, #tpu.memory_space<vmem>>
    %dma_wait3A_454 = tpu.memref_squeeze %dma_wait3A_453 : memref<1x4x768xf32, #tpu.memory_space<vmem>> -> memref<4x768xf32, #tpu.memory_space<vmem>>
    %dma_wait3A_455 = arith.constant 0 : i32
    %dma_wait3A_456 = arith.constant 0 : i32
    %dma_wait3A_457 = tpu.memref_slice %arg6[%dma_wait3A_450, %dma_wait3A_455, %dma_wait3A_456] : memref<4096x4x768xf32, #tpu.memory_space<hbm>> -> memref<1x4x768xf32, #tpu.memory_space<hbm>>
    %dma_wait3A_458 = tpu.memref_squeeze %dma_wait3A_457 : memref<1x4x768xf32, #tpu.memory_space<hbm>> -> memref<4x768xf32, #tpu.memory_space<hbm>>
    %dma_wait3A_459 = arith.constant 0 : i32
    %dma_wait3A_460 = arith.constant 0 : i32
    %dma_wait3A_461 = tpu.memref_slice %arg6[%dma_wait3A_450, %dma_wait3A_459, %dma_wait3A_460] : memref<4096x4x768xf32, #tpu.memory_space<hbm>> -> memref<1x4x768xf32, #tpu.memory_space<hbm>>
    %dma_wait3A_462 = tpu.memref_squeeze %dma_wait3A_461 : memref<1x4x768xf32, #tpu.memory_space<hbm>> -> memref<4x768xf32, #tpu.memory_space<hbm>>
    %dma_wait3A_463 = arith.constant 0 : i32
    %dma_wait3A_464 = arith.constant 0 : i32
    %dma_wait3A_465 = tpu.memref_slice %arg8[%dma_wait3A_449, %dma_wait3A_463, %dma_wait3A_464] : memref<4x32x768xf32, #tpu.memory_space<vmem>> -> memref<1x4x768xf32, #tpu.memory_space<vmem>>
    %dma_wait3A_466 = tpu.memref_squeeze %dma_wait3A_465 : memref<1x4x768xf32, #tpu.memory_space<vmem>> -> memref<4x768xf32, #tpu.memory_space<vmem>>
    tpu.wait_dma2 semaphore(%arg13 : memref<!tpu.dma_semaphore, #tpu.memory_space<semaphore_mem>>) src(%dma_wait3A_466 : memref<4x768xf32, #tpu.memory_space<vmem>>) dst(%dma_wait3A_462 : memref<4x768xf32, #tpu.memory_space<hbm>>)
    %dma_wait3A_467 = arith.constant 0 : i32
    %dma_wait3A_468 = arith.constant 0 : i32
    %dma_wait3A_469 = arith.constant 0 : i32
    %dma_wait3A_470 = arith.constant 0 : i32
    %dma_wait3A_471 = tpu.memref_slice %arg8[%dma_wait3A_467, %dma_wait3A_469, %dma_wait3A_470] : memref<4x32x768xf32, #tpu.memory_space<vmem>> -> memref<1x4x768xf32, #tpu.memory_space<vmem>>
    %dma_wait3A_472 = tpu.memref_squeeze %dma_wait3A_471 : memref<1x4x768xf32, #tpu.memory_space<vmem>> -> memref<4x768xf32, #tpu.memory_space<vmem>>
    %dma_wait3A_473 = arith.constant 0 : i32
    %dma_wait3A_474 = arith.constant 0 : i32
    %dma_wait3A_475 = tpu.memref_slice %arg6[%dma_wait3A_468, %dma_wait3A_473, %dma_wait3A_474] : memref<4096x4x768xf32, #tpu.memory_space<hbm>> -> memref<1x4x768xf32, #tpu.memory_space<hbm>>
    %dma_wait3A_476 = tpu.memref_squeeze %dma_wait3A_475 : memref<1x4x768xf32, #tpu.memory_space<hbm>> -> memref<4x768xf32, #tpu.memory_space<hbm>>
    %dma_wait3A_477 = arith.constant 0 : i32
    %dma_wait3A_478 = arith.constant 0 : i32
    %dma_wait3A_479 = tpu.memref_slice %arg6[%dma_wait3A_468, %dma_wait3A_477, %dma_wait3A_478] : memref<4096x4x768xf32, #tpu.memory_space<hbm>> -> memref<1x4x768xf32, #tpu.memory_space<hbm>>
    %dma_wait3A_480 = tpu.memref_squeeze %dma_wait3A_479 : memref<1x4x768xf32, #tpu.memory_space<hbm>> -> memref<4x768xf32, #tpu.memory_space<hbm>>
    %dma_wait3A_481 = arith.constant 0 : i32
    %dma_wait3A_482 = arith.constant 0 : i32
    %dma_wait3A_483 = tpu.memref_slice %arg8[%dma_wait3A_467, %dma_wait3A_481, %dma_wait3A_482] : memref<4x32x768xf32, #tpu.memory_space<vmem>> -> memref<1x4x768xf32, #tpu.memory_space<vmem>>
    %dma_wait3A_484 = tpu.memref_squeeze %dma_wait3A_483 : memref<1x4x768xf32, #tpu.memory_space<vmem>> -> memref<4x768xf32, #tpu.memory_space<vmem>>
    tpu.wait_dma2 semaphore(%arg13 : memref<!tpu.dma_semaphore, #tpu.memory_space<semaphore_mem>>) src(%dma_wait3A_484 : memref<4x768xf32, #tpu.memory_space<vmem>>) dst(%dma_wait3A_480 : memref<4x768xf32, #tpu.memory_space<hbm>>)
    %dma_wait3A_485 = arith.constant 0 : i32
    %dma_wait3A_486 = arith.constant 0 : i32
    %dma_wait3A_487 = arith.constant 0 : i32
    %dma_wait3A_488 = arith.constant 0 : i32
    %dma_wait3A_489 = tpu.memref_slice %arg8[%dma_wait3A_485, %dma_wait3A_487, %dma_wait3A_488] : memref<4x32x768xf32, #tpu.memory_space<vmem>> -> memref<1x4x768xf32, #tpu.memory_space<vmem>>
    %dma_wait3A_490 = tpu.memref_squeeze %dma_wait3A_489 : memref<1x4x768xf32, #tpu.memory_space<vmem>> -> memref<4x768xf32, #tpu.memory_space<vmem>>
    %dma_wait3A_491 = arith.constant 0 : i32
    %dma_wait3A_492 = arith.constant 0 : i32
    %dma_wait3A_493 = tpu.memref_slice %arg6[%dma_wait3A_486, %dma_wait3A_491, %dma_wait3A_492] : memref<4096x4x768xf32, #tpu.memory_space<hbm>> -> memref<1x4x768xf32, #tpu.memory_space<hbm>>
    %dma_wait3A_494 = tpu.memref_squeeze %dma_wait3A_493 : memref<1x4x768xf32, #tpu.memory_space<hbm>> -> memref<4x768xf32, #tpu.memory_space<hbm>>
    %dma_wait3A_495 = arith.constant 0 : i32
    %dma_wait3A_496 = arith.constant 0 : i32
    %dma_wait3A_497 = tpu.memref_slice %arg6[%dma_wait3A_486, %dma_wait3A_495, %dma_wait3A_496] : memref<4096x4x768xf32, #tpu.memory_space<hbm>> -> memref<1x4x768xf32, #tpu.memory_space<hbm>>
    %dma_wait3A_498 = tpu.memref_squeeze %dma_wait3A_497 : memref<1x4x768xf32, #tpu.memory_space<hbm>> -> memref<4x768xf32, #tpu.memory_space<hbm>>
    %dma_wait3A_499 = arith.constant 0 : i32
    %dma_wait3A_500 = arith.constant 0 : i32
    %dma_wait3A_501 = tpu.memref_slice %arg8[%dma_wait3A_485, %dma_wait3A_499, %dma_wait3A_500] : memref<4x32x768xf32, #tpu.memory_space<vmem>> -> memref<1x4x768xf32, #tpu.memory_space<vmem>>
    %dma_wait3A_502 = tpu.memref_squeeze %dma_wait3A_501 : memref<1x4x768xf32, #tpu.memory_space<vmem>> -> memref<4x768xf32, #tpu.memory_space<vmem>>
    tpu.wait_dma2 semaphore(%arg13 : memref<!tpu.dma_semaphore, #tpu.memory_space<semaphore_mem>>) src(%dma_wait3A_502 : memref<4x768xf32, #tpu.memory_space<vmem>>) dst(%dma_wait3A_498 : memref<4x768xf32, #tpu.memory_space<hbm>>)
    %dma_wait3A_503 = arith.constant 0 : i32
    %dma_wait3A_504 = arith.constant 0 : i32
    %dma_wait3A_505 = arith.constant 0 : i32
    %dma_wait3A_506 = arith.constant 0 : i32
    %dma_wait3A_507 = tpu.memref_slice %arg8[%dma_wait3A_503, %dma_wait3A_505, %dma_wait3A_506] : memref<4x32x768xf32, #tpu.memory_space<vmem>> -> memref<1x4x768xf32, #tpu.memory_space<vmem>>
    %dma_wait3A_508 = tpu.memref_squeeze %dma_wait3A_507 : memref<1x4x768xf32, #tpu.memory_space<vmem>> -> memref<4x768xf32, #tpu.memory_space<vmem>>
    %dma_wait3A_509 = arith.constant 0 : i32
    %dma_wait3A_510 = arith.constant 0 : i32
    %dma_wait3A_511 = tpu.memref_slice %arg6[%dma_wait3A_504, %dma_wait3A_509, %dma_wait3A_510] : memref<4096x4x768xf32, #tpu.memory_space<hbm>> -> memref<1x4x768xf32, #tpu.memory_space<hbm>>
    %dma_wait3A_512 = tpu.memref_squeeze %dma_wait3A_511 : memref<1x4x768xf32, #tpu.memory_space<hbm>> -> memref<4x768xf32, #tpu.memory_space<hbm>>
    %dma_wait3A_513 = arith.constant 0 : i32
    %dma_wait3A_514 = arith.constant 0 : i32
    %dma_wait3A_515 = tpu.memref_slice %arg6[%dma_wait3A_504, %dma_wait3A_513, %dma_wait3A_514] : memref<4096x4x768xf32, #tpu.memory_space<hbm>> -> memref<1x4x768xf32, #tpu.memory_space<hbm>>
    %dma_wait3A_516 = tpu.memref_squeeze %dma_wait3A_515 : memref<1x4x768xf32, #tpu.memory_space<hbm>> -> memref<4x768xf32, #tpu.memory_space<hbm>>
    %dma_wait3A_517 = arith.constant 0 : i32
    %dma_wait3A_518 = arith.constant 0 : i32
    %dma_wait3A_519 = tpu.memref_slice %arg8[%dma_wait3A_503, %dma_wait3A_517, %dma_wait3A_518] : memref<4x32x768xf32, #tpu.memory_space<vmem>> -> memref<1x4x768xf32, #tpu.memory_space<vmem>>
    %dma_wait3A_520 = tpu.memref_squeeze %dma_wait3A_519 : memref<1x4x768xf32, #tpu.memory_space<vmem>> -> memref<4x768xf32, #tpu.memory_space<vmem>>
    tpu.wait_dma2 semaphore(%arg13 : memref<!tpu.dma_semaphore, #tpu.memory_space<semaphore_mem>>) src(%dma_wait3A_520 : memref<4x768xf32, #tpu.memory_space<vmem>>) dst(%dma_wait3A_516 : memref<4x768xf32, #tpu.memory_space<hbm>>)
    %dma_wait3A_521 = arith.constant 0 : i32
    %dma_wait3A_522 = arith.constant 0 : i32
    %dma_wait3A_523 = arith.constant 0 : i32
    %dma_wait3A_524 = arith.constant 0 : i32
    %dma_wait3A_525 = tpu.memref_slice %arg8[%dma_wait3A_521, %dma_wait3A_523, %dma_wait3A_524] : memref<4x32x768xf32, #tpu.memory_space<vmem>> -> memref<1x4x768xf32, #tpu.memory_space<vmem>>
    %dma_wait3A_526 = tpu.memref_squeeze %dma_wait3A_525 : memref<1x4x768xf32, #tpu.memory_space<vmem>> -> memref<4x768xf32, #tpu.memory_space<vmem>>
    %dma_wait3A_527 = arith.constant 0 : i32
    %dma_wait3A_528 = arith.constant 0 : i32
    %dma_wait3A_529 = tpu.memref_slice %arg6[%dma_wait3A_522, %dma_wait3A_527, %dma_wait3A_528] : memref<4096x4x768xf32, #tpu.memory_space<hbm>> -> memref<1x4x768xf32, #tpu.memory_space<hbm>>
    %dma_wait3A_530 = tpu.memref_squeeze %dma_wait3A_529 : memref<1x4x768xf32, #tpu.memory_space<hbm>> -> memref<4x768xf32, #tpu.memory_space<hbm>>
    %dma_wait3A_531 = arith.constant 0 : i32
    %dma_wait3A_532 = arith.constant 0 : i32
    %dma_wait3A_533 = tpu.memref_slice %arg6[%dma_wait3A_522, %dma_wait3A_531, %dma_wait3A_532] : memref<4096x4x768xf32, #tpu.memory_space<hbm>> -> memref<1x4x768xf32, #tpu.memory_space<hbm>>
    %dma_wait3A_534 = tpu.memref_squeeze %dma_wait3A_533 : memref<1x4x768xf32, #tpu.memory_space<hbm>> -> memref<4x768xf32, #tpu.memory_space<hbm>>
    %dma_wait3A_535 = arith.constant 0 : i32
    %dma_wait3A_536 = arith.constant 0 : i32
    %dma_wait3A_537 = tpu.memref_slice %arg8[%dma_wait3A_521, %dma_wait3A_535, %dma_wait3A_536] : memref<4x32x768xf32, #tpu.memory_space<vmem>> -> memref<1x4x768xf32, #tpu.memory_space<vmem>>
    %dma_wait3A_538 = tpu.memref_squeeze %dma_wait3A_537 : memref<1x4x768xf32, #tpu.memory_space<vmem>> -> memref<4x768xf32, #tpu.memory_space<vmem>>
    tpu.wait_dma2 semaphore(%arg13 : memref<!tpu.dma_semaphore, #tpu.memory_space<semaphore_mem>>) src(%dma_wait3A_538 : memref<4x768xf32, #tpu.memory_space<vmem>>) dst(%dma_wait3A_534 : memref<4x768xf32, #tpu.memory_space<hbm>>)
    %dma_wait3A_539 = arith.constant 0 : i32
    %dma_wait3A_540 = arith.constant 0 : i32
    %dma_wait3A_541 = arith.constant 0 : i32
    %dma_wait3A_542 = arith.constant 0 : i32
    %dma_wait3A_543 = tpu.memref_slice %arg8[%dma_wait3A_539, %dma_wait3A_541, %dma_wait3A_542] : memref<4x32x768xf32, #tpu.memory_space<vmem>> -> memref<1x4x768xf32, #tpu.memory_space<vmem>>
    %dma_wait3A_544 = tpu.memref_squeeze %dma_wait3A_543 : memref<1x4x768xf32, #tpu.memory_space<vmem>> -> memref<4x768xf32, #tpu.memory_space<vmem>>
    %dma_wait3A_545 = arith.constant 0 : i32
    %dma_wait3A_546 = arith.constant 0 : i32
    %dma_wait3A_547 = tpu.memref_slice %arg6[%dma_wait3A_540, %dma_wait3A_545, %dma_wait3A_546] : memref<4096x4x768xf32, #tpu.memory_space<hbm>> -> memref<1x4x768xf32, #tpu.memory_space<hbm>>
    %dma_wait3A_548 = tpu.memref_squeeze %dma_wait3A_547 : memref<1x4x768xf32, #tpu.memory_space<hbm>> -> memref<4x768xf32, #tpu.memory_space<hbm>>
    %dma_wait3A_549 = arith.constant 0 : i32
    %dma_wait3A_550 = arith.constant 0 : i32
    %dma_wait3A_551 = tpu.memref_slice %arg6[%dma_wait3A_540, %dma_wait3A_549, %dma_wait3A_550] : memref<4096x4x768xf32, #tpu.memory_space<hbm>> -> memref<1x4x768xf32, #tpu.memory_space<hbm>>
    %dma_wait3A_552 = tpu.memref_squeeze %dma_wait3A_551 : memref<1x4x768xf32, #tpu.memory_space<hbm>> -> memref<4x768xf32, #tpu.memory_space<hbm>>
    %dma_wait3A_553 = arith.constant 0 : i32
    %dma_wait3A_554 = arith.constant 0 : i32
    %dma_wait3A_555 = tpu.memref_slice %arg8[%dma_wait3A_539, %dma_wait3A_553, %dma_wait3A_554] : memref<4x32x768xf32, #tpu.memory_space<vmem>> -> memref<1x4x768xf32, #tpu.memory_space<vmem>>
    %dma_wait3A_556 = tpu.memref_squeeze %dma_wait3A_555 : memref<1x4x768xf32, #tpu.memory_space<vmem>> -> memref<4x768xf32, #tpu.memory_space<vmem>>
    tpu.wait_dma2 semaphore(%arg13 : memref<!tpu.dma_semaphore, #tpu.memory_space<semaphore_mem>>) src(%dma_wait3A_556 : memref<4x768xf32, #tpu.memory_space<vmem>>) dst(%dma_wait3A_552 : memref<4x768xf32, #tpu.memory_space<hbm>>)
    %dma_wait3A_557 = arith.constant 0 : i32
    %dma_wait3A_558 = arith.constant 0 : i32
    %dma_wait3A_559 = arith.constant 0 : i32
    %dma_wait3A_560 = arith.constant 0 : i32
    %dma_wait3A_561 = tpu.memref_slice %arg8[%dma_wait3A_557, %dma_wait3A_559, %dma_wait3A_560] : memref<4x32x768xf32, #tpu.memory_space<vmem>> -> memref<1x4x768xf32, #tpu.memory_space<vmem>>
    %dma_wait3A_562 = tpu.memref_squeeze %dma_wait3A_561 : memref<1x4x768xf32, #tpu.memory_space<vmem>> -> memref<4x768xf32, #tpu.memory_space<vmem>>
    %dma_wait3A_563 = arith.constant 0 : i32
    %dma_wait3A_564 = arith.constant 0 : i32
    %dma_wait3A_565 = tpu.memref_slice %arg6[%dma_wait3A_558, %dma_wait3A_563, %dma_wait3A_564] : memref<4096x4x768xf32, #tpu.memory_space<hbm>> -> memref<1x4x768xf32, #tpu.memory_space<hbm>>
    %dma_wait3A_566 = tpu.memref_squeeze %dma_wait3A_565 : memref<1x4x768xf32, #tpu.memory_space<hbm>> -> memref<4x768xf32, #tpu.memory_space<hbm>>
    %dma_wait3A_567 = arith.constant 0 : i32
    %dma_wait3A_568 = arith.constant 0 : i32
    %dma_wait3A_569 = tpu.memref_slice %arg6[%dma_wait3A_558, %dma_wait3A_567, %dma_wait3A_568] : memref<4096x4x768xf32, #tpu.memory_space<hbm>> -> memref<1x4x768xf32, #tpu.memory_space<hbm>>
    %dma_wait3A_570 = tpu.memref_squeeze %dma_wait3A_569 : memref<1x4x768xf32, #tpu.memory_space<hbm>> -> memref<4x768xf32, #tpu.memory_space<hbm>>
    %dma_wait3A_571 = arith.constant 0 : i32
    %dma_wait3A_572 = arith.constant 0 : i32
    %dma_wait3A_573 = tpu.memref_slice %arg8[%dma_wait3A_557, %dma_wait3A_571, %dma_wait3A_572] : memref<4x32x768xf32, #tpu.memory_space<vmem>> -> memref<1x4x768xf32, #tpu.memory_space<vmem>>
    %dma_wait3A_574 = tpu.memref_squeeze %dma_wait3A_573 : memref<1x4x768xf32, #tpu.memory_space<vmem>> -> memref<4x768xf32, #tpu.memory_space<vmem>>
    tpu.wait_dma2 semaphore(%arg13 : memref<!tpu.dma_semaphore, #tpu.memory_space<semaphore_mem>>) src(%dma_wait3A_574 : memref<4x768xf32, #tpu.memory_space<vmem>>) dst(%dma_wait3A_570 : memref<4x768xf32, #tpu.memory_space<hbm>>)
    %dma_wait3A_575 = arith.constant 0 : i32
    %dma_wait3A_576 = arith.constant 0 : i32
    %dma_wait3A_577 = arith.constant 0 : i32
    %dma_wait3A_578 = arith.constant 0 : i32
    %dma_wait3A_579 = tpu.memref_slice %arg8[%dma_wait3A_575, %dma_wait3A_577, %dma_wait3A_578] : memref<4x32x768xf32, #tpu.memory_space<vmem>> -> memref<1x4x768xf32, #tpu.memory_space<vmem>>
    %dma_wait3A_580 = tpu.memref_squeeze %dma_wait3A_579 : memref<1x4x768xf32, #tpu.memory_space<vmem>> -> memref<4x768xf32, #tpu.memory_space<vmem>>
    %dma_wait3A_581 = arith.constant 0 : i32
    %dma_wait3A_582 = arith.constant 0 : i32
    %dma_wait3A_583 = tpu.memref_slice %arg6[%dma_wait3A_576, %dma_wait3A_581, %dma_wait3A_582] : memref<4096x4x768xf32, #tpu.memory_space<hbm>> -> memref<1x4x768xf32, #tpu.memory_space<hbm>>
    %dma_wait3A_584 = tpu.memref_squeeze %dma_wait3A_583 : memref<1x4x768xf32, #tpu.memory_space<hbm>> -> memref<4x768xf32, #tpu.memory_space<hbm>>
    %dma_wait3A_585 = arith.constant 0 : i32
    %dma_wait3A_586 = arith.constant 0 : i32
    %dma_wait3A_587 = tpu.memref_slice %arg6[%dma_wait3A_576, %dma_wait3A_585, %dma_wait3A_586] : memref<4096x4x768xf32, #tpu.memory_space<hbm>> -> memref<1x4x768xf32, #tpu.memory_space<hbm>>
    %dma_wait3A_588 = tpu.memref_squeeze %dma_wait3A_587 : memref<1x4x768xf32, #tpu.memory_space<hbm>> -> memref<4x768xf32, #tpu.memory_space<hbm>>
    %dma_wait3A_589 = arith.constant 0 : i32
    %dma_wait3A_590 = arith.constant 0 : i32
    %dma_wait3A_591 = tpu.memref_slice %arg8[%dma_wait3A_575, %dma_wait3A_589, %dma_wait3A_590] : memref<4x32x768xf32, #tpu.memory_space<vmem>> -> memref<1x4x768xf32, #tpu.memory_space<vmem>>
    %dma_wait3A_592 = tpu.memref_squeeze %dma_wait3A_591 : memref<1x4x768xf32, #tpu.memory_space<vmem>> -> memref<4x768xf32, #tpu.memory_space<vmem>>
    tpu.wait_dma2 semaphore(%arg13 : memref<!tpu.dma_semaphore, #tpu.memory_space<semaphore_mem>>) src(%dma_wait3A_592 : memref<4x768xf32, #tpu.memory_space<vmem>>) dst(%dma_wait3A_588 : memref<4x768xf32, #tpu.memory_space<hbm>>)
    %dma_wait3A_593 = arith.constant 0 : i32
    %dma_wait3A_594 = arith.constant 0 : i32
    %dma_wait3A_595 = arith.constant 0 : i32
    %dma_wait3A_596 = arith.constant 0 : i32
    %dma_wait3A_597 = tpu.memref_slice %arg8[%dma_wait3A_593, %dma_wait3A_595, %dma_wait3A_596] : memref<4x32x768xf32, #tpu.memory_space<vmem>> -> memref<1x4x768xf32, #tpu.memory_space<vmem>>
    %dma_wait3A_598 = tpu.memref_squeeze %dma_wait3A_597 : memref<1x4x768xf32, #tpu.memory_space<vmem>> -> memref<4x768xf32, #tpu.memory_space<vmem>>
    %dma_wait3A_599 = arith.constant 0 : i32
    %dma_wait3A_600 = arith.constant 0 : i32
    %dma_wait3A_601 = tpu.memref_slice %arg6[%dma_wait3A_594, %dma_wait3A_599, %dma_wait3A_600] : memref<4096x4x768xf32, #tpu.memory_space<hbm>> -> memref<1x4x768xf32, #tpu.memory_space<hbm>>
    %dma_wait3A_602 = tpu.memref_squeeze %dma_wait3A_601 : memref<1x4x768xf32, #tpu.memory_space<hbm>> -> memref<4x768xf32, #tpu.memory_space<hbm>>
    %dma_wait3A_603 = arith.constant 0 : i32
    %dma_wait3A_604 = arith.constant 0 : i32
    %dma_wait3A_605 = tpu.memref_slice %arg6[%dma_wait3A_594, %dma_wait3A_603, %dma_wait3A_604] : memref<4096x4x768xf32, #tpu.memory_space<hbm>> -> memref<1x4x768xf32, #tpu.memory_space<hbm>>
    %dma_wait3A_606 = tpu.memref_squeeze %dma_wait3A_605 : memref<1x4x768xf32, #tpu.memory_space<hbm>> -> memref<4x768xf32, #tpu.memory_space<hbm>>
    %dma_wait3A_607 = arith.constant 0 : i32
    %dma_wait3A_608 = arith.constant 0 : i32
    %dma_wait3A_609 = tpu.memref_slice %arg8[%dma_wait3A_593, %dma_wait3A_607, %dma_wait3A_608] : memref<4x32x768xf32, #tpu.memory_space<vmem>> -> memref<1x4x768xf32, #tpu.memory_space<vmem>>
    %dma_wait3A_610 = tpu.memref_squeeze %dma_wait3A_609 : memref<1x4x768xf32, #tpu.memory_space<vmem>> -> memref<4x768xf32, #tpu.memory_space<vmem>>
    tpu.wait_dma2 semaphore(%arg13 : memref<!tpu.dma_semaphore, #tpu.memory_space<semaphore_mem>>) src(%dma_wait3A_610 : memref<4x768xf32, #tpu.memory_space<vmem>>) dst(%dma_wait3A_606 : memref<4x768xf32, #tpu.memory_space<hbm>>)
    %dma_wait3A_611 = arith.constant 0 : i32
    %dma_wait3A_612 = arith.constant 0 : i32
    %dma_wait3A_613 = arith.constant 0 : i32
    %dma_wait3A_614 = arith.constant 0 : i32
    %dma_wait3A_615 = tpu.memref_slice %arg8[%dma_wait3A_611, %dma_wait3A_613, %dma_wait3A_614] : memref<4x32x768xf32, #tpu.memory_space<vmem>> -> memref<1x4x768xf32, #tpu.memory_space<vmem>>
    %dma_wait3A_616 = tpu.memref_squeeze %dma_wait3A_615 : memref<1x4x768xf32, #tpu.memory_space<vmem>> -> memref<4x768xf32, #tpu.memory_space<vmem>>
    %dma_wait3A_617 = arith.constant 0 : i32
    %dma_wait3A_618 = arith.constant 0 : i32
    %dma_wait3A_619 = tpu.memref_slice %arg6[%dma_wait3A_612, %dma_wait3A_617, %dma_wait3A_618] : memref<4096x4x768xf32, #tpu.memory_space<hbm>> -> memref<1x4x768xf32, #tpu.memory_space<hbm>>
    %dma_wait3A_620 = tpu.memref_squeeze %dma_wait3A_619 : memref<1x4x768xf32, #tpu.memory_space<hbm>> -> memref<4x768xf32, #tpu.memory_space<hbm>>
    %dma_wait3A_621 = arith.constant 0 : i32
    %dma_wait3A_622 = arith.constant 0 : i32
    %dma_wait3A_623 = tpu.memref_slice %arg6[%dma_wait3A_612, %dma_wait3A_621, %dma_wait3A_622] : memref<4096x4x768xf32, #tpu.memory_space<hbm>> -> memref<1x4x768xf32, #tpu.memory_space<hbm>>
    %dma_wait3A_624 = tpu.memref_squeeze %dma_wait3A_623 : memref<1x4x768xf32, #tpu.memory_space<hbm>> -> memref<4x768xf32, #tpu.memory_space<hbm>>
    %dma_wait3A_625 = arith.constant 0 : i32
    %dma_wait3A_626 = arith.constant 0 : i32
    %dma_wait3A_627 = tpu.memref_slice %arg8[%dma_wait3A_611, %dma_wait3A_625, %dma_wait3A_626] : memref<4x32x768xf32, #tpu.memory_space<vmem>> -> memref<1x4x768xf32, #tpu.memory_space<vmem>>
    %dma_wait3A_628 = tpu.memref_squeeze %dma_wait3A_627 : memref<1x4x768xf32, #tpu.memory_space<vmem>> -> memref<4x768xf32, #tpu.memory_space<vmem>>
    tpu.wait_dma2 semaphore(%arg13 : memref<!tpu.dma_semaphore, #tpu.memory_space<semaphore_mem>>) src(%dma_wait3A_628 : memref<4x768xf32, #tpu.memory_space<vmem>>) dst(%dma_wait3A_624 : memref<4x768xf32, #tpu.memory_space<hbm>>)
    %dma_wait3A_629 = arith.constant 0 : i32
    %dma_wait3A_630 = arith.constant 0 : i32
    %dma_wait3A_631 = arith.constant 0 : i32
    %dma_wait3A_632 = arith.constant 0 : i32
    %dma_wait3A_633 = tpu.memref_slice %arg8[%dma_wait3A_629, %dma_wait3A_631, %dma_wait3A_632] : memref<4x32x768xf32, #tpu.memory_space<vmem>> -> memref<1x4x768xf32, #tpu.memory_space<vmem>>
    %dma_wait3A_634 = tpu.memref_squeeze %dma_wait3A_633 : memref<1x4x768xf32, #tpu.memory_space<vmem>> -> memref<4x768xf32, #tpu.memory_space<vmem>>
    %dma_wait3A_635 = arith.constant 0 : i32
    %dma_wait3A_636 = arith.constant 0 : i32
    %dma_wait3A_637 = tpu.memref_slice %arg6[%dma_wait3A_630, %dma_wait3A_635, %dma_wait3A_636] : memref<4096x4x768xf32, #tpu.memory_space<hbm>> -> memref<1x4x768xf32, #tpu.memory_space<hbm>>
    %dma_wait3A_638 = tpu.memref_squeeze %dma_wait3A_637 : memref<1x4x768xf32, #tpu.memory_space<hbm>> -> memref<4x768xf32, #tpu.memory_space<hbm>>
    %dma_wait3A_639 = arith.constant 0 : i32
    %dma_wait3A_640 = arith.constant 0 : i32
    %dma_wait3A_641 = tpu.memref_slice %arg6[%dma_wait3A_630, %dma_wait3A_639, %dma_wait3A_640] : memref<4096x4x768xf32, #tpu.memory_space<hbm>> -> memref<1x4x768xf32, #tpu.memory_space<hbm>>
    %dma_wait3A_642 = tpu.memref_squeeze %dma_wait3A_641 : memref<1x4x768xf32, #tpu.memory_space<hbm>> -> memref<4x768xf32, #tpu.memory_space<hbm>>
    %dma_wait3A_643 = arith.constant 0 : i32
    %dma_wait3A_644 = arith.constant 0 : i32
    %dma_wait3A_645 = tpu.memref_slice %arg8[%dma_wait3A_629, %dma_wait3A_643, %dma_wait3A_644] : memref<4x32x768xf32, #tpu.memory_space<vmem>> -> memref<1x4x768xf32, #tpu.memory_space<vmem>>
    %dma_wait3A_646 = tpu.memref_squeeze %dma_wait3A_645 : memref<1x4x768xf32, #tpu.memory_space<vmem>> -> memref<4x768xf32, #tpu.memory_space<vmem>>
    tpu.wait_dma2 semaphore(%arg13 : memref<!tpu.dma_semaphore, #tpu.memory_space<semaphore_mem>>) src(%dma_wait3A_646 : memref<4x768xf32, #tpu.memory_space<vmem>>) dst(%dma_wait3A_642 : memref<4x768xf32, #tpu.memory_space<hbm>>)
    %dma_wait3A_647 = arith.constant 0 : i32
    %dma_wait3A_648 = arith.constant 0 : i32
    %dma_wait3A_649 = arith.constant 0 : i32
    %dma_wait3A_650 = arith.constant 0 : i32
    %dma_wait3A_651 = tpu.memref_slice %arg8[%dma_wait3A_647, %dma_wait3A_649, %dma_wait3A_650] : memref<4x32x768xf32, #tpu.memory_space<vmem>> -> memref<1x4x768xf32, #tpu.memory_space<vmem>>
    %dma_wait3A_652 = tpu.memref_squeeze %dma_wait3A_651 : memref<1x4x768xf32, #tpu.memory_space<vmem>> -> memref<4x768xf32, #tpu.memory_space<vmem>>
    %dma_wait3A_653 = arith.constant 0 : i32
    %dma_wait3A_654 = arith.constant 0 : i32
    %dma_wait3A_655 = tpu.memref_slice %arg6[%dma_wait3A_648, %dma_wait3A_653, %dma_wait3A_654] : memref<4096x4x768xf32, #tpu.memory_space<hbm>> -> memref<1x4x768xf32, #tpu.memory_space<hbm>>
    %dma_wait3A_656 = tpu.memref_squeeze %dma_wait3A_655 : memref<1x4x768xf32, #tpu.memory_space<hbm>> -> memref<4x768xf32, #tpu.memory_space<hbm>>
    %dma_wait3A_657 = arith.constant 0 : i32
    %dma_wait3A_658 = arith.constant 0 : i32
    %dma_wait3A_659 = tpu.memref_slice %arg6[%dma_wait3A_648, %dma_wait3A_657, %dma_wait3A_658] : memref<4096x4x768xf32, #tpu.memory_space<hbm>> -> memref<1x4x768xf32, #tpu.memory_space<hbm>>
    %dma_wait3A_660 = tpu.memref_squeeze %dma_wait3A_659 : memref<1x4x768xf32, #tpu.memory_space<hbm>> -> memref<4x768xf32, #tpu.memory_space<hbm>>
    %dma_wait3A_661 = arith.constant 0 : i32
    %dma_wait3A_662 = arith.constant 0 : i32
    %dma_wait3A_663 = tpu.memref_slice %arg8[%dma_wait3A_647, %dma_wait3A_661, %dma_wait3A_662] : memref<4x32x768xf32, #tpu.memory_space<vmem>> -> memref<1x4x768xf32, #tpu.memory_space<vmem>>
    %dma_wait3A_664 = tpu.memref_squeeze %dma_wait3A_663 : memref<1x4x768xf32, #tpu.memory_space<vmem>> -> memref<4x768xf32, #tpu.memory_space<vmem>>
    tpu.wait_dma2 semaphore(%arg13 : memref<!tpu.dma_semaphore, #tpu.memory_space<semaphore_mem>>) src(%dma_wait3A_664 : memref<4x768xf32, #tpu.memory_space<vmem>>) dst(%dma_wait3A_660 : memref<4x768xf32, #tpu.memory_space<hbm>>)
    return
  }
}

</mosaic_0001>

<sc_bundles>
// kernel: kernel.3.cloned.1.call-start
scs
__scs_entry_jumppad:
0x0: {  	(pc) =	sbr.rel $0x88, $3  }
0x1: {  	(tag) =	ssettag $0x0;
	lr =	simm.s32 $0x1  }
0x2: {  	[smem:$0x3F9F] =	sst lr;
	_ =	strace $0xD0000000  }
0x3: {  	_ = 	snop  }
0x4: {  	_ = 	snop  }
0x5: {  	_ = 	snop  }
0x6: {  	_ = 	snop  }
0x7: {  	_ = 	snop  }
__scs_overlays_trampoline_lowered:
0x8: {  	[smem:$0x3FAE] =	sst s0  }
0x9: {  	[smem:$0x3FAF] =	sst s1  }
0xa: {  	[smem:$0x3FB0] =	sst s2  }
0xb: {  	[smem:$0x3FB1] =	sst s3  }
0xc: {  	[smem:$0x3FB2] =	sst s4  }
0xd: {  	[smem:$0x3FB3] =	sst s5  }
0xe: {  	[smem:$0x3FB4] =	sst s6  }
0xf: {  	[smem:$0x3FB5] =	sst s7  }
0x10: {  	[smem:$0x3FB6] =	sst s8  }
0x11: {  	[smem:$0x3FB7] =	sst s9;
	s0 =	simm.s32 @!p0 $0x0  }
0x12: {  	s1 =	sld [smem:$0x3F9D];
	s0 =	simm.s32 @p0 $0x1  }
0x13: {  	[smem:$0x3FB8] =	sst s0;
	s0 =	simm.s32 @!p1 $0x0  }
0x14: {  	s2 =	sld [smem:$0x3F9C];
	s0 =	simm.s32 @p1 $0x1  }
0x15: {  	[smem:$0x3FB9] =	sst s0;
	s0 =	simm.s32 @!p2 $0x0  }
0x16: {  	s3 =	sld [smem:$0x3FDB];
	s0 =	simm.s32 @p2 $0x1  }
0x17: {  	s4 =	simm.s32 $0x1BF5;
	[smem:$0x3FBB] =	sst s0  }
0x18: {  	s0 =	sld [smem:$0x3F9E];
	_ =	swait.ge [sflag:s4], $0x0  }
0x19: {  	s7 =	sld [smem:$0x3F9F]  }
0x1a: {  	s8 =	sadd.s32 $0xFFFFE003, lr  }
0x1b: {  	s9 =	sadd.s32 $0xFFFFFEF7, lr;
	s5 =	simm.s32 $0xFFFFFFFF;
	p2 =	slt.u32 s8, $0xFFFFF086  }
0x1c: {  	p1 =	slt.u32 s9, $0xF7A;
	s5 =	simm.s32 @!p2 $0x0  }
0x1d: {  	s5 =	simm.s32 @p1 $0x1;
	p0 =	seq.s32 s7, s2  }
0x1e: {  	s7 =	smul.u32 @!p0 $0xF7A, s2;
	p2 =	seq.s32 @!p0 s5, $0x0  }
0x1f: {  	s9 =	smul.u32 $0xF7A, s1;
	s8 =	simm.s32 @!p0 $0x1BF5;
	p2 =	por !p2, p0  }
0x20: {  	[sflag:s8] =	ssyncset.s32 @!p0 $0xFFFFF086;
	s6 =	sadd.s32 @!p0 s3, s7;
	s7 =	simm.s32 @!p0 $0x108  }
0x21: {  	s3 =	sadd.s32 s3, s9;
	s6 =	sadd.s32 @!p0 $0x88, s6;
	s7 =	simm.s32 @p2 $0x1082  }
0x22: {  	[simem:s7], [sflag:s8] =	dma.local @!p0 [hbm:s6], $0xF7A  }
0x23: {  	s9 =	sor.u32 $0xD0000000, s2;
	s6 =	simm.s32 $0x108;
	_ =	swait.ge @!p0 [sflag:s8], $0x0  }
0x24: {  	s3 =	sadd.s32 $0x88, s3;
	s6 =	simm.s32 @!p1 $0x1082;
	[sflag:s4] =	ssyncset.s32 $0xFFFFF086  }
0x25: {  	[simem:s6], [sflag:s4] =	dma.local [hbm:s3], $0xF7A  }
0x26: {  	[smem:$0x3F9F] =	sst s1;
	(tag) =	ssettag s2;
	_ =	strace s9  }
0x27: {  	s1 =	sld [smem:$0x3FAF]  }
0x28: {  	s2 =	sld [smem:$0x3FB0]  }
0x29: {  	s4 =	sld [smem:$0x3FB2]  }
0x2a: {  	p0 =	seq.s32 s5, $0x0;
	s5 =	sld [smem:$0x3FB3]  }
0x2b: {  	s6 =	sld [smem:$0x3FB4]  }
0x2c: {  	s7 =	sld [smem:$0x3FB5]  }
0x2d: {  	s3 =	simm.s32 $0x108;
	s8 =	sld [smem:$0x3FB6]  }
0x2e: {  	s3 =	simm.s32 @!p0 $0x1082;
	s9 =	sld [smem:$0x3FB7]  }
0x2f: {  	lr =	sadd.s32 s0, s3;
	s0 =	sld [smem:$0x3FAE]  }
0x30: {  	s3 =	sld [smem:$0x3FB1]  }
0x31: {  	[smem:$0x3FBA] =	sst s10  }
0x32: {  	s10 =	sld [smem:$0x3FB8];
	_ =	sdelay $0x3  }
0x33: {  	p0 =	seq.s32 s10, $0x1;
	s10 =	sld [smem:$0x3FBA];
	_ =	sdelay $0x3  }
0x34: {  	[smem:$0x3FBA] =	sst s10  }
0x35: {  	s10 =	sld [smem:$0x3FB9];
	_ =	sdelay $0x3  }
0x36: {  	p1 =	seq.s32 s10, $0x1;
	s10 =	sld [smem:$0x3FBA];
	_ =	sdelay $0x3  }
0x37: {  	[smem:$0x3FBA] =	sst s10  }
0x38: {  	s10 =	sld [smem:$0x3FBB]  }
0x39: {  	_ = 	snop;
	(pc) =	sbr.ind lr, $3  }
0x3a: {  	_ = 	snop  }
0x3b: {  	_ = 	snop  }
0x3c: {  	p2 =	seq.s32 s10, $0x1;
	s10 =	sld [smem:$0x3FBA]  }
0x3d: {  	_ =	shalt  }
0x3e: {  	_ =	shalt  }
0x3f: {  	_ =	shalt  }
0x40: {  	_ =	shalt  }
0x41: {  	_ =	shalt  }
0x42: {  	_ =	shalt  }
0x43: {  	_ =	shalt  }
0x44: {  	_ =	shalt  }
0x45: {  	_ =	shalt  }
0x46: {  	_ =	shalt  }
0x47: {  	_ =	shalt  }
0x48: {  	_ =	shalt  }
0x49: {  	_ =	shalt  }
0x4a: {  	_ =	shalt  }
0x4b: {  	_ =	shalt  }
0x4c: {  	_ =	shalt  }
0x4d: {  	_ =	shalt  }
0x4e: {  	_ =	shalt  }
0x4f: {  	_ =	shalt  }
0x50: {  	_ =	shalt  }
0x51: {  	_ =	shalt  }
0x52: {  	_ =	shalt  }
0x53: {  	_ =	shalt  }
0x54: {  	_ =	shalt  }
0x55: {  	_ =	shalt  }
0x56: {  	_ =	shalt  }
0x57: {  	_ =	shalt  }
0x58: {  	_ =	shalt  }
0x59: {  	_ =	shalt  }
0x5a: {  	_ =	shalt  }
0x5b: {  	_ =	shalt  }
0x5c: {  	_ =	shalt  }
0x5d: {  	_ =	shalt  }
0x5e: {  	_ =	shalt  }
0x5f: {  	_ =	shalt  }
0x60: {  	_ =	shalt  }
0x61: {  	_ =	shalt  }
0x62: {  	_ =	shalt  }
0x63: {  	_ =	shalt  }
0x64: {  	_ =	shalt  }
0x65: {  	_ =	shalt  }
0x66: {  	_ =	shalt  }
0x67: {  	_ =	shalt  }
0x68: {  	_ =	shalt  }
0x69: {  	_ =	shalt  }
0x6a: {  	_ =	shalt  }
0x6b: {  	_ =	shalt  }
0x6c: {  	_ =	shalt  }
0x6d: {  	_ =	shalt  }
0x6e: {  	_ =	shalt  }
0x6f: {  	_ =	shalt  }
0x70: {  	_ =	shalt  }
0x71: {  	_ =	shalt  }
0x72: {  	_ =	shalt  }
0x73: {  	_ =	shalt  }
0x74: {  	_ =	shalt  }
0x75: {  	_ =	shalt  }
0x76: {  	_ =	shalt  }
0x77: {  	_ =	shalt  }
0x78: {  	_ =	shalt  }
0x79: {  	_ =	shalt  }
0x7a: {  	_ =	shalt  }
0x7b: {  	_ =	shalt  }
0x7c: {  	_ =	shalt  }
0x7d: {  	_ =	shalt  }
0x7e: {  	_ =	shalt  }
0x7f: {  	_ =	shalt  }
0x80: {  	_ =	shalt  }
0x81: {  	_ =	shalt  }
0x82: {  	_ =	shalt  }
0x83: {  	_ =	shalt  }
0x84: {  	_ =	shalt  }
0x85: {  	_ =	shalt  }
0x86: {  	_ =	shalt  }
0x87: {  	_ =	shalt  }
.Lfunc_end0:
.L_simem_size_0:
called_computation_lowered:
.L_overlay_start_0:
0x88: {  	s2 =	sld [smem:$0x3FD9]  }
0x89: {  	s3 =	sld [smem:$0x3FFE];
	_ =	sdelay $0x1  }
0x8a: {  	s1 =	srdreg.scid  }
0x8b: {  	s0 =	sand.u32 $0x1, s1  }
0x8c: {  	s17 =	sshll.u32 s0, $0xA;
	s2 =	sadd.s32 s3, s2  }
0x8d: {  	s2 =	sadd.s32 s2, s17  }
0x8e: {  	[smem:$0x3FC6] =	sst s2  }
0x8f: {  	_ = 	snop  }
0x90: {  	s2 =	sld [smem:$0x3FC8]  }
0x91: {  	s18 =	sld [smem:$0x3FD0];
	(tm) =	ssettm $0x1  }
0x92: {  	s4 =	sld [smem:$0x3FFB];
	_ =	sdelay $0x3  }
0x93: {  	_ =	strace s4  }
0x94: {  	s4 =	sld [smem:$0x3FFC];
	_ =	sdelay $0x3  }
0x95: {  	_ =	strace s4  }
0x96: {  	s4 =	sld [smem:$0x3FFD];
	_ =	sdelay $0x3  }
0x97: {  	_ =	strace s4  }
0x98: {  	_ =	strace $0x8FFFFFFF  }
0x99: {  	s19 =	sld [smem:$0x3FDB];
	_ =	sdelay $0x1  }
0x9a: {  	s5 =	simm.s32 $_scs_section_size  }
0x9b: {  	s6 =	simm.s32 $_size__tile_overlayer_lowered;
	s7 =	simm.s32 $_tile_overlayer_lowered  }
0x9c: {  	s22 =	simm.s32 $0x1BFF;
	s21 =	sshll.u32 s7, $0x1;
	s4 =	sadd.s32 s5, s19  }
0x9d: {  	s8 =	simm.s32 $0x0;
	s20 =	sshll.u32 s6, $0x1;
	s6 =	sadd.s32 s21, s4  }
0x9e: {  	[timem:s8], [sflag:s22] =	dma.local [hbm:s6], s20  }
0x9f: {  	_ =	swait.ge [sflag:s22], s20  }
0xa0: {  	s5 =	ssub.s32 $0x0, s20;
	[sflag:s22] =	ssyncset.done $0x0  }
0xa1: {  	[sflag:s22] =	ssyncadd.s32 s5;
	_ =	sdelay $0x1  }
0xa2: {  	s23 =	simm.s32 $0x1B8B  }
0xa3: {  	_ =	swait.ge [sflag:s23], $0x1  }
0xa4: {  	[sflag:s23] =	ssyncset.done $0x0  }
0xa5: {  	s25 =	simm.s32 $0x1B8E;
	s24 =	sld [smem:$0x3FFE];
	[sflag:s23] =	ssyncadd.s32 $0xFFFFFFFF  }
0xa6: {  	s26 =	simm.s32 $execute0_lowered;
	[smem:$0x3FD2] =	sst s25  }
0xa7: {  	s6 =	sshll.u32 s26, $0x1;
	_ =	strace $0x80000046;
	[dreg:$0x1] =	wrdreg $0xFFFFFFFF  }
0xa8: {  	s28 =	simm.s32 $_size_execute0_lowered;
	s4 =	sadd.s32 s4, s6;
	[dreg:$0x0] =	wrdreg $0x0  }
0xa9: {  	s6 =	sshll.u32 s28, $0x1;
	[dreg:$0x2] =	wrdreg s4  }
0xaa: {  	[dreg:$0x3] =	wrdreg s6  }
0xab: {  	[dreg:$0x4] =	wrdreg $0xC0  }
0xac: {  	_ =	task [dreg:s8], $0x5FFFF  }
0xad: {  	[dreg:$0x1] =	wrdreg $0xFFFFFFFF  }
0xae: {  	[dreg:$0x0] =	wrdreg $0x60  }
0xaf: {  	[dreg:$0x2] =	wrdreg s24  }
0xb0: {  	[dreg:$0x3] =	wrdreg s2  }
0xb1: {  	[dreg:$0x4] =	wrdreg s18  }
0xb2: {  	[dreg:$0x5] =	wrdreg $0x9  }
0xb3: {  	_ =	task.clear_ibuf [dreg:s8], $0x6FFFF;
	_ =	strace $0x90000046  }
0xb4: {  	s29 =	simm.s32 $0x9;
	_ =	strace $0x80000048  }
0xb5: {  	_ =	swait.ge [sflag:s29], $0x1  }
0xb6: {  	[sflag:s29] =	ssyncadd.s32 $0xFFFFFFFF  }
0xb7: {  	_ =	strace $0x90000048  }
0xb8: {  	_ =	sfence  }
0xb9: {  	s30 =	sld [smem:$0x0];
	_ =	sdelay $0x2  }
0xba: {  	s31 =	sshll.u32 s1, $0xD;
	s1 =	sshrl.u32 s1, $0x2  }
0xbb: {  	s3 =	sand.u32 $0x4000, s31;
	s1 =	sadd.s32 s1, s30  }
0xbc: {  	s0 =	sor.u32 s3, s0;
	s1 =	sshll.u32 s1, $0x11  }
0xbd: {  	s0 =	sor.u32 s1, s0  }
0xbe: {  	s0 =	sadd.s32 $0x8F2B, s0  }
0xbf: {  	[sflag:s0] =	ssyncadd.remote.s32 $0x1  }
0xc0: {  	_ =	sfence.sel $0xFFFF  }
0xc1: {  	[dreg:$0x0] =	wrdreg $0xFFFFFFFF;
	(pc) =	sbr.abs _section_cstart, $3  }
0xc2: {  	[dreg:$0x1] =	wrdreg $0xFFFFFFFF  }
0xc3: {  	_ =	task.clear_ibuf [dreg:s8], $0x2FFFF;
	_ =	strace $0x9FFFFFFF  }
0xc4: {  	(tm) =	ssettm $0x7FFFFFFF  }
0xc5: {  	_ =	shalt  }
tec
execute0_lowered:
.L_overlay_start_1:
0x0: {  	(tag) =	ssettag $0x1  }
0x1: {  	s0 =	rddreg [dreg:$0x0]  }
0x2: {  	s2 =	rddreg [dreg:$0x1]  }
0x3: {  	s7 =	rddreg [dreg:$0x2]  }
0x4: {  	s1 =	srdreg.scid;
	s3 =	stileid.u32  }
0x5: {  	s4 =	simm.s32 $0x0;
	s31 =	simm.s32 $0x1;
	s1 =	sand.u32 $0x1, s1  }
0x6: {  	s3 =	sshll.u32 s3, $0x1;
	[smem:$0x7FF] =	sst s4;
	s8 =	sadd.s32 $0x2E00, s0  }
0x7: {  	s10 =	sadd.s32 $0x100, s2;
	s11 =	sadd.s32 $0x200, s2;
	s14 =	sadd.s32 $0x180, s7  }
0x8: {  	s3 =	sor.u32 s1, s3;
	_ =	strace $0x80000047;
	s1 =	ssub.s32 $0x2, s1  }
0x9: {  	[dreg:$0x4] =	wrdreg s8;
	s5 =	sshll.u32 s3, $0x8;
	s29 =	sshll.u32 s3, $0x7  }
0xa: {  	s28 =	smul.u32 $0xC00, s3;
	s3 =	sshll.u32 s3, $0x4;
	[dreg:$0x6] =	wrdreg s29  }
0xb: {  	s5 =	sadd.s32 s5, s0;
	s0 =	sadd.s32 $0x2800, s0;
	[dreg:$0x7] =	wrdreg s3  }
0xc: {  	s6 =	sshrl.u32 s1, $0x1;
	[dreg:$0x5] =	wrdreg s0;
	s30 =	sadd.s32 $0x800, s5  }
0xd: {  	s26 =	ssub.s32 s1, s6;
	s1 =	sadd.s32 s8, s28;
	[dreg:$0x8] =	wrdreg s30  }
0xe: {  	v2 =	vlaneseq.u32;
	s15 =	sadd.s32 $0x300, s7;
	s0 =	smax.u32 s26, $0x1;
	[dreg:$0x9] =	wrdreg s1  }
0xf: {  	vm0 =	vmmov $0xffff;
	v1 =	vshrl.u32 v2, $0x3;
	s5 =	simm.s32 $0x0;
	s1 =	sadd.s32 $0xC0, s1;
	[dreg:$0xb] =	wrdreg s0  }
0x10: {  	v0 =	vand.u32 $0x7, v2;
	v2 =	vor.u32 $0x8, v2;
	v1 =	vmul.u32 $0x8, v1;
	s0 =	simm.s32 $0x2;
	[dreg:$0xa] =	wrdreg s1;
	s1 =	simm.s32 $0x3  }
.LBB2_1:
0x11: {  	[dreg:$0xc] =	wrdreg s5  }
0x12: {  	s3 =	rddreg [dreg:$0x8];
	s21 =	simm.s32 $0x4  }
0x13: {  	[tilespmem:s4], [sflag:$0x4] =	stream.linear.gather [hbm4b:s3+s4], $0x800, $0x38;
	[tilespmem:$0x1D000] =	vst v63  }
0x14: {  	_ =	swait.ge [sflag:s21], $0x800  }
0x15: {  	[sflag:s21] =	ssyncset.done $0x0  }
0x16: {  	s6 =	simm.s32 $0x1A000;
	s22 =	rddreg [dreg:$0x5];
	[sflag:s21] =	ssyncadd.s32 $0xFFFFF800  }
0x17: {  	[tilespmem:s6], [sflag:$0x4] =	stream.linear.gather [hbm4b:s22+s4], $0x3000, $0x38;
	[tilespmem:$0x1D000] =	vst v63  }
0x18: {  	_ =	swait.ge [sflag:s21], $0x3000  }
0x19: {  	[sflag:s21] =	ssyncset.done $0x0  }
0x1a: {  	[sflag:s21] =	ssyncadd.s32 $0xFFFFD000  }
0x1b: {  	v3 =	vld [tilespmem:$0x0];
	_ =	sdelay $0x4  }
0x1c: {  	v4 =	vshrl.u32 v3, $0x3  }
0x1d: {  	v4 =	vmul.u32 $0x30, v4  }
0x1e: {  	v3 =	vand.u32 $0x7, v3  }
0x1f: {  	v3 =	vor.u32 v3, v4  }
0x20: {  	v4 =	vperm.xlane v3, v0;
	_ =	sdelay $0x1  }
0x21: {  	v4 =	vadd.s32 v1, v4;
	_ =	sdelay $0x3  }
0x22: {  	s23 =	simm.s32 $0x800;
	v3 =	vperm.xlane v3, v2  }
0x23: {  	[tilespmem:s23], [sflag:$0x1] =	stream.indirect_vreg.gather [hbm4b:s2+s4], $0x80, v4, vm0, $0xb8;
	[tilespmem:$0x1D000] =	vst v63  }
0x24: {  	s24 =	simm.s32 $0x1000;
	v3 =	vadd.s32 v1, v3  }
0x25: {  	[tilespmem:s24], [sflag:$0x1] =	stream.indirect_vreg.gather [hbm4b:s10+s4], $0x80, v4, vm0, $0xb8;
	[tilespmem:$0x1D000] =	vst v63  }
0x26: {  	s25 =	simm.s32 $0x1800  }
0x27: {  	[tilespmem:s25], [sflag:$0x1] =	stream.indirect_vreg.gather [hbm4b:s11+s4], $0x80, v4, vm0, $0xb8;
	[tilespmem:$0x1D000] =	vst v63  }
0x28: {  	s26 =	simm.s32 $0x2000  }
0x29: {  	[tilespmem:s26], [sflag:$0x1] =	stream.indirect_vreg.gather [hbm4b:s2+s4], $0x80, v3, vm0, $0xb8;
	[tilespmem:$0x1D000] =	vst v63  }
0x2a: {  	s28 =	simm.s32 $0x2800  }
0x2b: {  	[tilespmem:s28], [sflag:$0x1] =	stream.indirect_vreg.gather [hbm4b:s10+s4], $0x80, v3, vm0, $0xb8;
	[tilespmem:$0x1D000] =	vst v63  }
0x2c: {  	s29 =	simm.s32 $0x3000  }
0x2d: {  	[tilespmem:s29], [sflag:$0x1] =	stream.indirect_vreg.gather [hbm4b:s11+s4], $0x80, v3, vm0, $0xb8;
	[tilespmem:$0x1D000] =	vst v63  }
0x2e: {  	v3 =	vld [tilespmem:$0x10];
	_ =	sdelay $0x4  }
0x2f: {  	v61 =	vshrl.u32 v3, $0x3  }
0x30: {  	v4 =	vmul.u32 $0x30, v61  }
0x31: {  	v3 =	vand.u32 $0x7, v3  }
0x32: {  	v3 =	vor.u32 v3, v4  }
0x33: {  	v4 =	vperm.xlane v3, v0;
	_ =	sdelay $0x1  }
0x34: {  	v4 =	vadd.s32 v1, v4;
	_ =	sdelay $0x3  }
0x35: {  	s30 =	simm.s32 $0x3800;
	v3 =	vperm.xlane v3, v2  }
0x36: {  	[tilespmem:s30], [sflag:$0x1] =	stream.indirect_vreg.gather [hbm4b:s2+s4], $0x80, v4, vm0, $0xb8;
	[tilespmem:$0x1D000] =	vst v63  }
0x37: {  	s5 =	simm.s32 $0x4000;
	v3 =	vadd.s32 v1, v3  }
0x38: {  	[tilespmem:s5], [sflag:$0x1] =	stream.indirect_vreg.gather [hbm4b:s10+s4], $0x80, v4, vm0, $0xb8;
	[tilespmem:$0x1D000] =	vst v63  }
0x39: {  	s6 =	simm.s32 $0x4800  }
0x3a: {  	[tilespmem:s6], [sflag:$0x1] =	stream.indirect_vreg.gather [hbm4b:s11+s4], $0x80, v4, vm0, $0xb8;
	[tilespmem:$0x1D000] =	vst v63  }
0x3b: {  	s7 =	simm.s32 $0x5000  }
0x3c: {  	[tilespmem:s7], [sflag:$0x1] =	stream.indirect_vreg.gather [hbm4b:s2+s4], $0x80, v3, vm0, $0xb8;
	[tilespmem:$0x1D000] =	vst v63  }
0x3d: {  	s8 =	simm.s32 $0x5800  }
0x3e: {  	[tilespmem:s8], [sflag:$0x1] =	stream.indirect_vreg.gather [hbm4b:s10+s4], $0x80, v3, vm0, $0xb8;
	[tilespmem:$0x1D000] =	vst v63  }
0x3f: {  	s9 =	simm.s32 $0x6000  }
0x40: {  	[tilespmem:s9], [sflag:$0x1] =	stream.indirect_vreg.gather [hbm4b:s11+s4], $0x80, v3, vm0, $0xb8;
	[tilespmem:$0x1D000] =	vst v63  }
0x41: {  	s13 =	simm.s32 $0x18800;
	s12 =	rddreg [dreg:$0x9]  }
0x42: {  	[tilespmem:s13], [sflag:$0x2] =	stream.linear.gather [hbm4b:s12+s4], $0x600, $0x38;
	[tilespmem:$0x1D000] =	vst v63  }
0x43: {  	v3 =	vld [tilespmem:$0x80];
	_ =	sdelay $0x4  }
0x44: {  	v62 =	vshrl.u32 v3, $0x3  }
0x45: {  	v4 =	vmul.u32 $0x30, v62  }
0x46: {  	v3 =	vand.u32 $0x7, v3  }
0x47: {  	v3 =	vor.u32 v3, v4  }
0x48: {  	v4 =	vperm.xlane v3, v0;
	_ =	sdelay $0x1  }
0x49: {  	v4 =	vadd.s32 v1, v4;
	_ =	sdelay $0x3  }
0x4a: {  	s16 =	simm.s32 $0x6800;
	v3 =	vperm.xlane v3, v2  }
0x4b: {  	[tilespmem:s16], [sflag:$0x1] =	stream.indirect_vreg.gather [hbm4b:s2+s4], $0x80, v4, vm0, $0xb8;
	[tilespmem:$0x1D000] =	vst v63  }
0x4c: {  	s17 =	simm.s32 $0x7000;
	v3 =	vadd.s32 v1, v3  }
0x4d: {  	[tilespmem:s17], [sflag:$0x1] =	stream.indirect_vreg.gather [hbm4b:s10+s4], $0x80, v4, vm0, $0xb8;
	[tilespmem:$0x1D000] =	vst v63  }
0x4e: {  	s18 =	simm.s32 $0x7800  }
0x4f: {  	[tilespmem:s18], [sflag:$0x1] =	stream.indirect_vreg.gather [hbm4b:s11+s4], $0x80, v4, vm0, $0xb8;
	[tilespmem:$0x1D000] =	vst v63  }
0x50: {  	s19 =	simm.s32 $0x8000  }
0x51: {  	[tilespmem:s19], [sflag:$0x1] =	stream.indirect_vreg.gather [hbm4b:s2+s4], $0x80, v3, vm0, $0xb8;
	[tilespmem:$0x1D000] =	vst v63  }
0x52: {  	s20 =	simm.s32 $0x8800  }
0x53: {  	[tilespmem:s20], [sflag:$0x1] =	stream.indirect_vreg.gather [hbm4b:s10+s4], $0x80, v3, vm0, $0xb8;
	[tilespmem:$0x1D000] =	vst v63  }
0x54: {  	s21 =	simm.s32 $0x9000  }
0x55: {  	[tilespmem:s21], [sflag:$0x1] =	stream.indirect_vreg.gather [hbm4b:s11+s4], $0x80, v3, vm0, $0xb8;
	[tilespmem:$0x1D000] =	vst v63  }
0x56: {  	v3 =	vld [tilespmem:$0x90];
	_ =	sdelay $0x4  }
0x57: {  	v63 =	vshrl.u32 v3, $0x3  }
0x58: {  	v4 =	vmul.u32 $0x30, v63  }
0x59: {  	v3 =	vand.u32 $0x7, v3  }
0x5a: {  	v3 =	vor.u32 v3, v4  }
0x5b: {  	v4 =	vperm.xlane v3, v0;
	_ =	sdelay $0x1  }
0x5c: {  	v4 =	vadd.s32 v1, v4;
	_ =	sdelay $0x3  }
0x5d: {  	s22 =	simm.s32 $0x9800;
	v3 =	vperm.xlane v3, v2  }
0x5e: {  	[tilespmem:s22], [sflag:$0x1] =	stream.indirect_vreg.gather [hbm4b:s2+s4], $0x80, v4, vm0, $0xb8;
	[tilespmem:$0x1D000] =	vst v63  }
0x5f: {  	s23 =	simm.s32 $0xA000;
	v3 =	vadd.s32 v1, v3  }
0x60: {  	[tilespmem:s23], [sflag:$0x1] =	stream.indirect_vreg.gather [hbm4b:s10+s4], $0x80, v4, vm0, $0xb8;
	[tilespmem:$0x1D000] =	vst v63  }
0x61: {  	s24 =	simm.s32 $0xA800  }
0x62: {  	[tilespmem:s24], [sflag:$0x1] =	stream.indirect_vreg.gather [hbm4b:s11+s4], $0x80, v4, vm0, $0xb8;
	[tilespmem:$0x1D000] =	vst v63  }
0x63: {  	s25 =	simm.s32 $0xB000  }
0x64: {  	[tilespmem:s25], [sflag:$0x1] =	stream.indirect_vreg.gather [hbm4b:s2+s4], $0x80, v3, vm0, $0xb8;
	[tilespmem:$0x1D000] =	vst v63  }
0x65: {  	s26 =	simm.s32 $0xB800  }
0x66: {  	[tilespmem:s26], [sflag:$0x1] =	stream.indirect_vreg.gather [hbm4b:s10+s4], $0x80, v3, vm0, $0xb8;
	[tilespmem:$0x1D000] =	vst v63  }
0x67: {  	s28 =	simm.s32 $0xC000  }
0x68: {  	[tilespmem:s28], [sflag:$0x1] =	stream.indirect_vreg.gather [hbm4b:s11+s4], $0x80, v3, vm0, $0xb8;
	[tilespmem:$0x1D000] =	vst v63  }
0x69: {  	s29 =	rddreg [dreg:$0xa];
	s30 =	simm.s32 $0x18E00;
	s19 =	simm.s32 $0x0  }
0x6a: {  	[tilespmem:s30], [sflag:$0x2] =	stream.linear.gather [hbm4b:s29+s4], $0x600, $0x38;
	[tilespmem:$0x1D000] =	vst v63  }
.LBB2_2:
0x6b: {  	p0 =	sgt.u32 s19, $0xD  }
.Ltmp0:
0x6c: {  	_ = 	snop;
	(pc) =	sbr.rel @p0 .LBB2_4-.Ltmp0, $1  }
0x6d: {  	_ =	sdelay $0x3  }
0x6e: {  	p0 =	slt.u32 s19, $0x2  }
0x6f: {  	s3 =	simm.s32 @!p0 $0x3  }
0x70: {  	_ =	swait.ge @!p0 [sflag:s3], $0xC00  }
0x71: {  	[sflag:s3] =	ssyncset.done @!p0 $0x0  }
0x72: {  	[sflag:s3] =	ssyncadd.s32 @!p0 $0xFFFFF400  }
0x73: {  	_ =	swait.ge @!p0 [sflag:s3], $0xC00  }
0x74: {  	[sflag:s3] =	ssyncset.done @!p0 $0x0  }
0x75: {  	[sflag:s3] =	ssyncadd.s32 @!p0 $0xFFFFF400  }
0x76: {  	_ =	swait.ge @!p0 [sflag:s3], $0xC00  }
0x77: {  	[sflag:s3] =	ssyncset.done @!p0 $0x0  }
0x78: {  	[sflag:s3] =	ssyncadd.s32 @!p0 $0xFFFFF400  }
0x79: {  	_ =	swait.ge @!p0 [sflag:s3], $0xC00  }
0x7a: {  	[sflag:s3] =	ssyncset.done @!p0 $0x0  }
0x7b: {  	[sflag:s3] =	ssyncadd.s32 @!p0 $0xFFFFF400  }
0x7c: {  	_ =	swait.ge @!p0 [sflag:s3], $0xC00  }
0x7d: {  	[sflag:s3] =	ssyncset.done @!p0 $0x0  }
0x7e: {  	[sflag:s3] =	ssyncadd.s32 @!p0 $0xFFFFF400  }
0x7f: {  	_ =	swait.ge @!p0 [sflag:s3], $0xC00  }
0x80: {  	[sflag:s3] =	ssyncset.done @!p0 $0x0  }
0x81: {  	[sflag:s3] =	ssyncadd.s32 @!p0 $0xFFFFF400  }
0x82: {  	_ =	swait.ge @!p0 [sflag:s3], $0xC00  }
0x83: {  	[sflag:s3] =	ssyncset.done @!p0 $0x0  }
0x84: {  	[sflag:s3] =	ssyncadd.s32 @!p0 $0xFFFFF400  }
0x85: {  	s5 =	sadd.s32 $0x2, s19;
	_ =	swait.ge @!p0 [sflag:s3], $0xC00  }
0x86: {  	s6 =	sshll.u32 s5, $0x7;
	[sflag:s3] =	ssyncset.done @!p0 $0x0  }
0x87: {  	s7 =	sand.u32 $0x3FFFFF80, s6;
	[sflag:s3] =	ssyncadd.s32 @!p0 $0xFFFFF400  }
0x88: {  	v3 =	vld [tilespmem:s7+$0x0];
	_ =	sdelay $0x4  }
0x89: {  	v4 =	vshrl.u32 v3, $0x3  }
0x8a: {  	v4 =	vmul.u32 $0x30, v4  }
0x8b: {  	v3 =	vand.u32 $0x7, v3  }
0x8c: {  	v3 =	vor.u32 v3, v4  }
0x8d: {  	v4 =	vperm.xlane v3, v0;
	_ =	sdelay $0x1  }
0x8e: {  	s12 =	sand.u32 $0x3, s5;
	v4 =	vadd.s32 v1, v4  }
0x8f: {  	s8 =	smul.u32 $0x18000, s12;
	_ =	sdelay $0x1  }
0x90: {  	s8 =	sshrl.u32 s8, $0x2  }
0x91: {  	s9 =	sor.u32 $0x800, s8;
	v3 =	vperm.xlane v3, v2  }
0x92: {  	[tilespmem:s9], [sflag:$0x1] =	stream.indirect_vreg.gather [hbm4b:s2+s4], $0x80, v4, vm0, $0xb8;
	[tilespmem:$0x1D000] =	vst v63  }
0x93: {  	s13 =	sor.u32 $0x1000, s8;
	v3 =	vadd.s32 v1, v3  }
0x94: {  	[tilespmem:s13], [sflag:$0x1] =	stream.indirect_vreg.gather [hbm4b:s10+s4], $0x80, v4, vm0, $0xb8;
	[tilespmem:$0x1D000] =	vst v63  }
0x95: {  	s16 =	sor.u32 $0x1800, s8  }
0x96: {  	[tilespmem:s16], [sflag:$0x1] =	stream.indirect_vreg.gather [hbm4b:s11+s4], $0x80, v4, vm0, $0xb8;
	[tilespmem:$0x1D000] =	vst v63  }
0x97: {  	s17 =	sadd.s32 $0x2000, s8  }
0x98: {  	[tilespmem:s17], [sflag:$0x1] =	stream.indirect_vreg.gather [hbm4b:s2+s4], $0x80, v3, vm0, $0xb8;
	[tilespmem:$0x1D000] =	vst v63  }
0x99: {  	s18 =	sadd.s32 $0x2800, s8  }
0x9a: {  	[tilespmem:s18], [sflag:$0x1] =	stream.indirect_vreg.gather [hbm4b:s10+s4], $0x80, v3, vm0, $0xb8;
	[tilespmem:$0x1D000] =	vst v63  }
0x9b: {  	s20 =	sadd.s32 $0x3000, s8  }
0x9c: {  	[tilespmem:s20], [sflag:$0x1] =	stream.indirect_vreg.gather [hbm4b:s11+s4], $0x80, v3, vm0, $0xb8;
	[tilespmem:$0x1D000] =	vst v63  }
0x9d: {  	v3 =	vld [tilespmem:s7+$0x10];
	_ =	sdelay $0x4  }
0x9e: {  	v63 =	vshrl.u32 v3, $0x3  }
0x9f: {  	v4 =	vmul.u32 $0x30, v63  }
0xa0: {  	v3 =	vand.u32 $0x7, v3  }
0xa1: {  	v3 =	vor.u32 v3, v4  }
0xa2: {  	v4 =	vperm.xlane v3, v0;
	_ =	sdelay $0x1  }
0xa3: {  	v4 =	vadd.s32 v1, v4;
	_ =	sdelay $0x3  }
0xa4: {  	s21 =	sadd.s32 $0x3800, s8;
	v3 =	vperm.xlane v3, v2  }
0xa5: {  	[tilespmem:s21], [sflag:$0x1] =	stream.indirect_vreg.gather [hbm4b:s2+s4], $0x80, v4, vm0, $0xb8;
	[tilespmem:$0x1D000] =	vst v63  }
0xa6: {  	s22 =	sadd.s32 $0x4000, s8;
	v3 =	vadd.s32 v1, v3  }
0xa7: {  	[tilespmem:s22], [sflag:$0x1] =	stream.indirect_vreg.gather [hbm4b:s10+s4], $0x80, v4, vm0, $0xb8;
	[tilespmem:$0x1D000] =	vst v63  }
0xa8: {  	s23 =	sadd.s32 $0x4800, s8  }
0xa9: {  	[tilespmem:s23], [sflag:$0x1] =	stream.indirect_vreg.gather [hbm4b:s11+s4], $0x80, v4, vm0, $0xb8;
	[tilespmem:$0x1D000] =	vst v63  }
0xaa: {  	s29 =	smul.u32 $0x1800, s12;
	s24 =	sadd.s32 $0x5000, s8;
	s28 =	rddreg [dreg:$0x7]  }
0xab: {  	[tilespmem:s24], [sflag:$0x1] =	stream.indirect_vreg.gather [hbm4b:s2+s4], $0x80, v3, vm0, $0xb8;
	[tilespmem:$0x1D000] =	vst v63  }
0xac: {  	s25 =	sadd.s32 $0x5800, s8;
	s26 =	sadd.s32 $0x6000, s8;
	s3 =	sadd.s32 s28, s5  }
0xad: {  	[tilespmem:s25], [sflag:$0x1] =	stream.indirect_vreg.gather [hbm4b:s10+s4], $0x80, v3, vm0, $0xb8;
	[tilespmem:$0x1D000] =	vst v63  }
0xae: {  	s30 =	rddreg [dreg:$0x4];
	s5 =	sshrl.u32 s29, $0x2;
	s3 =	smul.u32 $0xC0, s3  }
0xaf: {  	[tilespmem:s26], [sflag:$0x1] =	stream.indirect_vreg.gather [hbm4b:s11+s4], $0x80, v3, vm0, $0xb8;
	[tilespmem:$0x1D000] =	vst v63  }
0xb0: {  	s5 =	sadd.s32 $0x18800, s5;
	s3 =	sadd.s32 s30, s3  }
0xb1: {  	[tilespmem:s5], [sflag:$0x2] =	stream.linear.gather [hbm4b:s3+s4], $0x600, $0x38;
	[tilespmem:$0x1D000] =	vst v63  }
.LBB2_4:
0xb2: {  	_ =	swait.ge [sflag:s31], $0x6000  }
0xb3: {  	s3 =	sand.u32 $0x3, s19;
	[sflag:s31] =	ssyncset.done $0x0  }
0xb4: {  	s6 =	simm.s32 $0x0;
	s5 =	smul.u32 $0x1800, s3;
	[sflag:s31] =	ssyncadd.s32 $0xFFFFA000  }
0xb5: {  	s26 =	simm.s32 $0x0;
	s6 =	sand.u32 $0x70, s6;
	_ =	swait.ge [sflag:s0], $0x600  }
0xb6: {  	s3 =	smul.u32 $0x18000, s3;
	s5 =	sshrl.u32 s5, $0x2;
	[sflag:s0] =	ssyncset.done $0x0  }
0xb7: {  	s13 =	sor.u32 s6, s26;
	s28 =	sadd.s32 $0x18800, s5;
	[sflag:s0] =	ssyncadd.s32 $0xFFFFFA00  }
0xb8: {  	s8 =	sadd.s32 $0x1A000, s13;
	s7 =	sadd.s32 $0x0, s28;
	v3 =	vld [tilespmem:s13+$0x1A000]  }
0xb9: {  	s20 =	sshrl.u32 s3, $0x2;
	s5 =	sadd.s32 s6, s7;
	v4 =	vld [tilespmem:s8+$0x80]  }
0xba: {  	s21 =	sor.u32 $0x800, s20;
	v7 =	vld [tilespmem:s5+$0x0]  }
0xbb: {  	s9 =	sadd.s32 $0x0, s21;
	v8 =	vld [tilespmem:s5+$0x80]  }
0xbc: {  	s12 =	sadd.s32 s6, s9  }
0xbd: {  	v5 =	vld [tilespmem:s12+$0x0]  }
0xbe: {  	v6 =	vld [tilespmem:s12+$0x80]  }
0xbf: {  	v9 =	vld [tilespmem:s12+$0x100]  }
0xc0: {  	v10 =	vld [tilespmem:s12+$0x180];
	v3 =	vmul.f32 v3, v7;
	v4 =	vmul.f32 v4, v8;
	_ =	sdelay $0x1  }
0xc1: {  	v3 =	vadd.f32 v4, v3;
	v4 =	vmul.f32 $2.771281240e+01, v5  }
0xc2: {  	v5 =	vmul.f32 $2.771281240e+01, v6  }
0xc3: {  	v6 =	vmul.f32 $2.771281240e+01, v9;
	v4 =	vadd.f32 v3, v4  }
0xc4: {  	v9 =	vmul.f32 $2.771281240e+01, v10;
	v5 =	vadd.f32 v5, v3  }
0xc5: {  	[tilespmem:s12+$0x0] =	vst v4;
	v4 =	vadd.f32 v6, v3  }
0xc6: {  	[tilespmem:s12+$0x80] =	vst v5;
	v3 =	vadd.f32 v9, v3  }
0xc7: {  	[tilespmem:s12+$0x100] =	vst v4  }
0xc8: {  	[tilespmem:s12+$0x180] =	vst v3  }
0xc9: {  	v3 =	vld [tilespmem:s13+$0x1A600]  }
0xca: {  	v4 =	vld [tilespmem:s13+$0x1A680];
	_ =	sdelay $0x1  }
0xcb: {  	v5 =	vld [tilespmem:s12+$0x200]  }
0xcc: {  	v6 =	vld [tilespmem:s12+$0x280]  }
0xcd: {  	v9 =	vld [tilespmem:s12+$0x300]  }
0xce: {  	v10 =	vld [tilespmem:s12+$0x380];
	v3 =	vmul.f32 v3, v7;
	v4 =	vmul.f32 v4, v8;
	_ =	sdelay $0x1  }
0xcf: {  	v5 =	vmul.f32 $2.771281240e+01, v5;
	v3 =	vadd.f32 v4, v3  }
0xd0: {  	v4 =	vmul.f32 $2.771281240e+01, v6  }
0xd1: {  	v6 =	vmul.f32 $2.771281240e+01, v9;
	v5 =	vadd.f32 v3, v5  }
0xd2: {  	v9 =	vmul.f32 $2.771281240e+01, v10;
	v4 =	vadd.f32 v4, v3  }
0xd3: {  	[tilespmem:s12+$0x200] =	vst v5;
	v5 =	vadd.f32 v6, v3  }
0xd4: {  	[tilespmem:s12+$0x280] =	vst v4;
	v3 =	vadd.f32 v9, v3  }
0xd5: {  	[tilespmem:s12+$0x300] =	vst v5  }
0xd6: {  	[tilespmem:s12+$0x380] =	vst v3  }
0xd7: {  	s22 =	sadd.s32 $0x2000, s20;
	v3 =	vld [tilespmem:s13+$0x1AC00]  }
0xd8: {  	s16 =	sadd.s32 $0x0, s22;
	v4 =	vld [tilespmem:s13+$0x1AC80]  }
0xd9: {  	s8 =	sadd.s32 s6, s16  }
0xda: {  	v5 =	vld [tilespmem:s8+$0x0]  }
0xdb: {  	v6 =	vld [tilespmem:s8+$0x80]  }
0xdc: {  	s17 =	simm.s32 $0x10;
	v9 =	vld [tilespmem:s8+$0x100]  }
0xdd: {  	s26 =	sand.u32 $0x70, s17;
	s23 =	sadd.s32 $0x0, s21;
	v10 =	vld [tilespmem:s8+$0x180];
	v3 =	vmul.f32 v3, v7;
	v4 =	vmul.f32 v4, v8  }
0xde: {  	s18 =	simm.s32 $0x0;
	s25 =	sadd.s32 s26, s23  }
0xdf: {  	s24 =	sor.u32 s26, s18;
	s7 =	sadd.s32 $0x0, s28;
	v14 =	vld [tilespmem:s25+$0x80];
	v11 =	vadd.f32 v4, v3;
	v3 =	vmul.f32 $2.771281240e+01, v5  }
0xe0: {  	s3 =	sadd.s32 s26, s7;
	v5 =	vld [tilespmem:s24+$0x1A000];
	v4 =	vmul.f32 $2.771281240e+01, v6  }
0xe1: {  	v9 =	vmul.f32 $2.771281240e+01, v9;
	v12 =	vadd.f32 v11, v3;
	v3 =	vld [tilespmem:s3+$0x0]  }
0xe2: {  	s9 =	sadd.s32 $0x1A000, s24;
	v10 =	vmul.f32 $2.771281240e+01, v10;
	v13 =	vadd.f32 v4, v11;
	v4 =	vld [tilespmem:s3+$0x80]  }
0xe3: {  	v9 =	vadd.f32 v9, v11;
	[tilespmem:s8+$0x0] =	vst v12;
	v12 =	vld [tilespmem:s9+$0x80]  }
0xe4: {  	v6 =	vld [tilespmem:s25+$0x0];
	v10 =	vadd.f32 v10, v11;
	[tilespmem:s8+$0x80] =	vst v13  }
0xe5: {  	v11 =	vld [tilespmem:s25+$0x100];
	[tilespmem:s8+$0x100] =	vst v9  }
0xe6: {  	[tilespmem:s8+$0x180] =	vst v10;
	v9 =	vld [tilespmem:s25+$0x180]  }
0xe7: {  	v10 =	vld [tilespmem:s13+$0x1B200]  }
0xe8: {  	v13 =	vld [tilespmem:s13+$0x1B280];
	v5 =	vmul.f32 v5, v3;
	v12 =	vmul.f32 v12, v4;
	_ =	sdelay $0x1  }
0xe9: {  	v6 =	vmul.f32 $2.771281240e+01, v6;
	v5 =	vadd.f32 v12, v5;
	v12 =	vld [tilespmem:s8+$0x200]  }
0xea: {  	v14 =	vmul.f32 $2.771281240e+01, v14;
	v15 =	vld [tilespmem:s8+$0x280]  }
0xeb: {  	v16 =	vld [tilespmem:s8+$0x300];
	v11 =	vmul.f32 $2.771281240e+01, v11;
	v9 =	vmul.f32 $2.771281240e+01, v9;
	v6 =	vadd.f32 v5, v6  }
0xec: {  	v17 =	vld [tilespmem:s8+$0x380];
	v10 =	vmul.f32 v10, v7;
	v13 =	vmul.f32 v13, v8;
	v14 =	vadd.f32 v14, v5  }
0xed: {  	[tilespmem:s25+$0x0] =	vst v6;
	v6 =	vadd.f32 v11, v5  }
0xee: {  	[tilespmem:s25+$0x80] =	vst v14;
	v5 =	vadd.f32 v9, v5;
	v9 =	vadd.f32 v13, v10;
	v10 =	vmul.f32 $2.771281240e+01, v12  }
0xef: {  	[tilespmem:s25+$0x100] =	vst v6;
	v6 =	vmul.f32 $2.771281240e+01, v15  }
0xf0: {  	v11 =	vmul.f32 $2.771281240e+01, v16;
	[tilespmem:s25+$0x180] =	vst v5;
	v5 =	vld [tilespmem:s25+$0x200];
	v10 =	vadd.f32 v9, v10  }
0xf1: {  	v13 =	vmul.f32 $2.771281240e+01, v17;
	v12 =	vld [tilespmem:s24+$0x1A600];
	v6 =	vadd.f32 v6, v9  }
0xf2: {  	v14 =	vld [tilespmem:s24+$0x1A680];
	[tilespmem:s8+$0x200] =	vst v10;
	v10 =	vadd.f32 v11, v9  }
0xf3: {  	v11 =	vld [tilespmem:s25+$0x280];
	[tilespmem:s8+$0x280] =	vst v6;
	v6 =	vadd.f32 v13, v9  }
0xf4: {  	v9 =	vld [tilespmem:s25+$0x300];
	[tilespmem:s8+$0x300] =	vst v10  }
0xf5: {  	v10 =	vld [tilespmem:s25+$0x380];
	[tilespmem:s8+$0x380] =	vst v6  }
0xf6: {  	s23 =	sadd.s32 $0x3800, s20;
	v6 =	vld [tilespmem:s13+$0x1B800]  }
0xf7: {  	s12 =	sadd.s32 $0x0, s23;
	v12 =	vmul.f32 v12, v3;
	v13 =	vmul.f32 v14, v4;
	v14 =	vld [tilespmem:s13+$0x1B880]  }
0xf8: {  	s8 =	sadd.s32 s6, s12  }
0xf9: {  	v5 =	vmul.f32 $2.771281240e+01, v5;
	v12 =	vadd.f32 v13, v12;
	v13 =	vld [tilespmem:s8+$0x0]  }
0xfa: {  	v15 =	vld [tilespmem:s8+$0x80];
	v11 =	vmul.f32 $2.771281240e+01, v11  }
0xfb: {  	v41 =	vld [tilespmem:s8+$0x100];
	v9 =	vmul.f32 $2.771281240e+01, v9;
	v5 =	vadd.f32 v12, v5;
	v10 =	vmul.f32 $2.771281240e+01, v10  }
0xfc: {  	v42 =	vld [tilespmem:s8+$0x180];
	v11 =	vadd.f32 v11, v12;
	v6 =	vmul.f32 v6, v7;
	v14 =	vmul.f32 v14, v8  }
0xfd: {  	[tilespmem:s25+$0x200] =	vst v5;
	v5 =	vadd.f32 v9, v12  }
0xfe: {  	[tilespmem:s25+$0x280] =	vst v11;
	v9 =	vadd.f32 v10, v12;
	v10 =	vmul.f32 $2.771281240e+01, v13;
	v6 =	vadd.f32 v14, v6  }
0xff: {  	s16 =	sadd.s32 $0x0, s22;
	[tilespmem:s25+$0x300] =	vst v5;
	v5 =	vmul.f32 $2.771281240e+01, v15  }
0x100: {  	s12 =	sadd.s32 s26, s16;
	[tilespmem:s25+$0x380] =	vst v9;
	v9 =	vadd.f32 v6, v10;
	v10 =	vmul.f32 $2.771281240e+01, v41  }
0x101: {  	v12 =	vmul.f32 $2.771281240e+01, v42;
	v11 =	vld [tilespmem:s12+$0x0];
	v5 =	vadd.f32 v5, v6  }
0x102: {  	v13 =	vld [tilespmem:s24+$0x1AC00];
	[tilespmem:s8+$0x0] =	vst v9;
	v9 =	vadd.f32 v10, v6  }
0x103: {  	v10 =	vld [tilespmem:s24+$0x1AC80];
	[tilespmem:s8+$0x80] =	vst v5;
	v5 =	vadd.f32 v12, v6  }
0x104: {  	v6 =	vld [tilespmem:s12+$0x80];
	[tilespmem:s8+$0x100] =	vst v9  }
0x105: {  	v9 =	vld [tilespmem:s12+$0x100];
	[tilespmem:s8+$0x180] =	vst v5  }
0x106: {  	v5 =	vld [tilespmem:s13+$0x1BE00]  }
0x107: {  	v12 =	vld [tilespmem:s13+$0x1BE80]  }
0x108: {  	v14 =	vld [tilespmem:s12+$0x180];
	v13 =	vmul.f32 v13, v3;
	v10 =	vmul.f32 v10, v4  }
0x109: {  	v15 =	vld [tilespmem:s8+$0x200]  }
0x10a: {  	s9 =	simm.s32 $0x20;
	v11 =	vmul.f32 $2.771281240e+01, v11;
	v10 =	vadd.f32 v10, v13;
	v13 =	vld [tilespmem:s8+$0x280]  }
0x10b: {  	s17 =	simm.s32 $0x0;
	s30 =	sand.u32 $0x70, s9;
	v43 =	vld [tilespmem:s8+$0x300];
	v6 =	vmul.f32 $2.771281240e+01, v6;
	v9 =	vmul.f32 $2.771281240e+01, v9  }
0x10c: {  	s18 =	sadd.s32 $0x0, s21;
	s29 =	sor.u32 s30, s17;
	v44 =	vld [tilespmem:s8+$0x380];
	v5 =	vmul.f32 v5, v7;
	v12 =	vmul.f32 v12, v8;
	v11 =	vadd.f32 v10, v11  }
0x10d: {  	s5 =	sadd.s32 s30, s18;
	v18 =	vld [tilespmem:s29+$0x1A000];
	v14 =	vmul.f32 $2.771281240e+01, v14;
	v6 =	vadd.f32 v6, v10  }
0x10e: {  	v19 =	vld [tilespmem:s5+$0x0];
	v9 =	vadd.f32 v9, v10;
	[tilespmem:s12+$0x0] =	vst v11;
	v11 =	vadd.f32 v12, v5;
	v5 =	vmul.f32 $2.771281240e+01, v15  }
0x10f: {  	s25 =	sadd.s32 $0x0, s28;
	v12 =	vld [tilespmem:s5+$0x80];
	[tilespmem:s12+$0x80] =	vst v6;
	v6 =	vadd.f32 v14, v10;
	v10 =	vmul.f32 $2.771281240e+01, v13  }
0x110: {  	s3 =	sadd.s32 s30, s25;
	[tilespmem:s12+$0x100] =	vst v9;
	v14 =	vmul.f32 $2.771281240e+01, v43;
	v13 =	vld [tilespmem:s5+$0x100];
	v9 =	vadd.f32 v11, v5  }
0x111: {  	v15 =	vmul.f32 $2.771281240e+01, v44;
	v5 =	vld [tilespmem:s3+$0x0];
	[tilespmem:s12+$0x180] =	vst v6;
	v10 =	vadd.f32 v10, v11  }
0x112: {  	s7 =	sadd.s32 $0x1A000, s29;
	v6 =	vld [tilespmem:s3+$0x80];
	[tilespmem:s8+$0x200] =	vst v9;
	v9 =	vadd.f32 v14, v11  }
0x113: {  	v14 =	vld [tilespmem:s7+$0x80];
	[tilespmem:s8+$0x280] =	vst v10;
	v10 =	vadd.f32 v15, v11  }
0x114: {  	v46 =	vld [tilespmem:s24+$0x1B280];
	[tilespmem:s8+$0x300] =	vst v9  }
0x115: {  	v11 =	vld [tilespmem:s5+$0x180];
	[tilespmem:s8+$0x380] =	vst v10  }
0x116: {  	s25 =	sadd.s32 $0x5000, s20;
	v10 =	vld [tilespmem:s13+$0x1C400]  }
0x117: {  	s16 =	sadd.s32 $0x0, s25;
	v15 =	vld [tilespmem:s13+$0x1C480]  }
0x118: {  	s6 =	sadd.s32 s6, s16;
	v9 =	vld [tilespmem:s24+$0x1B200];
	v45 =	vmul.f32 v18, v5;
	v14 =	vmul.f32 v14, v6  }
0x119: {  	v47 =	vld [tilespmem:s6+$0x0]  }
0x11a: {  	v48 =	vmul.f32 $2.771281240e+01, v19;
	v49 =	vld [tilespmem:s6+$0x80];
	v14 =	vadd.f32 v14, v45  }
0x11b: {  	v12 =	vmul.f32 $2.771281240e+01, v12;
	v13 =	vmul.f32 $2.771281240e+01, v13;
	v20 =	vld [tilespmem:s6+$0x100]  }
0x11c: {  	v21 =	vld [tilespmem:s6+$0x180];
	v16 =	vadd.f32 v14, v48;
	v10 =	vmul.f32 v10, v7;
	v15 =	vmul.f32 v15, v8  }
0x11d: {  	v22 =	vld [tilespmem:s12+$0x200];
	v11 =	vmul.f32 $2.771281240e+01, v11;
	v12 =	vadd.f32 v12, v14  }
0x11e: {  	v50 =	vld [tilespmem:s12+$0x280];
	v13 =	vadd.f32 v13, v14;
	[tilespmem:s5+$0x0] =	vst v16;
	v10 =	vadd.f32 v15, v10;
	v15 =	vmul.f32 $2.771281240e+01, v47  }
0x11f: {  	v9 =	vmul.f32 v9, v3;
	v11 =	vadd.f32 v11, v14;
	v14 =	vmul.f32 $2.771281240e+01, v49;
	[tilespmem:s5+$0x80] =	vst v12;
	v12 =	vld [tilespmem:s12+$0x300]  }
0x120: {  	v51 =	vld [tilespmem:s12+$0x380];
	v52 =	vmul.f32 $2.771281240e+01, v20;
	[tilespmem:s5+$0x100] =	vst v13;
	v13 =	vmul.f32 v46, v4;
	v15 =	vadd.f32 v10, v15  }
0x121: {  	v54 =	vld [tilespmem:s5+$0x280];
	v53 =	vmul.f32 $2.771281240e+01, v21;
	[tilespmem:s5+$0x180] =	vst v11;
	v14 =	vadd.f32 v14, v10  }
0x122: {  	v55 =	vld [tilespmem:s5+$0x300];
	v9 =	vadd.f32 v13, v9;
	v13 =	vmul.f32 $2.771281240e+01, v22;
	[tilespmem:s6+$0x0] =	vst v15;
	v15 =	vadd.f32 v52, v10  }
0x123: {  	v11 =	vld [tilespmem:s5+$0x200];
	v16 =	vmul.f32 $2.771281240e+01, v50;
	[tilespmem:s6+$0x80] =	vst v14;
	v10 =	vadd.f32 v53, v10  }
0x124: {  	v14 =	vld [tilespmem:s29+$0x1A600];
	v13 =	vadd.f32 v9, v13;
	v12 =	vmul.f32 $2.771281240e+01, v12;
	[tilespmem:s6+$0x100] =	vst v15  }
0x125: {  	v17 =	vmul.f32 $2.771281240e+01, v51;
	v16 =	vadd.f32 v16, v9;
	v15 =	vld [tilespmem:s29+$0x1A680];
	[tilespmem:s6+$0x180] =	vst v10  }
0x126: {  	[tilespmem:s12+$0x200] =	vst v13;
	v10 =	vadd.f32 v12, v9;
	v12 =	vld [tilespmem:s13+$0x1CA00]  }
0x127: {  	[tilespmem:s12+$0x280] =	vst v16;
	v9 =	vadd.f32 v17, v9;
	v13 =	vld [tilespmem:s13+$0x1CA80]  }
0x128: {  	v56 =	vld [tilespmem:s5+$0x380];
	[tilespmem:s12+$0x300] =	vst v10  }
0x129: {  	[tilespmem:s12+$0x380] =	vst v9;
	v9 =	vld [tilespmem:s6+$0x380]  }
0x12a: {  	v14 =	vmul.f32 v14, v5;
	v10 =	vld [tilespmem:s24+$0x1B800];
	v15 =	vmul.f32 v15, v6  }
0x12b: {  	s17 =	sadd.s32 $0x0, s23;
	v11 =	vmul.f32 $2.771281240e+01, v11;
	v57 =	vld [tilespmem:s24+$0x1B880]  }
0x12c: {  	v58 =	vld [tilespmem:s6+$0x200];
	s12 =	sadd.s32 s26, s17;
	v7 =	vmul.f32 v12, v7;
	v8 =	vmul.f32 v13, v8;
	v14 =	vadd.f32 v15, v14  }
0x12d: {  	v12 =	vld [tilespmem:s12+$0x0];
	v13 =	vmul.f32 $2.771281240e+01, v54  }
0x12e: {  	v15 =	vld [tilespmem:s12+$0x80];
	v7 =	vadd.f32 v8, v7;
	v8 =	vmul.f32 $2.771281240e+01, v9;
	v11 =	vadd.f32 v14, v11  }
0x12f: {  	v18 =	vmul.f32 $2.771281240e+01, v55;
	v16 =	vmul.f32 $2.771281240e+01, v56;
	v9 =	vld [tilespmem:s12+$0x100];
	v13 =	vadd.f32 v13, v14  }
0x130: {  	v59 =	vld [tilespmem:s12+$0x180];
	v10 =	vmul.f32 v10, v3;
	v8 =	vadd.f32 v8, v7;
	[tilespmem:s5+$0x200] =	vst v11;
	v11 =	vmul.f32 v57, v4  }
0x131: {  	v60 =	vld [tilespmem:s6+$0x280];
	v61 =	vmul.f32 $2.771281240e+01, v58;
	[tilespmem:s5+$0x280] =	vst v13;
	v13 =	vadd.f32 v18, v14  }
0x132: {  	v62 =	vld [tilespmem:s6+$0x300];
	v14 =	vadd.f32 v16, v14;
	[tilespmem:s6+$0x380] =	vst v8;
	v11 =	vadd.f32 v11, v10;
	v10 =	vmul.f32 $2.771281240e+01, v12  }
0x133: {  	s18 =	sadd.s32 $0x0, s22;
	v8 =	vmul.f32 $2.771281240e+01, v15;
	[tilespmem:s5+$0x300] =	vst v13;
	v13 =	vadd.f32 v7, v61  }
0x134: {  	s18 =	sadd.s32 s30, s18;
	[tilespmem:s5+$0x380] =	vst v14;
	v9 =	vmul.f32 $2.771281240e+01, v9;
	v10 =	vadd.f32 v11, v10  }
0x135: {  	v63 =	vmul.f32 $2.771281240e+01, v59;
	v12 =	vld [tilespmem:s18+$0x0];
	v15 =	vadd.f32 v8, v11;
	[tilespmem:s6+$0x200] =	vst v13  }
0x136: {  	v14 =	vld [tilespmem:s29+$0x1AC80];
	v8 =	vmul.f32 $2.771281240e+01, v60;
	[tilespmem:s12+$0x0] =	vst v10;
	v10 =	vadd.f32 v9, v11  }
0x137: {  	s16 =	simm.s32 $0x0;
	s13 =	simm.s32 $0x0;
	s17 =	simm.s32 $0x3;
	v13 =	vld [tilespmem:s29+$0x1AC00];
	[tilespmem:s12+$0x80] =	vst v15;
	v11 =	vadd.f32 v63, v11;
	v9 =	vmul.f32 $2.771281240e+01, v62  }
.LBB2_5:
0x138: {  	p0 =	sne.s32 s17, $0x2F;
	v15 =	vld [tilespmem:s18+$0x80];
	[tilespmem:s12+$0x100] =	vst v10;
	v8 =	vadd.f32 v8, v7  }
0x139: {  	v10 =	vld [tilespmem:s18+$0x100];
	[tilespmem:s12+$0x180] =	vst v11;
	v7 =	vadd.f32 v9, v7  }
0x13a: {  	v9 =	vld [tilespmem:s24+$0x1BE00];
	[tilespmem:s6+$0x280] =	vst v8  }
0x13b: {  	v8 =	vld [tilespmem:s24+$0x1BE80];
	[tilespmem:s6+$0x300] =	vst v7  }
0x13c: {  	v7 =	vmul.f32 v13, v5;
	v11 =	vmul.f32 v14, v6;
	v13 =	vld [tilespmem:s18+$0x180]  }
0x13d: {  	v14 =	vld [tilespmem:s12+$0x200]  }
0x13e: {  	s5 =	sshrl.u32 s17, $0x3;
	s9 =	sadd.s32 $0x10, s9;
	v7 =	vadd.f32 v11, v7;
	v11 =	vmul.f32 $2.771281240e+01, v12;
	v12 =	vld [tilespmem:s12+$0x280]  }
0x13f: {  	s3 =	sand.u32 $0x70, s9;
	s7 =	sshll.u32 s5, $0xA;
	s6 =	sshll.u32 s5, $0x8;
	v15 =	vmul.f32 $2.771281240e+01, v15;
	v10 =	vmul.f32 $2.771281240e+01, v10;
	v16 =	vld [tilespmem:s12+$0x300]  }
0x140: {  	s5 =	sadd.s32 s7, s21;
	s8 =	sor.u32 s3, s6;
	v9 =	vmul.f32 v9, v3;
	v11 =	vadd.f32 v7, v11;
	v8 =	vmul.f32 v8, v4;
	v17 =	vld [tilespmem:s12+$0x380]  }
0x141: {  	s5 =	sadd.s32 s3, s5;
	v15 =	vadd.f32 v15, v7;
	v18 =	vld [tilespmem:s8+$0x1A000];
	v13 =	vmul.f32 $2.771281240e+01, v13  }
0x142: {  	v10 =	vadd.f32 v10, v7;
	v19 =	vld [tilespmem:s5+$0x0];
	[tilespmem:s18+$0x0] =	vst v11;
	v8 =	vadd.f32 v8, v9;
	v9 =	vmul.f32 $2.771281240e+01, v14  }
0x143: {  	s6 =	sadd.s32 s6, s28;
	v11 =	vld [tilespmem:s5+$0x80];
	[tilespmem:s18+$0x80] =	vst v15;
	v13 =	vadd.f32 v13, v7;
	v12 =	vmul.f32 $2.771281240e+01, v12  }
0x144: {  	s6 =	sadd.s32 s3, s6;
	v14 =	vld [tilespmem:s5+$0x100];
	[tilespmem:s18+$0x100] =	vst v10;
	v9 =	vadd.f32 v8, v9;
	v10 =	vmul.f32 $2.771281240e+01, v16  }
0x145: {  	v7 =	vld [tilespmem:s6+$0x0];
	[tilespmem:s18+$0x180] =	vst v13;
	v12 =	vadd.f32 v12, v8;
	v13 =	vmul.f32 $2.771281240e+01, v17  }
0x146: {  	v15 =	vld [tilespmem:s6+$0x80];
	s6 =	sadd.s32 $0x1A000, s8;
	[tilespmem:s12+$0x200] =	vst v9;
	v9 =	vadd.f32 v10, v8  }
0x147: {  	v10 =	vld [tilespmem:s6+$0x80];
	[tilespmem:s12+$0x280] =	vst v12;
	v8 =	vadd.f32 v13, v8  }
0x148: {  	v12 =	vld [tilespmem:s5+$0x180];
	[tilespmem:s12+$0x300] =	vst v9  }
0x149: {  	v9 =	vld [tilespmem:s29+$0x1B200];
	[tilespmem:s12+$0x380] =	vst v8  }
0x14a: {  	v8 =	vld [tilespmem:s24+$0x1C400]  }
0x14b: {  	s6 =	sadd.s32 s16, s25;
	s16 =	smov.u32 s13;
	s13 =	smov.u32 s7;
	v13 =	vld [tilespmem:s24+$0x1C480]  }
0x14c: {  	s6 =	sadd.s32 s26, s6;
	s26 =	smov.u32 s30;
	s30 =	smov.u32 s3;
	v16 =	vmul.f32 v18, v7;
	v10 =	vmul.f32 v10, v15;
	v17 =	vld [tilespmem:s29+$0x1B280]  }
0x14d: {  	v18 =	vld [tilespmem:s6+$0x0]  }
0x14e: {  	v10 =	vadd.f32 v10, v16;
	v16 =	vmul.f32 $2.771281240e+01, v19;
	v19 =	vld [tilespmem:s6+$0x80]  }
0x14f: {  	v11 =	vmul.f32 $2.771281240e+01, v11;
	v14 =	vmul.f32 $2.771281240e+01, v14;
	v20 =	vld [tilespmem:s6+$0x100]  }
0x150: {  	v8 =	vmul.f32 v8, v3;
	v16 =	vadd.f32 v10, v16;
	v13 =	vmul.f32 v13, v4;
	v21 =	vld [tilespmem:s6+$0x180]  }
0x151: {  	v12 =	vmul.f32 $2.771281240e+01, v12;
	v11 =	vadd.f32 v11, v10;
	v22 =	vld [tilespmem:s18+$0x200]  }
0x152: {  	v14 =	vadd.f32 v14, v10;
	[tilespmem:s5+$0x0] =	vst v16;
	v16 =	vld [tilespmem:s18+$0x280];
	v8 =	vadd.f32 v13, v8;
	v13 =	vmul.f32 $2.771281240e+01, v18  }
0x153: {  	v9 =	vmul.f32 v9, v5;
	v10 =	vadd.f32 v12, v10;
	[tilespmem:s5+$0x80] =	vst v11;
	v11 =	vld [tilespmem:s18+$0x300];
	v12 =	vmul.f32 $2.771281240e+01, v19  }
0x154: {  	[tilespmem:s5+$0x100] =	vst v14;
	v14 =	vmul.f32 v17, v6;
	v17 =	vld [tilespmem:s18+$0x380];
	v13 =	vadd.f32 v8, v13;
	v18 =	vmul.f32 $2.771281240e+01, v20  }
0x155: {  	[tilespmem:s5+$0x180] =	vst v10;
	v10 =	vld [tilespmem:s5+$0x200];
	v12 =	vadd.f32 v12, v8;
	v19 =	vmul.f32 $2.771281240e+01, v21  }
0x156: {  	v20 =	vld [tilespmem:s5+$0x280];
	v9 =	vadd.f32 v14, v9;
	v14 =	vmul.f32 $2.771281240e+01, v22;
	[tilespmem:s6+$0x0] =	vst v13;
	v13 =	vadd.f32 v18, v8  }
0x157: {  	v18 =	vld [tilespmem:s5+$0x300];
	v16 =	vmul.f32 $2.771281240e+01, v16;
	[tilespmem:s6+$0x80] =	vst v12;
	v8 =	vadd.f32 v19, v8  }
0x158: {  	v12 =	vld [tilespmem:s8+$0x1A600];
	v14 =	vadd.f32 v9, v14;
	v11 =	vmul.f32 $2.771281240e+01, v11;
	[tilespmem:s6+$0x100] =	vst v13  }
0x159: {  	v13 =	vld [tilespmem:s8+$0x1A680];
	v16 =	vadd.f32 v16, v9;
	v17 =	vmul.f32 $2.771281240e+01, v17;
	[tilespmem:s6+$0x180] =	vst v8  }
0x15a: {  	[tilespmem:s18+$0x200] =	vst v14;
	v8 =	vadd.f32 v11, v9;
	v11 =	vld [tilespmem:s24+$0x1CA00]  }
0x15b: {  	[tilespmem:s18+$0x280] =	vst v16;
	v9 =	vadd.f32 v17, v9;
	v14 =	vld [tilespmem:s24+$0x1CA80];
	s24 =	smov.u32 s29;
	s29 =	smov.u32 s8  }
0x15c: {  	v16 =	vld [tilespmem:s5+$0x380];
	[tilespmem:s18+$0x300] =	vst v8  }
0x15d: {  	[tilespmem:s18+$0x380] =	vst v9;
	v8 =	vld [tilespmem:s6+$0x380]  }
0x15e: {  	v9 =	vmul.f32 v12, v7;
	v12 =	vmul.f32 v13, v15;
	v13 =	vld [tilespmem:s24+$0x1B800]  }
0x15f: {  	s3 =	sadd.s32 s16, s23;
	v10 =	vmul.f32 $2.771281240e+01, v10;
	v17 =	vld [tilespmem:s24+$0x1B880]  }
0x160: {  	s12 =	sadd.s32 s26, s3;
	v11 =	vmul.f32 v11, v3;
	v3 =	vmovc v5;
	v9 =	vadd.f32 v12, v9;
	v12 =	vmul.f32 v14, v4;
	v14 =	vld [tilespmem:s6+$0x200]  }
0x161: {  	v19 =	vmul.f32 $2.771281240e+01, v20;
	v5 =	vmovc v7;
	v4 =	vmov v6;
	v6 =	vmov v15;
	v20 =	vld [tilespmem:s12+$0x0]  }
0x162: {  	v10 =	vadd.f32 v9, v10;
	v15 =	vld [tilespmem:s12+$0x80];
	v7 =	vadd.f32 v12, v11;
	v8 =	vmul.f32 $2.771281240e+01, v8  }
0x163: {  	v16 =	vmul.f32 $2.771281240e+01, v16;
	v11 =	vadd.f32 v19, v9;
	v12 =	vmul.f32 $2.771281240e+01, v18;
	v18 =	vld [tilespmem:s12+$0x100]  }
0x164: {  	[tilespmem:s5+$0x200] =	vst v10;
	v10 =	vmul.f32 v13, v3;
	v13 =	vmul.f32 v17, v4;
	v17 =	vld [tilespmem:s12+$0x180];
	v8 =	vadd.f32 v8, v7  }
0x165: {  	[tilespmem:s5+$0x280] =	vst v11;
	v11 =	vadd.f32 v12, v9;
	v12 =	vmul.f32 $2.771281240e+01, v14;
	v14 =	vld [tilespmem:s6+$0x280]  }
0x166: {  	v9 =	vadd.f32 v16, v9;
	v16 =	vadd.f32 v13, v10;
	v10 =	vmul.f32 $2.771281240e+01, v20;
	v19 =	vld [tilespmem:s6+$0x300];
	[tilespmem:s6+$0x380] =	vst v8  }
.Ltmp1:
0x167: {  	s3 =	sadd.s32 s13, s22;
	[tilespmem:s5+$0x300] =	vst v11;
	v8 =	vmul.f32 $2.771281240e+01, v15;
	v11 =	vadd.f32 v7, v12;
	(pc) =	sbr.rel @p0 .LBB2_5-.Ltmp1, $4  }
0x168: {  	s18 =	sadd.s32 s30, s3;
	[tilespmem:s5+$0x380] =	vst v9;
	v9 =	vadd.f32 v16, v10;
	v10 =	vmul.f32 $2.771281240e+01, v18  }
0x169: {  	v12 =	vld [tilespmem:s18+$0x0];
	v15 =	vadd.f32 v8, v16;
	v17 =	vmul.f32 $2.771281240e+01, v17;
	[tilespmem:s6+$0x200] =	vst v11  }
0x16a: {  	v13 =	vld [tilespmem:s29+$0x1AC00];
	[tilespmem:s12+$0x0] =	vst v9;
	v10 =	vadd.f32 v10, v16;
	v8 =	vmul.f32 $2.771281240e+01, v14  }
0x16b: {  	s17 =	sadd.s32 $0x1, s17;
	v14 =	vld [tilespmem:s29+$0x1AC80];
	[tilespmem:s12+$0x80] =	vst v15;
	v11 =	vadd.f32 v17, v16;
	v9 =	vmul.f32 $2.771281240e+01, v19  }
0x16c: {  	_ =	sdelay $0x1  }
0x16d: {  	v15 =	vld [tilespmem:s18+$0x80]  }
0x16e: {  	v16 =	vld [tilespmem:s18+$0x100]  }
0x16f: {  	v17 =	vld [tilespmem:s18+$0x180];
	v13 =	vmul.f32 v13, v5;
	v14 =	vmul.f32 v14, v6;
	_ =	sdelay $0x1  }
0x170: {  	v12 =	vmul.f32 $2.771281240e+01, v12;
	v13 =	vadd.f32 v14, v13  }
0x171: {  	v22 =	vmul.f32 $2.771281240e+01, v15  }
0x172: {  	v23 =	vmul.f32 $2.771281240e+01, v16;
	v12 =	vadd.f32 v13, v12  }
0x173: {  	v24 =	vmul.f32 $2.771281240e+01, v17;
	v14 =	vadd.f32 v22, v13  }
0x174: {  	v25 =	vadd.f32 v23, v13;
	[tilespmem:s18+$0x0] =	vst v12  }
0x175: {  	v13 =	vadd.f32 v24, v13;
	[tilespmem:s18+$0x80] =	vst v14  }
0x176: {  	[tilespmem:s18+$0x100] =	vst v25  }
0x177: {  	[tilespmem:s18+$0x180] =	vst v13  }
0x178: {  	v12 =	vld [tilespmem:s29+$0x1B200]  }
0x179: {  	v13 =	vld [tilespmem:s29+$0x1B280];
	_ =	sdelay $0x1  }
0x17a: {  	v26 =	vld [tilespmem:s18+$0x200]  }
0x17b: {  	v27 =	vld [tilespmem:s18+$0x280]  }
0x17c: {  	v28 =	vld [tilespmem:s18+$0x300]  }
0x17d: {  	v29 =	vld [tilespmem:s18+$0x380];
	v12 =	vmul.f32 v12, v5;
	v13 =	vmul.f32 v13, v6;
	_ =	sdelay $0x1  }
0x17e: {  	v30 =	vmul.f32 $2.771281240e+01, v26;
	v12 =	vadd.f32 v13, v12  }
0x17f: {  	v31 =	vmul.f32 $2.771281240e+01, v27  }
0x180: {  	v32 =	vmul.f32 $2.771281240e+01, v28;
	v13 =	vadd.f32 v12, v30  }
0x181: {  	v33 =	vmul.f32 $2.771281240e+01, v29;
	v14 =	vadd.f32 v31, v12  }
0x182: {  	v34 =	vadd.f32 v32, v12;
	[tilespmem:s18+$0x200] =	vst v13  }
0x183: {  	v12 =	vadd.f32 v33, v12;
	[tilespmem:s18+$0x280] =	vst v14  }
0x184: {  	[tilespmem:s18+$0x300] =	vst v34  }
0x185: {  	[tilespmem:s18+$0x380] =	vst v12  }
0x186: {  	v12 =	vld [tilespmem:s29+$0x1B800]  }
0x187: {  	s3 =	sadd.s32 s13, s23;
	v13 =	vld [tilespmem:s29+$0x1B880]  }
0x188: {  	s8 =	sadd.s32 s30, s3  }
0x189: {  	v14 =	vld [tilespmem:s8+$0x0]  }
0x18a: {  	v35 =	vld [tilespmem:s8+$0x80]  }
0x18b: {  	v36 =	vld [tilespmem:s8+$0x100]  }
0x18c: {  	v37 =	vld [tilespmem:s8+$0x180];
	v12 =	vmul.f32 v12, v5;
	v13 =	vmul.f32 v13, v6;
	_ =	sdelay $0x1  }
0x18d: {  	v39 =	vmul.f32 $2.771281240e+01, v14;
	v38 =	vadd.f32 v13, v12  }
0x18e: {  	[tilespmem:s12+$0x100] =	vst v10;
	v40 =	vmul.f32 $2.771281240e+01, v35  }
0x18f: {  	v45 =	vld [tilespmem:s12+$0x200];
	[tilespmem:s12+$0x180] =	vst v11;
	v42 =	vmul.f32 $2.771281240e+01, v36;
	v12 =	vadd.f32 v38, v39  }
0x190: {  	v41 =	vld [tilespmem:s24+$0x1BE00];
	v44 =	vmul.f32 $2.771281240e+01, v37;
	v11 =	vadd.f32 v40, v38  }
0x191: {  	v43 =	vld [tilespmem:s24+$0x1BE80];
	v46 =	vadd.f32 v42, v38;
	[tilespmem:s8+$0x0] =	vst v12  }
0x192: {  	v47 =	vld [tilespmem:s12+$0x280];
	v10 =	vadd.f32 v44, v38;
	[tilespmem:s8+$0x80] =	vst v11  }
0x193: {  	v48 =	vld [tilespmem:s12+$0x300];
	[tilespmem:s8+$0x100] =	vst v46  }
0x194: {  	v49 =	vld [tilespmem:s12+$0x380];
	[tilespmem:s8+$0x180] =	vst v10  }
0x195: {  	v52 =	vld [tilespmem:s29+$0x1BE00]  }
0x196: {  	v50 =	vmul.f32 v41, v3;
	v51 =	vmul.f32 v43, v4;
	v53 =	vld [tilespmem:s29+$0x1BE80];
	_ =	sdelay $0x1  }
0x197: {  	v54 =	vmul.f32 $2.771281240e+01, v45;
	v55 =	vld [tilespmem:s8+$0x200];
	v10 =	vadd.f32 v51, v50  }
0x198: {  	v18 =	vld [tilespmem:s8+$0x280];
	v14 =	vmul.f32 $2.771281240e+01, v47  }
0x199: {  	v19 =	vld [tilespmem:s8+$0x300];
	v11 =	vmul.f32 $2.771281240e+01, v48;
	v12 =	vmul.f32 $2.771281240e+01, v49;
	v13 =	vadd.f32 v10, v54  }
0x19a: {  	v58 =	vld [tilespmem:s8+$0x380];
	v14 =	vadd.f32 v14, v10;
	v56 =	vmul.f32 v52, v5;
	v57 =	vmul.f32 v53, v6  }
0x19b: {  	v11 =	vadd.f32 v11, v10;
	[tilespmem:s12+$0x200] =	vst v13  }
0x19c: {  	v60 =	vmul.f32 $2.771281240e+01, v55;
	v10 =	vadd.f32 v12, v10;
	[tilespmem:s12+$0x280] =	vst v14;
	v59 =	vadd.f32 v57, v56  }
0x19d: {  	v61 =	vmul.f32 $2.771281240e+01, v18;
	[tilespmem:s12+$0x300] =	vst v11  }
0x19e: {  	v63 =	vmul.f32 $2.771281240e+01, v19;
	[tilespmem:s12+$0x380] =	vst v10;
	v12 =	vadd.f32 v59, v60  }
0x19f: {  	s9 =	sadd.s32 s16, s25;
	v16 =	vmul.f32 $2.771281240e+01, v58;
	v62 =	vld [tilespmem:s24+$0x1C400];
	v10 =	vadd.f32 v61, v59  }
0x1a0: {  	s5 =	sadd.s32 s26, s9;
	v20 =	vld [tilespmem:s24+$0x1C480];
	v22 =	vadd.f32 v63, v59;
	[tilespmem:s8+$0x200] =	vst v12  }
0x1a1: {  	v21 =	vld [tilespmem:s5+$0x0];
	v24 =	vadd.f32 v16, v59;
	[tilespmem:s8+$0x280] =	vst v10  }
0x1a2: {  	v23 =	vld [tilespmem:s5+$0x80];
	[tilespmem:s8+$0x300] =	vst v22  }
0x1a3: {  	v25 =	vld [tilespmem:s5+$0x100];
	[tilespmem:s8+$0x380] =	vst v24  }
0x1a4: {  	v10 =	vld [tilespmem:s29+$0x1C400]  }
0x1a5: {  	s12 =	sadd.s32 s13, s25;
	v27 =	vld [tilespmem:s29+$0x1C480]  }
0x1a6: {  	v26 =	vld [tilespmem:s5+$0x180];
	s13 =	sadd.s32 s30, s12;
	v13 =	vmul.f32 v62, v3;
	v15 =	vmul.f32 v20, v4  }
0x1a7: {  	v29 =	vld [tilespmem:s13+$0x0]  }
0x1a8: {  	v28 =	vmul.f32 $2.771281240e+01, v21;
	v13 =	vadd.f32 v15, v13;
	v30 =	vld [tilespmem:s13+$0x80]  }
0x1a9: {  	v14 =	vmul.f32 $2.771281240e+01, v23;
	v11 =	vmul.f32 $2.771281240e+01, v25;
	v31 =	vld [tilespmem:s13+$0x100]  }
0x1aa: {  	v20 =	vld [tilespmem:s13+$0x180];
	v15 =	vadd.f32 v13, v28;
	v10 =	vmul.f32 v10, v5;
	v16 =	vmul.f32 v27, v6  }
0x1ab: {  	v12 =	vmul.f32 $2.771281240e+01, v26;
	v14 =	vadd.f32 v14, v13  }
0x1ac: {  	v11 =	vadd.f32 v11, v13;
	[tilespmem:s5+$0x0] =	vst v15;
	v32 =	vmul.f32 $2.771281240e+01, v29;
	v10 =	vadd.f32 v16, v10  }
0x1ad: {  	v12 =	vadd.f32 v12, v13;
	[tilespmem:s5+$0x80] =	vst v14;
	v33 =	vmul.f32 $2.771281240e+01, v30  }
0x1ae: {  	[tilespmem:s5+$0x100] =	vst v11;
	v35 =	vmul.f32 $2.771281240e+01, v31;
	v34 =	vadd.f32 v10, v32  }
0x1af: {  	v39 =	vld [tilespmem:s5+$0x380];
	[tilespmem:s5+$0x180] =	vst v12;
	v36 =	vmul.f32 $2.771281240e+01, v20;
	v11 =	vadd.f32 v33, v10  }
0x1b0: {  	v14 =	vld [tilespmem:s24+$0x1CA00];
	v38 =	vadd.f32 v35, v10;
	[tilespmem:s13+$0x0] =	vst v34  }
0x1b1: {  	v37 =	vld [tilespmem:s24+$0x1CA80];
	v10 =	vadd.f32 v36, v10;
	[tilespmem:s13+$0x80] =	vst v11  }
0x1b2: {  	v40 =	vld [tilespmem:s5+$0x200];
	[tilespmem:s13+$0x100] =	vst v38  }
0x1b3: {  	v41 =	vld [tilespmem:s5+$0x280];
	[tilespmem:s13+$0x180] =	vst v10  }
0x1b4: {  	v10 =	vld [tilespmem:s29+$0x1CA00]  }
0x1b5: {  	v42 =	vld [tilespmem:s29+$0x1CA80]  }
0x1b6: {  	v44 =	vld [tilespmem:s5+$0x300];
	v3 =	vmul.f32 v14, v3;
	v43 =	vmul.f32 v37, v4  }
0x1b7: {  	v45 =	vld [tilespmem:s13+$0x380]  }
0x1b8: {  	v8 =	vadd.f32 v8, v7;
	v46 =	vmul.f32 $2.771281240e+01, v39;
	v3 =	vadd.f32 v43, v3  }
0x1b9: {  	v48 =	vadd.f32 v9, v7;
	v49 =	vmul.f32 $2.771281240e+01, v40;
	v50 =	vmul.f32 $2.771281240e+01, v41  }
0x1ba: {  	[tilespmem:s6+$0x280] =	vst v8;
	v47 =	vld [tilespmem:s13+$0x200];
	v4 =	vadd.f32 v46, v3;
	v52 =	vmul.f32 v10, v5;
	v53 =	vmul.f32 v42, v6  }
0x1bb: {  	[tilespmem:s6+$0x300] =	vst v48;
	v56 =	vmul.f32 $2.771281240e+01, v44;
	v51 =	vld [tilespmem:s13+$0x280];
	v55 =	vadd.f32 v3, v49  }
0x1bc: {  	v54 =	vld [tilespmem:s13+$0x300];
	v58 =	vmul.f32 $2.771281240e+01, v45;
	v57 =	vadd.f32 v50, v3;
	[tilespmem:s5+$0x380] =	vst v4;
	v5 =	vadd.f32 v53, v52  }
0x1bd: {  	v3 =	vadd.f32 v56, v3;
	[tilespmem:s5+$0x200] =	vst v55  }
0x1be: {  	[tilespmem:s5+$0x280] =	vst v57;
	v60 =	vadd.f32 v58, v5  }
0x1bf: {  	v59 =	vmul.f32 $2.771281240e+01, v47;
	[tilespmem:s5+$0x300] =	vst v3  }
0x1c0: {  	v61 =	vmul.f32 $2.771281240e+01, v51;
	[tilespmem:s13+$0x380] =	vst v60  }
0x1c1: {  	s16 =	sshll.u32 s19, $0x3;
	v62 =	vmul.f32 $2.771281240e+01, v54;
	v3 =	vadd.f32 v5, v59;
	s5 =	rddreg [dreg:$0x6]  }
0x1c2: {  	v63 =	vadd.f32 v61, v5;
	s3 =	sadd.s32 s5, s16  }
0x1c3: {  	[tilespmem:s13+$0x200] =	vst v3;
	v3 =	vadd.f32 v62, v5;
	s5 =	smul.u32 $0x180, s3  }
0x1c4: {  	s9 =	rddreg [dreg:$0x2];
	[tilespmem:s13+$0x280] =	vst v63  }
0x1c5: {  	[tilespmem:s13+$0x300] =	vst v3;
	s17 =	sadd.s32 s9, s5  }
0x1c6: {  	[hbm4b:s17+s4] =	stream.linear.scatter [tilespmem:s21], [sflag:$0x3], $0x200, $0x38;
	[tilespmem:$0x1D000] =	vst v63  }
0x1c7: {  	s7 =	sadd.s32 $0xC00, s20;
	s18 =	sadd.s32 $0x40, s17  }
0x1c8: {  	[hbm4b:s18+s4] =	stream.linear.scatter [tilespmem:s7], [sflag:$0x3], $0x200, $0x38;
	[tilespmem:$0x1D000] =	vst v63  }
0x1c9: {  	s21 =	sadd.s32 $0x1000, s20;
	s24 =	sadd.s32 $0x80, s17  }
0x1ca: {  	[hbm4b:s24+s4] =	stream.linear.scatter [tilespmem:s21], [sflag:$0x3], $0x200, $0x38;
	[tilespmem:$0x1D000] =	vst v63  }
0x1cb: {  	s26 =	sadd.s32 $0x1400, s20;
	s28 =	sadd.s32 $0xC0, s17  }
0x1cc: {  	[hbm4b:s28+s4] =	stream.linear.scatter [tilespmem:s26], [sflag:$0x3], $0x200, $0x38;
	[tilespmem:$0x1D000] =	vst v63  }
0x1cd: {  	s29 =	sadd.s32 $0x1800, s20;
	s30 =	sadd.s32 $0x100, s17  }
0x1ce: {  	[hbm4b:s30+s4] =	stream.linear.scatter [tilespmem:s29], [sflag:$0x3], $0x200, $0x38;
	[tilespmem:$0x1D000] =	vst v63  }
0x1cf: {  	s8 =	sadd.s32 $0x1C00, s20;
	s6 =	sadd.s32 $0x140, s17  }
0x1d0: {  	[hbm4b:s6+s4] =	stream.linear.scatter [tilespmem:s8], [sflag:$0x3], $0x200, $0x38;
	[tilespmem:$0x1D000] =	vst v63  }
0x1d1: {  	s13 =	sadd.s32 $0xA00, s20;
	s12 =	sadd.s32 s5, s14  }
0x1d2: {  	[hbm4b:s12+s4] =	stream.linear.scatter [tilespmem:s13], [sflag:$0x3], $0x200, $0x38;
	[tilespmem:$0x1D000] =	vst v63  }
0x1d3: {  	s16 =	sadd.s32 $0xE00, s20;
	s17 =	sadd.s32 $0x40, s12  }
0x1d4: {  	[hbm4b:s17+s4] =	stream.linear.scatter [tilespmem:s16], [sflag:$0x3], $0x200, $0x38;
	[tilespmem:$0x1D000] =	vst v63  }
0x1d5: {  	s18 =	sadd.s32 $0x1200, s20;
	s21 =	sadd.s32 $0x80, s12  }
0x1d6: {  	[hbm4b:s21+s4] =	stream.linear.scatter [tilespmem:s18], [sflag:$0x3], $0x200, $0x38;
	[tilespmem:$0x1D000] =	vst v63  }
0x1d7: {  	s24 =	sadd.s32 $0x1600, s20;
	s26 =	sadd.s32 $0xC0, s12  }
0x1d8: {  	[hbm4b:s26+s4] =	stream.linear.scatter [tilespmem:s24], [sflag:$0x3], $0x200, $0x38;
	[tilespmem:$0x1D000] =	vst v63  }
0x1d9: {  	s28 =	sadd.s32 $0x1A00, s20;
	s29 =	sadd.s32 $0x100, s12  }
0x1da: {  	[hbm4b:s29+s4] =	stream.linear.scatter [tilespmem:s28], [sflag:$0x3], $0x200, $0x38;
	[tilespmem:$0x1D000] =	vst v63  }
0x1db: {  	s30 =	sadd.s32 $0x1E00, s20;
	s6 =	sadd.s32 $0x140, s12  }
0x1dc: {  	[hbm4b:s6+s4] =	stream.linear.scatter [tilespmem:s30], [sflag:$0x3], $0x200, $0x38;
	[tilespmem:$0x1D000] =	vst v63  }
0x1dd: {  	s5 =	sadd.s32 s5, s15  }
0x1de: {  	[hbm4b:s5+s4] =	stream.linear.scatter [tilespmem:s22], [sflag:$0x3], $0x200, $0x38;
	[tilespmem:$0x1D000] =	vst v63  }
0x1df: {  	s7 =	sadd.s32 $0x2400, s20;
	s8 =	sadd.s32 $0x40, s5  }
0x1e0: {  	[hbm4b:s8+s4] =	stream.linear.scatter [tilespmem:s7], [sflag:$0x3], $0x200, $0x38;
	[tilespmem:$0x1D000] =	vst v63  }
0x1e1: {  	s12 =	sadd.s32 $0x2800, s20;
	s13 =	sadd.s32 $0x80, s5  }
0x1e2: {  	[hbm4b:s13+s4] =	stream.linear.scatter [tilespmem:s12], [sflag:$0x3], $0x200, $0x38;
	[tilespmem:$0x1D000] =	vst v63  }
0x1e3: {  	s16 =	sadd.s32 $0x2C00, s20;
	s17 =	sadd.s32 $0xC0, s5  }
0x1e4: {  	[hbm4b:s17+s4] =	stream.linear.scatter [tilespmem:s16], [sflag:$0x3], $0x200, $0x38;
	[tilespmem:$0x1D000] =	vst v63  }
0x1e5: {  	s3 =	smul.u32 $0xC00, s3;
	s18 =	sadd.s32 $0x3000, s20;
	s21 =	sadd.s32 $0x100, s5  }
0x1e6: {  	[hbm4b:s21+s4] =	stream.linear.scatter [tilespmem:s18], [sflag:$0x3], $0x200, $0x38;
	[tilespmem:$0x1D000] =	vst v63  }
0x1e7: {  	s3 =	sshrl.u32 s3, $0x3;
	s22 =	sadd.s32 $0x3400, s20;
	s5 =	sadd.s32 $0x140, s5  }
0x1e8: {  	[hbm4b:s5+s4] =	stream.linear.scatter [tilespmem:s22], [sflag:$0x3], $0x200, $0x38;
	[tilespmem:$0x1D000] =	vst v63  }
0x1e9: {  	s5 =	sadd.s32 s9, s3  }
0x1ea: {  	s24 =	sadd.s32 $0x2200, s20;
	s3 =	sadd.s32 $0x480, s5  }
0x1eb: {  	[hbm4b:s3+s4] =	stream.linear.scatter [tilespmem:s24], [sflag:$0x3], $0x200, $0x38;
	[tilespmem:$0x1D000] =	vst v63  }
0x1ec: {  	s26 =	sadd.s32 $0x2600, s20;
	s28 =	sadd.s32 $0x4C0, s5  }
0x1ed: {  	[hbm4b:s28+s4] =	stream.linear.scatter [tilespmem:s26], [sflag:$0x3], $0x200, $0x38;
	[tilespmem:$0x1D000] =	vst v63  }
0x1ee: {  	s29 =	sadd.s32 $0x2A00, s20;
	s30 =	sadd.s32 $0x500, s5  }
0x1ef: {  	[hbm4b:s30+s4] =	stream.linear.scatter [tilespmem:s29], [sflag:$0x3], $0x200, $0x38;
	[tilespmem:$0x1D000] =	vst v63  }
0x1f0: {  	s6 =	sadd.s32 $0x2E00, s20;
	s7 =	sadd.s32 $0x540, s5  }
0x1f1: {  	[hbm4b:s7+s4] =	stream.linear.scatter [tilespmem:s6], [sflag:$0x3], $0x200, $0x38;
	[tilespmem:$0x1D000] =	vst v63  }
0x1f2: {  	s8 =	sadd.s32 $0x3200, s20;
	s9 =	sadd.s32 $0x580, s5  }
0x1f3: {  	[hbm4b:s9+s4] =	stream.linear.scatter [tilespmem:s8], [sflag:$0x3], $0x200, $0x38;
	[tilespmem:$0x1D000] =	vst v63  }
0x1f4: {  	s12 =	sadd.s32 $0x3600, s20;
	s13 =	sadd.s32 $0x5C0, s5  }
0x1f5: {  	[hbm4b:s13+s4] =	stream.linear.scatter [tilespmem:s12], [sflag:$0x3], $0x200, $0x38;
	[tilespmem:$0x1D000] =	vst v63  }
0x1f6: {  	s16 =	sadd.s32 $0x600, s5  }
0x1f7: {  	[hbm4b:s16+s4] =	stream.linear.scatter [tilespmem:s23], [sflag:$0x3], $0x200, $0x38;
	[tilespmem:$0x1D000] =	vst v63  }
0x1f8: {  	s17 =	sadd.s32 $0x3C00, s20;
	s18 =	sadd.s32 $0x640, s5  }
0x1f9: {  	[hbm4b:s18+s4] =	stream.linear.scatter [tilespmem:s17], [sflag:$0x3], $0x200, $0x38;
	[tilespmem:$0x1D000] =	vst v63  }
0x1fa: {  	s21 =	sadd.s32 $0x4000, s20;
	s22 =	sadd.s32 $0x680, s5  }
0x1fb: {  	[hbm4b:s22+s4] =	stream.linear.scatter [tilespmem:s21], [sflag:$0x3], $0x200, $0x38;
	[tilespmem:$0x1D000] =	vst v63  }
0x1fc: {  	s24 =	sadd.s32 $0x6C0, s5;
	s23 =	sadd.s32 $0x4400, s20  }
0x1fd: {  	[hbm4b:s24+s4] =	stream.linear.scatter [tilespmem:s23], [sflag:$0x3], $0x200, $0x38;
	[tilespmem:$0x1D000] =	vst v63  }
0x1fe: {  	s26 =	sadd.s32 $0x4800, s20;
	s28 =	sadd.s32 $0x700, s5  }
0x1ff: {  	[hbm4b:s28+s4] =	stream.linear.scatter [tilespmem:s26], [sflag:$0x3], $0x200, $0x38;
	[tilespmem:$0x1D000] =	vst v63  }
0x200: {  	s29 =	sadd.s32 $0x4C00, s20;
	s30 =	sadd.s32 $0x740, s5  }
0x201: {  	[hbm4b:s30+s4] =	stream.linear.scatter [tilespmem:s29], [sflag:$0x3], $0x200, $0x38;
	[tilespmem:$0x1D000] =	vst v63  }
0x202: {  	s6 =	sadd.s32 $0x780, s5;
	s7 =	sadd.s32 $0x3A00, s20  }
0x203: {  	[hbm4b:s6+s4] =	stream.linear.scatter [tilespmem:s7], [sflag:$0x3], $0x200, $0x38;
	[tilespmem:$0x1D000] =	vst v63  }
0x204: {  	s8 =	sadd.s32 $0x3E00, s20;
	s9 =	sadd.s32 $0x7C0, s5  }
0x205: {  	[hbm4b:s9+s4] =	stream.linear.scatter [tilespmem:s8], [sflag:$0x3], $0x200, $0x38;
	[tilespmem:$0x1D000] =	vst v63  }
0x206: {  	s12 =	sadd.s32 $0x4200, s20;
	s13 =	sadd.s32 $0x800, s5  }
0x207: {  	[hbm4b:s13+s4] =	stream.linear.scatter [tilespmem:s12], [sflag:$0x3], $0x200, $0x38;
	[tilespmem:$0x1D000] =	vst v63  }
0x208: {  	s16 =	sadd.s32 $0x4600, s20;
	s17 =	sadd.s32 $0x840, s5  }
0x209: {  	[hbm4b:s17+s4] =	stream.linear.scatter [tilespmem:s16], [sflag:$0x3], $0x200, $0x38;
	[tilespmem:$0x1D000] =	vst v63  }
0x20a: {  	s18 =	sadd.s32 $0x4A00, s20;
	s21 =	sadd.s32 $0x880, s5  }
0x20b: {  	[hbm4b:s21+s4] =	stream.linear.scatter [tilespmem:s18], [sflag:$0x3], $0x200, $0x38;
	[tilespmem:$0x1D000] =	vst v63  }
0x20c: {  	s22 =	sadd.s32 $0x4E00, s20;
	s23 =	sadd.s32 $0x8C0, s5  }
0x20d: {  	[hbm4b:s23+s4] =	stream.linear.scatter [tilespmem:s22], [sflag:$0x3], $0x200, $0x38;
	[tilespmem:$0x1D000] =	vst v63  }
0x20e: {  	s24 =	sadd.s32 $0x900, s5  }
0x20f: {  	[hbm4b:s24+s4] =	stream.linear.scatter [tilespmem:s25], [sflag:$0x3], $0x200, $0x38;
	[tilespmem:$0x1D000] =	vst v63  }
0x210: {  	s26 =	sadd.s32 $0x5400, s20;
	s28 =	sadd.s32 $0x940, s5  }
0x211: {  	[hbm4b:s28+s4] =	stream.linear.scatter [tilespmem:s26], [sflag:$0x3], $0x200, $0x38;
	[tilespmem:$0x1D000] =	vst v63  }
0x212: {  	s29 =	sadd.s32 $0x5800, s20;
	s30 =	sadd.s32 $0x980, s5  }
0x213: {  	[hbm4b:s30+s4] =	stream.linear.scatter [tilespmem:s29], [sflag:$0x3], $0x200, $0x38;
	[tilespmem:$0x1D000] =	vst v63  }
0x214: {  	s7 =	sadd.s32 $0x5C00, s20;
	s8 =	sadd.s32 $0x9C0, s5  }
0x215: {  	[hbm4b:s8+s4] =	stream.linear.scatter [tilespmem:s7], [sflag:$0x3], $0x200, $0x38;
	[tilespmem:$0x1D000] =	vst v63  }
0x216: {  	s9 =	sadd.s32 $0x6000, s20;
	s12 =	sadd.s32 $0xA00, s5  }
0x217: {  	[hbm4b:s12+s4] =	stream.linear.scatter [tilespmem:s9], [sflag:$0x3], $0x200, $0x38;
	[tilespmem:$0x1D000] =	vst v63  }
0x218: {  	s13 =	sadd.s32 $0x6400, s20;
	s16 =	sadd.s32 $0xA40, s5  }
0x219: {  	[hbm4b:s16+s4] =	stream.linear.scatter [tilespmem:s13], [sflag:$0x3], $0x200, $0x38;
	[tilespmem:$0x1D000] =	vst v63  }
0x21a: {  	s17 =	sadd.s32 $0xA80, s5;
	s18 =	sadd.s32 $0x5200, s20  }
0x21b: {  	[hbm4b:s17+s4] =	stream.linear.scatter [tilespmem:s18], [sflag:$0x3], $0x200, $0x38;
	[tilespmem:$0x1D000] =	vst v63  }
0x21c: {  	s21 =	sadd.s32 $0x5600, s20;
	s22 =	sadd.s32 $0xAC0, s5  }
0x21d: {  	[hbm4b:s22+s4] =	stream.linear.scatter [tilespmem:s21], [sflag:$0x3], $0x200, $0x38;
	[tilespmem:$0x1D000] =	vst v63  }
0x21e: {  	s19 =	sadd.s32 $0x1, s19;
	s23 =	sadd.s32 $0x5A00, s20;
	s24 =	sadd.s32 $0xB00, s5  }
0x21f: {  	[hbm4b:s24+s4] =	stream.linear.scatter [tilespmem:s23], [sflag:$0x3], $0x200, $0x38;
	[tilespmem:$0x1D000] =	vst v63  }
0x220: {  	p0 =	sne.s32 s19, $0x10;
	s25 =	sadd.s32 $0x5E00, s20;
	s26 =	sadd.s32 $0xB40, s5  }
0x221: {  	[hbm4b:s26+s4] =	stream.linear.scatter [tilespmem:s25], [sflag:$0x3], $0x200, $0x38;
	[tilespmem:$0x1D000] =	vst v63  }
.Ltmp2:
0x222: {  	_ = 	snop;
	(pc) =	sbr.rel @p0 .LBB2_2-.Ltmp2, $4  }
0x223: {  	s28 =	sadd.s32 $0x6200, s20;
	s29 =	sadd.s32 $0xB80, s5  }
0x224: {  	[hbm4b:s29+s4] =	stream.linear.scatter [tilespmem:s28], [sflag:$0x3], $0x200, $0x38;
	[tilespmem:$0x1D000] =	vst v63  }
0x225: {  	s30 =	sadd.s32 $0x6600, s20;
	s5 =	sadd.s32 $0xBC0, s5  }
0x226: {  	[hbm4b:s5+s4] =	stream.linear.scatter [tilespmem:s30], [sflag:$0x3], $0x200, $0x38;
	[tilespmem:$0x1D000] =	vst v63  }
0x227: {  	_ =	swait.ge [sflag:s1], $0xC00  }
0x228: {  	[sflag:s1] =	ssyncset.done $0x0  }
0x229: {  	[sflag:s1] =	ssyncadd.s32 $0xFFFFF400  }
0x22a: {  	_ =	swait.ge [sflag:s1], $0xC00  }
0x22b: {  	[sflag:s1] =	ssyncset.done $0x0  }
0x22c: {  	[sflag:s1] =	ssyncadd.s32 $0xFFFFF400  }
0x22d: {  	_ =	swait.ge [sflag:s1], $0xC00  }
0x22e: {  	[sflag:s1] =	ssyncset.done $0x0  }
0x22f: {  	[sflag:s1] =	ssyncadd.s32 $0xFFFFF400  }
0x230: {  	_ =	swait.ge [sflag:s1], $0xC00  }
0x231: {  	[sflag:s1] =	ssyncset.done $0x0  }
0x232: {  	[sflag:s1] =	ssyncadd.s32 $0xFFFFF400  }
0x233: {  	_ =	swait.ge [sflag:s1], $0xC00  }
0x234: {  	[sflag:s1] =	ssyncset.done $0x0  }
0x235: {  	[sflag:s1] =	ssyncadd.s32 $0xFFFFF400  }
0x236: {  	_ =	swait.ge [sflag:s1], $0xC00  }
0x237: {  	[sflag:s1] =	ssyncset.done $0x0  }
0x238: {  	[sflag:s1] =	ssyncadd.s32 $0xFFFFF400  }
0x239: {  	_ =	swait.ge [sflag:s1], $0xC00  }
0x23a: {  	[sflag:s1] =	ssyncset.done $0x0  }
0x23b: {  	[sflag:s1] =	ssyncadd.s32 $0xFFFFF400  }
0x23c: {  	_ =	swait.ge [sflag:s1], $0xC00  }
0x23d: {  	[sflag:s1] =	ssyncset.done $0x0  }
0x23e: {  	[sflag:s1] =	ssyncadd.s32 $0xFFFFF400  }
0x23f: {  	_ =	swait.ge [sflag:s1], $0xC00  }
0x240: {  	[sflag:s1] =	ssyncset.done $0x0  }
0x241: {  	[sflag:s1] =	ssyncadd.s32 $0xFFFFF400  }
0x242: {  	_ =	swait.ge [sflag:s1], $0xC00  }
0x243: {  	[sflag:s1] =	ssyncset.done $0x0  }
0x244: {  	[sflag:s1] =	ssyncadd.s32 $0xFFFFF400  }
0x245: {  	_ =	swait.ge [sflag:s1], $0xC00  }
0x246: {  	[sflag:s1] =	ssyncset.done $0x0  }
0x247: {  	[sflag:s1] =	ssyncadd.s32 $0xFFFFF400  }
0x248: {  	_ =	swait.ge [sflag:s1], $0xC00  }
0x249: {  	[sflag:s1] =	ssyncset.done $0x0  }
0x24a: {  	[sflag:s1] =	ssyncadd.s32 $0xFFFFF400  }
0x24b: {  	_ =	swait.ge [sflag:s1], $0xC00  }
0x24c: {  	[sflag:s1] =	ssyncset.done $0x0  }
0x24d: {  	[sflag:s1] =	ssyncadd.s32 $0xFFFFF400  }
0x24e: {  	_ =	swait.ge [sflag:s1], $0xC00  }
0x24f: {  	[sflag:s1] =	ssyncset.done $0x0  }
0x250: {  	[sflag:s1] =	ssyncadd.s32 $0xFFFFF400  }
0x251: {  	_ =	swait.ge [sflag:s1], $0xC00  }
0x252: {  	[sflag:s1] =	ssyncset.done $0x0  }
0x253: {  	[sflag:s1] =	ssyncadd.s32 $0xFFFFF400  }
0x254: {  	_ =	swait.ge [sflag:s1], $0xC00  }
0x255: {  	[sflag:s1] =	ssyncset.done $0x0  }
0x256: {  	[sflag:s1] =	ssyncadd.s32 $0xFFFFF400  }
0x257: {  	_ =	swait.ge [sflag:s1], $0xC00  }
0x258: {  	[sflag:s1] =	ssyncset.done $0x0  }
0x259: {  	[sflag:s1] =	ssyncadd.s32 $0xFFFFF400  }
0x25a: {  	_ =	swait.ge [sflag:s1], $0xC00  }
0x25b: {  	[sflag:s1] =	ssyncset.done $0x0  }
0x25c: {  	[sflag:s1] =	ssyncadd.s32 $0xFFFFF400  }
0x25d: {  	_ =	swait.ge [sflag:s1], $0xC00  }
0x25e: {  	[sflag:s1] =	ssyncset.done $0x0  }
0x25f: {  	[sflag:s1] =	ssyncadd.s32 $0xFFFFF400  }
0x260: {  	_ =	swait.ge [sflag:s1], $0xC00  }
0x261: {  	[sflag:s1] =	ssyncset.done $0x0  }
0x262: {  	[sflag:s1] =	ssyncadd.s32 $0xFFFFF400  }
0x263: {  	_ =	swait.ge [sflag:s1], $0xC00  }
0x264: {  	[sflag:s1] =	ssyncset.done $0x0  }
0x265: {  	[sflag:s1] =	ssyncadd.s32 $0xFFFFF400  }
0x266: {  	_ =	swait.ge [sflag:s1], $0xC00  }
0x267: {  	[sflag:s1] =	ssyncset.done $0x0  }
0x268: {  	[sflag:s1] =	ssyncadd.s32 $0xFFFFF400  }
0x269: {  	_ =	swait.ge [sflag:s1], $0xC00  }
0x26a: {  	[sflag:s1] =	ssyncset.done $0x0  }
0x26b: {  	[sflag:s1] =	ssyncadd.s32 $0xFFFFF400  }
0x26c: {  	_ =	swait.ge [sflag:s1], $0xC00  }
0x26d: {  	[sflag:s1] =	ssyncset.done $0x0  }
0x26e: {  	[sflag:s1] =	ssyncadd.s32 $0xFFFFF400  }
0x26f: {  	_ =	swait.ge [sflag:s1], $0xC00  }
0x270: {  	[sflag:s1] =	ssyncset.done $0x0  }
0x271: {  	[sflag:s1] =	ssyncadd.s32 $0xFFFFF400  }
0x272: {  	_ =	swait.ge [sflag:s1], $0xC00  }
0x273: {  	[sflag:s1] =	ssyncset.done $0x0  }
0x274: {  	[sflag:s1] =	ssyncadd.s32 $0xFFFFF400  }
0x275: {  	_ =	swait.ge [sflag:s1], $0xC00  }
0x276: {  	[sflag:s1] =	ssyncset.done $0x0  }
0x277: {  	[sflag:s1] =	ssyncadd.s32 $0xFFFFF400  }
0x278: {  	_ =	swait.ge [sflag:s1], $0xC00  }
0x279: {  	[sflag:s1] =	ssyncset.done $0x0  }
0x27a: {  	[sflag:s1] =	ssyncadd.s32 $0xFFFFF400  }
0x27b: {  	_ =	swait.ge [sflag:s1], $0xC00  }
0x27c: {  	[sflag:s1] =	ssyncset.done $0x0  }
0x27d: {  	[sflag:s1] =	ssyncadd.s32 $0xFFFFF400  }
0x27e: {  	_ =	swait.ge [sflag:s1], $0xC00  }
0x27f: {  	[sflag:s1] =	ssyncset.done $0x0  }
0x280: {  	[sflag:s1] =	ssyncadd.s32 $0xFFFFF400  }
0x281: {  	_ =	swait.ge [sflag:s1], $0xC00  }
0x282: {  	[sflag:s1] =	ssyncset.done $0x0  }
0x283: {  	[sflag:s1] =	ssyncadd.s32 $0xFFFFF400  }
0x284: {  	_ =	swait.ge [sflag:s1], $0xC00  }
0x285: {  	s5 =	rddreg [dreg:$0xc]  }
0x286: {  	s3 =	rddreg [dreg:$0xb];
	s5 =	sadd.s32 $0x1, s5  }
0x287: {  	p0 =	sne.s32 s5, s3  }
.Ltmp3:
0x288: {  	_ = 	snop;
	(pc) =	sbr.rel @p0 .LBB2_1-.Ltmp3, $3  }
0x289: {  	_ =	sdelay $0x1  }
0x28a: {  	[sflag:s1] =	ssyncset.done $0x0  }
0x28b: {  	[sflag:s1] =	ssyncadd.s32 $0xFFFFF400  }
0x28c: {  	_ =	sfence.sel $0x180000  }
0x28d: {  	[bflag:$0x0] =	sbarrier.arrive $0xFFFF  }
0x28e: {  	_ =	strace $0x90000047  }
0x28f: {  	s0 =	stileid.u32;
	[bflag:$0x2] =	sbarrier.arrive $0xFFFF  }
0x290: {  	p0 =	sne.s32 s0, $0x0;
	s0 =	rddreg [dreg:$0x3]  }
0x291: {  	s0 =	sadd.s32 @!p0 $0x100000, s0  }
0x292: {  	[sflag:s0] =	ssyncadd.tile.s32 @!p0 $0x1;
	_ =	shalt  }
.Lfunc_end2:
_tile_overlayer_lowered:
.L_overlay_start_2:
0x293: {  	(tag) =	ssettag $0x2  }
0x294: {  	s0 =	rddreg [dreg:$0x0];
	s2 =	stileid.u32  }
0x295: {  	s1 =	rddreg [dreg:$0x1];
	p0 =	sne.s32 s2, $0x0  }
0x296: {  	s3 =	rddreg [dreg:$0x2];
	[bflag:$0x3] =	sbarrier.arrive $0xFFFF;
	s2 =	simm.s32 @!p0 $0x1C04  }
0x297: {  	[timem:s3], [sflag:s2] =	dma.local @!p0 [hbm:s0], s1  }
0x298: {  	s0 =	simm.s32 @!p0 $0x4  }
0x299: {  	_ =	swait.ge @!p0 [sflag:s0], s1  }
0x29a: {  	s1 =	ssub.s32 @!p0 $0x0, s1;
	[sflag:s0] =	ssyncset.done @!p0 $0x0  }
0x29b: {  	[sflag:s0] =	ssyncadd.s32 @!p0 s1  }
0x29c: {  	[bflag:$0x3] =	sbarrier.arrive $0xFFFF  }
0x29d: {  	_ =	shalt  }

</sc_bundles>
